<compile_context>
chip_gen: v7x
topology: tpu7x:2x2x1
jax: 0.10.2.dev20260603
libtpu: 0.0.44.dev20260713+nightly
codegen_flags: <defaults>
</compile_context>

<pallas_src>
import jax
import jax.numpy as jnp
from jax import lax
from jax.experimental import pallas as pl
from jax.experimental.pallas import tpu as pltpu
from jax.experimental.pallas import tpu_sc as plsc

B = 2048
D = 768
E = 16
H = 256

NC = 2
NS = 16
NW = NC * NS
CPT = B // NW
L = 16

BLK = 128
MAXB = B // BLK + E
NPAD = MAXB * BLK
NUSED_LANE = 32


GB = B


def _gating_body(x_ref, Wg_ref, bg_ref, bias_ref, logits_ref, idx_ref,
                 idx1_ref):
    g = jnp.dot(x_ref[...], Wg_ref[...], preferred_element_type=jnp.float32)
    g = g + bg_ref[...]
    logits_ref[...] = g
    bsd = g + bias_ref[...]
    m = jnp.max(bsd, axis=1, keepdims=True)
    ids = lax.broadcasted_iota(jnp.int32, (GB, E), 1)
    cand = jnp.where(bsd == m, ids, E)
    am = jnp.min(cand, axis=1, keepdims=True)
    idx_ref[...] = am
    idx1_ref[...] = am.reshape(GB)


def _gating(x, Wg, bg, bias):
    return pl.pallas_call(
        _gating_body,
        grid=(B // GB,),
        in_specs=[
            pl.BlockSpec((GB, D), lambda j: (j, 0)),
            pl.BlockSpec((D, E), lambda j: (0, 0)),
            pl.BlockSpec((1, E), lambda j: (0, 0)),
            pl.BlockSpec((1, E), lambda j: (0, 0)),
        ],
        out_specs=[
            pl.BlockSpec((GB, E), lambda j: (j, 0)),
            pl.BlockSpec((GB, 1), lambda j: (j, 0)),
            pl.BlockSpec((GB,), lambda j: (j,)),
        ],
        out_shape=[
            jax.ShapeDtypeStruct((B, E), jnp.float32),
            jax.ShapeDtypeStruct((B, 1), jnp.int32),
            jax.ShapeDtypeStruct((B,), jnp.int32),
        ],
    )(x, Wg, bg.reshape(1, E), bias)


def _route_body(x_hbm, idx_hbm, xs_hbm, pos_hbm, bexp_hbm,
                xrows, idxall, cnt_ref, base_ref, tot_ref, bc_ref, mark_ref,
                posv, bexp_v, sem_x, sem_sc):
    c = lax.axis_index("c")
    s = lax.axis_index("s")
    wid = s * NC + c
    tbase = wid * CPT

    cp_x = pltpu.async_copy(x_hbm.at[pl.ds(tbase, CPT)], xrows, sem_x)
    pltpu.sync_copy(idx_hbm, idxall)

    zeros16 = jnp.zeros((L,), jnp.int32)
    ones16 = jnp.ones((L,), jnp.int32)
    cnt_ref[...] = zeros16
    base_ref[...] = zeros16
    tot_ref[...] = zeros16

    nvec = B // L
    before = wid * (CPT // L)
    for v in range(nvec):
        ev = idxall[pl.ds(v * L, L)]
        plsc.addupdate_scatter(tot_ref, [ev], ones16)
        in_before = jnp.full((L,), v < before)
        plsc.addupdate_scatter(base_ref, [ev], ones16, mask=in_before)

    pranks = []
    mvs = []
    for g in range(CPT // L):
        mv = idxall[pl.ds(tbase + g * L, L)]
        ofs = plsc.load_gather(cnt_ref, [mv])
        wr = zeros16
        for b in range(E):
            m = mv == b
            cs = plsc.cumsum(m.astype(jnp.int32))
            wr = jnp.where(m, cs - 1, wr)
        pranks.append(ofs + wr)
        mvs.append(mv)
        plsc.addupdate_scatter(cnt_ref, [mv], ones16)

    tot = tot_ref[...]
    nblk = (tot + (BLK - 1)) // BLK
    incl = plsc.cumsum(nblk)
    excl = incl - nblk
    bc_ref[...] = excl * BLK + base_ref[...]

    for g in range(CPT // L):
        pv = plsc.load_gather(bc_ref, [mvs[g]]) + pranks[g]
        posv[pl.ds(g * L, L)] = pv

    pltpu.sync_copy(posv, pos_hbm.at[pl.ds(tbase, CPT)])

    cp_x.wait()
    pltpu.async_copy(xrows, xs_hbm.at[posv], sem_sc).wait()

    @pl.when(wid == 0)
    def _():
        n_used = jnp.sum(nblk)
        lanes = jnp.arange(L, dtype=jnp.int32)
        mark_ref[pl.ds(0, L)] = zeros16
        mark_ref[pl.ds(L, L)] = zeros16
        plsc.store_scatter(mark_ref, [excl], lanes, mask=nblk > 0)
        cm0 = plsc.cummax(mark_ref[pl.ds(0, L)])
        carry = jnp.full((L,), jnp.max(cm0), jnp.int32)
        cm1 = jnp.maximum(plsc.cummax(mark_ref[pl.ds(L, L)]), carry)
        bexp_v[pl.ds(0, L)] = cm0
        bexp_v[pl.ds(L, L)] = cm1
        bexp_v[pl.ds(MAXB, L)] = jnp.full((L,), n_used, jnp.int32)
        pltpu.sync_copy(bexp_v, bexp_hbm)


def _route(x, idx_flat):
    mesh = plsc.VectorSubcoreMesh(core_axis_name="c", subcore_axis_name="s")
    f = pl.kernel(
        _route_body,
        out_type=[
            jax.ShapeDtypeStruct((NPAD, D), jnp.float32),
            jax.ShapeDtypeStruct((B,), jnp.int32),
            jax.ShapeDtypeStruct((MAXB + L,), jnp.int32),
        ],
        mesh=mesh,
        scratch_types=[
            pltpu.VMEM((CPT, D), jnp.float32),
            pltpu.VMEM((B,), jnp.int32),
            pltpu.VMEM((E,), jnp.int32),
            pltpu.VMEM((E,), jnp.int32),
            pltpu.VMEM((E,), jnp.int32),
            pltpu.VMEM((E,), jnp.int32),
            pltpu.VMEM((MAXB,), jnp.int32),
            pltpu.VMEM((CPT,), jnp.int32),
            pltpu.VMEM((MAXB + L,), jnp.int32),
            pltpu.SemaphoreType.DMA,
            pltpu.SemaphoreType.DMA,
        ],
        compiler_params=pltpu.CompilerParams(needs_layout_passes=False),
    )
    return f(x, idx_flat)


def _mlp_body(be_ref, xs_ref, w1_ref, b1_ref, w2_ref, b2_ref, ys_ref):
    j = pl.program_id(0)

    @pl.when(j < be_ref[NUSED_LANE])
    def _():
        e = be_ref[j]
        h = jnp.dot(xs_ref[...], w1_ref[0], preferred_element_type=jnp.float32)
        h = jnp.maximum(h + b1_ref[pl.ds(e, 1), :], 0.0)
        ys_ref[...] = (
            jnp.dot(h, w2_ref[0], preferred_element_type=jnp.float32)
            + b2_ref[pl.ds(e, 1), :]
        )


def _grouped_mlp(bexp, xs, W1, b1, W2, b2):
    def rowblk(j, be):
        return (jnp.minimum(j, be[NUSED_LANE] - 1), 0)

    grid_spec = pltpu.PrefetchScalarGridSpec(
        num_scalar_prefetch=1,
        grid=(MAXB,),
        in_specs=[
            pl.BlockSpec((BLK, D), rowblk),
            pl.BlockSpec((1, D, H), lambda j, be: (be[j], 0, 0)),
            pl.BlockSpec((E, H), lambda j, be: (0, 0)),
            pl.BlockSpec((1, H, D), lambda j, be: (be[j], 0, 0)),
            pl.BlockSpec((E, D), lambda j, be: (0, 0)),
        ],
        out_specs=pl.BlockSpec((BLK, D), rowblk),
    )
    return pl.pallas_call(
        _mlp_body,
        grid_spec=grid_spec,
        out_shape=jax.ShapeDtypeStruct((NPAD, D), jnp.float32),
    )(bexp, xs, W1, b1, W2, b2)


def _unsort_body(ys_hbm, pos_hbm, out_hbm, posv, rows, sem_g):
    c = lax.axis_index("c")
    s = lax.axis_index("s")
    wid = s * NC + c
    tbase = wid * CPT
    pltpu.sync_copy(pos_hbm.at[pl.ds(tbase, CPT)], posv)
    pltpu.async_copy(ys_hbm.at[posv], rows, sem_g).wait()
    pltpu.sync_copy(rows, out_hbm.at[pl.ds(tbase, CPT)])


def _unsort(ys, pos):
    mesh = plsc.VectorSubcoreMesh(core_axis_name="c", subcore_axis_name="s")
    f = pl.kernel(
        _unsort_body,
        out_type=jax.ShapeDtypeStruct((B, D), jnp.float32),
        mesh=mesh,
        scratch_types=[
            pltpu.VMEM((CPT,), jnp.int32),
            pltpu.VMEM((CPT, D), jnp.float32),
            pltpu.SemaphoreType.DMA,
        ],
        compiler_params=pltpu.CompilerParams(needs_layout_passes=False),
    )
    return f(ys, pos)


def kernel(x, Wg, bg, W1, b1, W2, b2, bias):
    logits, idx, idx1 = _gating(x, Wg, bg, bias)
    xs, pos, bexp = _route(x, idx1)
    ys = _grouped_mlp(bexp, xs, W1, b1, W2, b2)
    out = _unsort(ys, pos)
    return (out, logits, idx)

# --- scband reference (transcript-rebuilt; emitter-appended) ---
"""Pipeline reference for scband-sparse-mo-e-88510686036633 (READ-ONLY COPY).

The authoritative reference and input builder live on the scoring server;
editing this copy changes nothing except your own understanding.
"""

import jax, jax.numpy as jnp
import numpy as np

INPUT_DIM = 768
NUM_EXPERTS = 16
TOP_K = 1
HIDDEN_DIM = 256
OUTPUT_DIM = 768
BATCH = 2048


def setup_inputs(seed: int = 0) -> dict:
    key = jax.random.key(seed)
    ks = jax.random.split(key, 8)
    x = jax.random.normal(ks[0], (BATCH, INPUT_DIM), dtype=jnp.float32)
    Wg = jax.random.normal(ks[1], (INPUT_DIM, NUM_EXPERTS), dtype=jnp.float32) * (1.0 / np.sqrt(INPUT_DIM))
    bg = jnp.zeros((NUM_EXPERTS,), dtype=jnp.float32)
    W1 = jax.random.normal(ks[2], (NUM_EXPERTS, INPUT_DIM, HIDDEN_DIM), dtype=jnp.float32) * (1.0 / np.sqrt(INPUT_DIM))
    b1 = jnp.zeros((NUM_EXPERTS, HIDDEN_DIM), dtype=jnp.float32)
    W2 = jax.random.normal(ks[3], (NUM_EXPERTS, HIDDEN_DIM, OUTPUT_DIM), dtype=jnp.float32) * (1.0 / np.sqrt(HIDDEN_DIM))
    b2 = jnp.zeros((NUM_EXPERTS, OUTPUT_DIM), dtype=jnp.float32)
    bias = jnp.zeros((1, NUM_EXPERTS), dtype=jnp.float32)
    return {"x": x, "Wg": Wg, "bg": bg, "W1": W1, "b1": b1, "W2": W2, "b2": b2, "bias": bias}


def reference(x, Wg, bg, W1, b1, W2, b2, bias):
    # gating network (nn.Linear)
    gating_logits = x @ Wg + bg  # [B, E]
    biased_logits = gating_logits + bias  # buffer add
    _, indices = jax.lax.top_k(biased_logits, TOP_K)  # [B, k]
    gathered = jnp.take_along_axis(gating_logits, indices, axis=1)  # gather(1, indices)
    weights_for_gating = jax.nn.softmax(gathered, axis=-1)  # [B, k]
    batch_size = x.shape[0]
    flat_x = jnp.repeat(x, TOP_K, axis=0)  # repeat_interleave(top_k, dim=0)
    flat_indices = indices.reshape(-1)  # [B*k]
    expert_outputs = jnp.zeros((batch_size * TOP_K, OUTPUT_DIM), dtype=jnp.float32)
    for i in range(NUM_EXPERTS):
        # Expert i: Linear -> ReLU -> (Dropout p=0, identity) -> Linear
        h = jax.nn.relu(flat_x @ W1[i] + b1[i])
        o = h @ W2[i] + b2[i]
        mask = (flat_indices == i)[:, None]
        expert_outputs = jnp.where(mask, o, expert_outputs)
    expert_outputs = expert_outputs.reshape(batch_size, TOP_K, OUTPUT_DIM)
    weighted_outputs = expert_outputs * weights_for_gating[..., None]
    final_output = weighted_outputs.sum(axis=1)
    return (final_output, gating_logits, indices)

if __name__ == "__main__":
    import jax
    _d = setup_inputs()
    print(jax.jit(kernel)(*tuple(_d.values())))

</pallas_src>

<mosaic_0001>
#map = affine_map<(d0, d1) -> (0, 0)>
#map1 = affine_map<(d0, d1) -> (0)>
module attributes {stable_mosaic.version = 14 : i64} {
  func.func @_route_body(%arg0: i32, %arg1: i32, %arg2: memref<2048x768xf32, #tpu.memory_space<hbm>>, %arg3: memref<2048xi32, #tpu.memory_space<hbm>>, %arg4: memref<4096x768xf32, #tpu.memory_space<hbm>>, %arg5: memref<2048xi32, #tpu.memory_space<hbm>>, %arg6: memref<48xi32, #tpu.memory_space<hbm>>, %arg7: memref<64x768xf32, #tpu.memory_space<vmem>>, %arg8: memref<2048xi32, #tpu.memory_space<vmem>>, %arg9: memref<16xi32, #tpu.memory_space<vmem>>, %arg10: memref<16xi32, #tpu.memory_space<vmem>>, %arg11: memref<16xi32, #tpu.memory_space<vmem>>, %arg12: memref<16xi32, #tpu.memory_space<vmem>>, %arg13: memref<32xi32, #tpu.memory_space<vmem>>, %arg14: memref<64xi32, #tpu.memory_space<vmem>>, %arg15: memref<48xi32, #tpu.memory_space<vmem>>, %arg16: memref<!tpu.dma_semaphore, #tpu.memory_space<semaphore_mem>>, %arg17: memref<!tpu.dma_semaphore, #tpu.memory_space<semaphore_mem>>) attributes {dimension_semantics = [#tpu.dimension_semantics<core_parallel>, #tpu.dimension_semantics<subcore_parallel>], iteration_bounds = array<i64: 2, 16>, scalar_prefetch = 0 : i64, scratch_operands = 11 : i64, tpu.core_type = #tpu.core_type<sc_vector_subcore>, window_params = [{transform_indices = #map}, {transform_indices = #map1}, {transform_indices = #map}, {transform_indices = #map1}, {transform_indices = #map1}]} {
    %mul3A = arith.constant 2 : i32
    %mul3A_0 = arith.muli %arg1, %mul3A : i32
    %add3A = arith.addi %mul3A_0, %arg0 : i32
    %mul3A_1 = arith.constant 64 : i32
    %mul3A_2 = arith.muli %add3A, %mul3A_1 : i32
    %dma_start3A = arith.constant 0 : i32
    %dma_start3A_3 = tpu.memref_slice %arg2[%mul3A_2, %dma_start3A] : memref<2048x768xf32, #tpu.memory_space<hbm>> -> memref<64x768xf32, #tpu.memory_space<hbm>>
    %dma_start3A_4 = arith.constant 0 : i32
    %dma_start3A_5 = tpu.memref_slice %arg2[%mul3A_2, %dma_start3A_4] : memref<2048x768xf32, #tpu.memory_space<hbm>> -> memref<64x768xf32, #tpu.memory_space<hbm>>
    tpu.enqueue_dma source(%dma_start3A_5 : memref<64x768xf32, #tpu.memory_space<hbm>>) target(%arg7 : memref<64x768xf32, #tpu.memory_space<vmem>>) target_semaphore(%arg16 : memref<!tpu.dma_semaphore, #tpu.memory_space<semaphore_mem>>)
    "tpu.region"() ({
      %run_scoped3A = tpu.sem_alloc : memref<!tpu.dma_semaphore, #tpu.memory_space<semaphore_mem>>
      tpu.enqueue_dma source(%arg3 : memref<2048xi32, #tpu.memory_space<hbm>>) target(%arg8 : memref<2048xi32, #tpu.memory_space<vmem>>) target_semaphore(%run_scoped3A : memref<!tpu.dma_semaphore, #tpu.memory_space<semaphore_mem>>)
      tpu.wait_dma2 semaphore(%run_scoped3A : memref<!tpu.dma_semaphore, #tpu.memory_space<semaphore_mem>>) src(%arg3 : memref<2048xi32, #tpu.memory_space<hbm>>) dst(%arg8 : memref<2048xi32, #tpu.memory_space<vmem>>)
      tpu.yield
    }) : () -> ()
    %broadcast_in_dim3A = arith.constant 0 : i32
    %broadcast_in_dim3A_6 = vector.broadcast %broadcast_in_dim3A : i32 to vector<16xi32>
    %broadcast_in_dim3A_7 = arith.constant 1 : i32
    %broadcast_in_dim3A_8 = vector.broadcast %broadcast_in_dim3A_7 : i32 to vector<16xi32>
    %swap3A = arith.constant 0 : index
    %swap3A_9 = tpu.vector_load %arg9[%swap3A] {strides = array<i32>} : memref<16xi32, #tpu.memory_space<vmem>>, vector<16xi32>,
    tpu.vector_store %arg9[%swap3A], %broadcast_in_dim3A_6 {strides = array<i32>} : memref<16xi32, #tpu.memory_space<vmem>>, vector<16xi32>,
    %swap3A_10 = arith.constant 0 : index
    %swap3A_11 = tpu.vector_load %arg10[%swap3A_10] {strides = array<i32>} : memref<16xi32, #tpu.memory_space<vmem>>, vector<16xi32>,
    tpu.vector_store %arg10[%swap3A_10], %broadcast_in_dim3A_6 {strides = array<i32>} : memref<16xi32, #tpu.memory_space<vmem>>, vector<16xi32>,
    %swap3A_12 = arith.constant 0 : index
    %swap3A_13 = tpu.vector_load %arg11[%swap3A_12] {strides = array<i32>} : memref<16xi32, #tpu.memory_space<vmem>>, vector<16xi32>,
    tpu.vector_store %arg11[%swap3A_12], %broadcast_in_dim3A_6 {strides = array<i32>} : memref<16xi32, #tpu.memory_space<vmem>>, vector<16xi32>,
    %mul3A_14 = arith.constant 4 : i32
    %mul3A_15 = arith.muli %add3A, %mul3A_14 : i32
    %get3A = arith.constant 0 : index
    %get3A_16 = tpu.vector_load %arg8[%get3A] {strides = array<i32>} : memref<2048xi32, #tpu.memory_space<vmem>>, vector<16xi32>,
    tpu.vector_store_idx %arg11[%get3A_16], %broadcast_in_dim3A_8 {add = true} : memref<16xi32, #tpu.memory_space<vmem>>[vector<16xi32>], vector<16xi32>,
    %gt3A = arith.constant 0 : i32
    %gt3A_17 = arith.cmpi sgt, %mul3A_15, %gt3A : i32
    %broadcast_in_dim3A_18 = vector.broadcast %gt3A_17 : i1 to vector<16xi1>
    tpu.vector_store_idx %arg10[%get3A_16], %broadcast_in_dim3A_8 masked %broadcast_in_dim3A_18 {add = true} : memref<16xi32, #tpu.memory_space<vmem>>[vector<16xi32>], vector<16xi32>, vector<16xi1>
    %get3A_19 = arith.constant 16 : index
    %get3A_20 = tpu.vector_load %arg8[%get3A_19] {strides = array<i32>} : memref<2048xi32, #tpu.memory_space<vmem>>, vector<16xi32>,
    tpu.vector_store_idx %arg11[%get3A_20], %broadcast_in_dim3A_8 {add = true} : memref<16xi32, #tpu.memory_space<vmem>>[vector<16xi32>], vector<16xi32>,
    %gt3A_21 = arith.constant 1 : i32
    %gt3A_22 = arith.cmpi sgt, %mul3A_15, %gt3A_21 : i32
    %broadcast_in_dim3A_23 = vector.broadcast %gt3A_22 : i1 to vector<16xi1>
    tpu.vector_store_idx %arg10[%get3A_20], %broadcast_in_dim3A_8 masked %broadcast_in_dim3A_23 {add = true} : memref<16xi32, #tpu.memory_space<vmem>>[vector<16xi32>], vector<16xi32>, vector<16xi1>
    %get3A_24 = arith.constant 32 : index
    %get3A_25 = tpu.vector_load %arg8[%get3A_24] {strides = array<i32>} : memref<2048xi32, #tpu.memory_space<vmem>>, vector<16xi32>,
    tpu.vector_store_idx %arg11[%get3A_25], %broadcast_in_dim3A_8 {add = true} : memref<16xi32, #tpu.memory_space<vmem>>[vector<16xi32>], vector<16xi32>,
    %gt3A_26 = arith.constant 2 : i32
    %gt3A_27 = arith.cmpi sgt, %mul3A_15, %gt3A_26 : i32
    %broadcast_in_dim3A_28 = vector.broadcast %gt3A_27 : i1 to vector<16xi1>
    tpu.vector_store_idx %arg10[%get3A_25], %broadcast_in_dim3A_8 masked %broadcast_in_dim3A_28 {add = true} : memref<16xi32, #tpu.memory_space<vmem>>[vector<16xi32>], vector<16xi32>, vector<16xi1>
    %get3A_29 = arith.constant 48 : index
    %get3A_30 = tpu.vector_load %arg8[%get3A_29] {strides = array<i32>} : memref<2048xi32, #tpu.memory_space<vmem>>, vector<16xi32>,
    tpu.vector_store_idx %arg11[%get3A_30], %broadcast_in_dim3A_8 {add = true} : memref<16xi32, #tpu.memory_space<vmem>>[vector<16xi32>], vector<16xi32>,
    %gt3A_31 = arith.constant 3 : i32
    %gt3A_32 = arith.cmpi sgt, %mul3A_15, %gt3A_31 : i32
    %broadcast_in_dim3A_33 = vector.broadcast %gt3A_32 : i1 to vector<16xi1>
    tpu.vector_store_idx %arg10[%get3A_30], %broadcast_in_dim3A_8 masked %broadcast_in_dim3A_33 {add = true} : memref<16xi32, #tpu.memory_space<vmem>>[vector<16xi32>], vector<16xi32>, vector<16xi1>
    %get3A_34 = arith.constant 64 : index
    %get3A_35 = tpu.vector_load %arg8[%get3A_34] {strides = array<i32>} : memref<2048xi32, #tpu.memory_space<vmem>>, vector<16xi32>,
    tpu.vector_store_idx %arg11[%get3A_35], %broadcast_in_dim3A_8 {add = true} : memref<16xi32, #tpu.memory_space<vmem>>[vector<16xi32>], vector<16xi32>,
    %gt3A_36 = arith.constant 4 : i32
    %gt3A_37 = arith.cmpi sgt, %mul3A_15, %gt3A_36 : i32
    %broadcast_in_dim3A_38 = vector.broadcast %gt3A_37 : i1 to vector<16xi1>
    tpu.vector_store_idx %arg10[%get3A_35], %broadcast_in_dim3A_8 masked %broadcast_in_dim3A_38 {add = true} : memref<16xi32, #tpu.memory_space<vmem>>[vector<16xi32>], vector<16xi32>, vector<16xi1>
    %get3A_39 = arith.constant 80 : index
    %get3A_40 = tpu.vector_load %arg8[%get3A_39] {strides = array<i32>} : memref<2048xi32, #tpu.memory_space<vmem>>, vector<16xi32>,
    tpu.vector_store_idx %arg11[%get3A_40], %broadcast_in_dim3A_8 {add = true} : memref<16xi32, #tpu.memory_space<vmem>>[vector<16xi32>], vector<16xi32>,
    %gt3A_41 = arith.constant 5 : i32
    %gt3A_42 = arith.cmpi sgt, %mul3A_15, %gt3A_41 : i32
    %broadcast_in_dim3A_43 = vector.broadcast %gt3A_42 : i1 to vector<16xi1>
    tpu.vector_store_idx %arg10[%get3A_40], %broadcast_in_dim3A_8 masked %broadcast_in_dim3A_43 {add = true} : memref<16xi32, #tpu.memory_space<vmem>>[vector<16xi32>], vector<16xi32>, vector<16xi1>
    %get3A_44 = arith.constant 96 : index
    %get3A_45 = tpu.vector_load %arg8[%get3A_44] {strides = array<i32>} : memref<2048xi32, #tpu.memory_space<vmem>>, vector<16xi32>,
    tpu.vector_store_idx %arg11[%get3A_45], %broadcast_in_dim3A_8 {add = true} : memref<16xi32, #tpu.memory_space<vmem>>[vector<16xi32>], vector<16xi32>,
    %gt3A_46 = arith.constant 6 : i32
    %gt3A_47 = arith.cmpi sgt, %mul3A_15, %gt3A_46 : i32
    %broadcast_in_dim3A_48 = vector.broadcast %gt3A_47 : i1 to vector<16xi1>
    tpu.vector_store_idx %arg10[%get3A_45], %broadcast_in_dim3A_8 masked %broadcast_in_dim3A_48 {add = true} : memref<16xi32, #tpu.memory_space<vmem>>[vector<16xi32>], vector<16xi32>, vector<16xi1>
    %get3A_49 = arith.constant 112 : index
    %get3A_50 = tpu.vector_load %arg8[%get3A_49] {strides = array<i32>} : memref<2048xi32, #tpu.memory_space<vmem>>, vector<16xi32>,
    tpu.vector_store_idx %arg11[%get3A_50], %broadcast_in_dim3A_8 {add = true} : memref<16xi32, #tpu.memory_space<vmem>>[vector<16xi32>], vector<16xi32>,
    %gt3A_51 = arith.constant 7 : i32
    %gt3A_52 = arith.cmpi sgt, %mul3A_15, %gt3A_51 : i32
    %broadcast_in_dim3A_53 = vector.broadcast %gt3A_52 : i1 to vector<16xi1>
    tpu.vector_store_idx %arg10[%get3A_50], %broadcast_in_dim3A_8 masked %broadcast_in_dim3A_53 {add = true} : memref<16xi32, #tpu.memory_space<vmem>>[vector<16xi32>], vector<16xi32>, vector<16xi1>
    %get3A_54 = arith.constant 128 : index
    %get3A_55 = tpu.vector_load %arg8[%get3A_54] {strides = array<i32>} : memref<2048xi32, #tpu.memory_space<vmem>>, vector<16xi32>,
    tpu.vector_store_idx %arg11[%get3A_55], %broadcast_in_dim3A_8 {add = true} : memref<16xi32, #tpu.memory_space<vmem>>[vector<16xi32>], vector<16xi32>,
    %gt3A_56 = arith.constant 8 : i32
    %gt3A_57 = arith.cmpi sgt, %mul3A_15, %gt3A_56 : i32
    %broadcast_in_dim3A_58 = vector.broadcast %gt3A_57 : i1 to vector<16xi1>
    tpu.vector_store_idx %arg10[%get3A_55], %broadcast_in_dim3A_8 masked %broadcast_in_dim3A_58 {add = true} : memref<16xi32, #tpu.memory_space<vmem>>[vector<16xi32>], vector<16xi32>, vector<16xi1>
    %get3A_59 = arith.constant 144 : index
    %get3A_60 = tpu.vector_load %arg8[%get3A_59] {strides = array<i32>} : memref<2048xi32, #tpu.memory_space<vmem>>, vector<16xi32>,
    tpu.vector_store_idx %arg11[%get3A_60], %broadcast_in_dim3A_8 {add = true} : memref<16xi32, #tpu.memory_space<vmem>>[vector<16xi32>], vector<16xi32>,
    %gt3A_61 = arith.constant 9 : i32
    %gt3A_62 = arith.cmpi sgt, %mul3A_15, %gt3A_61 : i32
    %broadcast_in_dim3A_63 = vector.broadcast %gt3A_62 : i1 to vector<16xi1>
    tpu.vector_store_idx %arg10[%get3A_60], %broadcast_in_dim3A_8 masked %broadcast_in_dim3A_63 {add = true} : memref<16xi32, #tpu.memory_space<vmem>>[vector<16xi32>], vector<16xi32>, vector<16xi1>
    %get3A_64 = arith.constant 160 : index
    %get3A_65 = tpu.vector_load %arg8[%get3A_64] {strides = array<i32>} : memref<2048xi32, #tpu.memory_space<vmem>>, vector<16xi32>,
    tpu.vector_store_idx %arg11[%get3A_65], %broadcast_in_dim3A_8 {add = true} : memref<16xi32, #tpu.memory_space<vmem>>[vector<16xi32>], vector<16xi32>,
    %gt3A_66 = arith.constant 10 : i32
    %gt3A_67 = arith.cmpi sgt, %mul3A_15, %gt3A_66 : i32
    %broadcast_in_dim3A_68 = vector.broadcast %gt3A_67 : i1 to vector<16xi1>
    tpu.vector_store_idx %arg10[%get3A_65], %broadcast_in_dim3A_8 masked %broadcast_in_dim3A_68 {add = true} : memref<16xi32, #tpu.memory_space<vmem>>[vector<16xi32>], vector<16xi32>, vector<16xi1>
    %get3A_69 = arith.constant 176 : index
    %get3A_70 = tpu.vector_load %arg8[%get3A_69] {strides = array<i32>} : memref<2048xi32, #tpu.memory_space<vmem>>, vector<16xi32>,
    tpu.vector_store_idx %arg11[%get3A_70], %broadcast_in_dim3A_8 {add = true} : memref<16xi32, #tpu.memory_space<vmem>>[vector<16xi32>], vector<16xi32>,
    %gt3A_71 = arith.constant 11 : i32
    %gt3A_72 = arith.cmpi sgt, %mul3A_15, %gt3A_71 : i32
    %broadcast_in_dim3A_73 = vector.broadcast %gt3A_72 : i1 to vector<16xi1>
    tpu.vector_store_idx %arg10[%get3A_70], %broadcast_in_dim3A_8 masked %broadcast_in_dim3A_73 {add = true} : memref<16xi32, #tpu.memory_space<vmem>>[vector<16xi32>], vector<16xi32>, vector<16xi1>
    %get3A_74 = arith.constant 192 : index
    %get3A_75 = tpu.vector_load %arg8[%get3A_74] {strides = array<i32>} : memref<2048xi32, #tpu.memory_space<vmem>>, vector<16xi32>,
    tpu.vector_store_idx %arg11[%get3A_75], %broadcast_in_dim3A_8 {add = true} : memref<16xi32, #tpu.memory_space<vmem>>[vector<16xi32>], vector<16xi32>,
    %gt3A_76 = arith.constant 12 : i32
    %gt3A_77 = arith.cmpi sgt, %mul3A_15, %gt3A_76 : i32
    %broadcast_in_dim3A_78 = vector.broadcast %gt3A_77 : i1 to vector<16xi1>
    tpu.vector_store_idx %arg10[%get3A_75], %broadcast_in_dim3A_8 masked %broadcast_in_dim3A_78 {add = true} : memref<16xi32, #tpu.memory_space<vmem>>[vector<16xi32>], vector<16xi32>, vector<16xi1>
    %get3A_79 = arith.constant 208 : index
    %get3A_80 = tpu.vector_load %arg8[%get3A_79] {strides = array<i32>} : memref<2048xi32, #tpu.memory_space<vmem>>, vector<16xi32>,
    tpu.vector_store_idx %arg11[%get3A_80], %broadcast_in_dim3A_8 {add = true} : memref<16xi32, #tpu.memory_space<vmem>>[vector<16xi32>], vector<16xi32>,
    %gt3A_81 = arith.constant 13 : i32
    %gt3A_82 = arith.cmpi sgt, %mul3A_15, %gt3A_81 : i32
    %broadcast_in_dim3A_83 = vector.broadcast %gt3A_82 : i1 to vector<16xi1>
    tpu.vector_store_idx %arg10[%get3A_80], %broadcast_in_dim3A_8 masked %broadcast_in_dim3A_83 {add = true} : memref<16xi32, #tpu.memory_space<vmem>>[vector<16xi32>], vector<16xi32>, vector<16xi1>
    %get3A_84 = arith.constant 224 : index
    %get3A_85 = tpu.vector_load %arg8[%get3A_84] {strides = array<i32>} : memref<2048xi32, #tpu.memory_space<vmem>>, vector<16xi32>,
    tpu.vector_store_idx %arg11[%get3A_85], %broadcast_in_dim3A_8 {add = true} : memref<16xi32, #tpu.memory_space<vmem>>[vector<16xi32>], vector<16xi32>,
    %gt3A_86 = arith.constant 14 : i32
    %gt3A_87 = arith.cmpi sgt, %mul3A_15, %gt3A_86 : i32
    %broadcast_in_dim3A_88 = vector.broadcast %gt3A_87 : i1 to vector<16xi1>
    tpu.vector_store_idx %arg10[%get3A_85], %broadcast_in_dim3A_8 masked %broadcast_in_dim3A_88 {add = true} : memref<16xi32, #tpu.memory_space<vmem>>[vector<16xi32>], vector<16xi32>, vector<16xi1>
    %get3A_89 = arith.constant 240 : index
    %get3A_90 = tpu.vector_load %arg8[%get3A_89] {strides = array<i32>} : memref<2048xi32, #tpu.memory_space<vmem>>, vector<16xi32>,
    tpu.vector_store_idx %arg11[%get3A_90], %broadcast_in_dim3A_8 {add = true} : memref<16xi32, #tpu.memory_space<vmem>>[vector<16xi32>], vector<16xi32>,
    %gt3A_91 = arith.constant 15 : i32
    %gt3A_92 = arith.cmpi sgt, %mul3A_15, %gt3A_91 : i32
    %broadcast_in_dim3A_93 = vector.broadcast %gt3A_92 : i1 to vector<16xi1>
    tpu.vector_store_idx %arg10[%get3A_90], %broadcast_in_dim3A_8 masked %broadcast_in_dim3A_93 {add = true} : memref<16xi32, #tpu.memory_space<vmem>>[vector<16xi32>], vector<16xi32>, vector<16xi1>
    %get3A_94 = arith.constant 256 : index
    %get3A_95 = tpu.vector_load %arg8[%get3A_94] {strides = array<i32>} : memref<2048xi32, #tpu.memory_space<vmem>>, vector<16xi32>,
    tpu.vector_store_idx %arg11[%get3A_95], %broadcast_in_dim3A_8 {add = true} : memref<16xi32, #tpu.memory_space<vmem>>[vector<16xi32>], vector<16xi32>,
    %gt3A_96 = arith.constant 16 : i32
    %gt3A_97 = arith.cmpi sgt, %mul3A_15, %gt3A_96 : i32
    %broadcast_in_dim3A_98 = vector.broadcast %gt3A_97 : i1 to vector<16xi1>
    tpu.vector_store_idx %arg10[%get3A_95], %broadcast_in_dim3A_8 masked %broadcast_in_dim3A_98 {add = true} : memref<16xi32, #tpu.memory_space<vmem>>[vector<16xi32>], vector<16xi32>, vector<16xi1>
    %get3A_99 = arith.constant 272 : index
    %get3A_100 = tpu.vector_load %arg8[%get3A_99] {strides = array<i32>} : memref<2048xi32, #tpu.memory_space<vmem>>, vector<16xi32>,
    tpu.vector_store_idx %arg11[%get3A_100], %broadcast_in_dim3A_8 {add = true} : memref<16xi32, #tpu.memory_space<vmem>>[vector<16xi32>], vector<16xi32>,
    %gt3A_101 = arith.constant 17 : i32
    %gt3A_102 = arith.cmpi sgt, %mul3A_15, %gt3A_101 : i32
    %broadcast_in_dim3A_103 = vector.broadcast %gt3A_102 : i1 to vector<16xi1>
    tpu.vector_store_idx %arg10[%get3A_100], %broadcast_in_dim3A_8 masked %broadcast_in_dim3A_103 {add = true} : memref<16xi32, #tpu.memory_space<vmem>>[vector<16xi32>], vector<16xi32>, vector<16xi1>
    %get3A_104 = arith.constant 288 : index
    %get3A_105 = tpu.vector_load %arg8[%get3A_104] {strides = array<i32>} : memref<2048xi32, #tpu.memory_space<vmem>>, vector<16xi32>,
    tpu.vector_store_idx %arg11[%get3A_105], %broadcast_in_dim3A_8 {add = true} : memref<16xi32, #tpu.memory_space<vmem>>[vector<16xi32>], vector<16xi32>,
    %gt3A_106 = arith.constant 18 : i32
    %gt3A_107 = arith.cmpi sgt, %mul3A_15, %gt3A_106 : i32
    %broadcast_in_dim3A_108 = vector.broadcast %gt3A_107 : i1 to vector<16xi1>
    tpu.vector_store_idx %arg10[%get3A_105], %broadcast_in_dim3A_8 masked %broadcast_in_dim3A_108 {add = true} : memref<16xi32, #tpu.memory_space<vmem>>[vector<16xi32>], vector<16xi32>, vector<16xi1>
    %get3A_109 = arith.constant 304 : index
    %get3A_110 = tpu.vector_load %arg8[%get3A_109] {strides = array<i32>} : memref<2048xi32, #tpu.memory_space<vmem>>, vector<16xi32>,
    tpu.vector_store_idx %arg11[%get3A_110], %broadcast_in_dim3A_8 {add = true} : memref<16xi32, #tpu.memory_space<vmem>>[vector<16xi32>], vector<16xi32>,
    %gt3A_111 = arith.constant 19 : i32
    %gt3A_112 = arith.cmpi sgt, %mul3A_15, %gt3A_111 : i32
    %broadcast_in_dim3A_113 = vector.broadcast %gt3A_112 : i1 to vector<16xi1>
    tpu.vector_store_idx %arg10[%get3A_110], %broadcast_in_dim3A_8 masked %broadcast_in_dim3A_113 {add = true} : memref<16xi32, #tpu.memory_space<vmem>>[vector<16xi32>], vector<16xi32>, vector<16xi1>
    %get3A_114 = arith.constant 320 : index
    %get3A_115 = tpu.vector_load %arg8[%get3A_114] {strides = array<i32>} : memref<2048xi32, #tpu.memory_space<vmem>>, vector<16xi32>,
    tpu.vector_store_idx %arg11[%get3A_115], %broadcast_in_dim3A_8 {add = true} : memref<16xi32, #tpu.memory_space<vmem>>[vector<16xi32>], vector<16xi32>,
    %gt3A_116 = arith.constant 20 : i32
    %gt3A_117 = arith.cmpi sgt, %mul3A_15, %gt3A_116 : i32
    %broadcast_in_dim3A_118 = vector.broadcast %gt3A_117 : i1 to vector<16xi1>
    tpu.vector_store_idx %arg10[%get3A_115], %broadcast_in_dim3A_8 masked %broadcast_in_dim3A_118 {add = true} : memref<16xi32, #tpu.memory_space<vmem>>[vector<16xi32>], vector<16xi32>, vector<16xi1>
    %get3A_119 = arith.constant 336 : index
    %get3A_120 = tpu.vector_load %arg8[%get3A_119] {strides = array<i32>} : memref<2048xi32, #tpu.memory_space<vmem>>, vector<16xi32>,
    tpu.vector_store_idx %arg11[%get3A_120], %broadcast_in_dim3A_8 {add = true} : memref<16xi32, #tpu.memory_space<vmem>>[vector<16xi32>], vector<16xi32>,
    %gt3A_121 = arith.constant 21 : i32
    %gt3A_122 = arith.cmpi sgt, %mul3A_15, %gt3A_121 : i32
    %broadcast_in_dim3A_123 = vector.broadcast %gt3A_122 : i1 to vector<16xi1>
    tpu.vector_store_idx %arg10[%get3A_120], %broadcast_in_dim3A_8 masked %broadcast_in_dim3A_123 {add = true} : memref<16xi32, #tpu.memory_space<vmem>>[vector<16xi32>], vector<16xi32>, vector<16xi1>
    %get3A_124 = arith.constant 352 : index
    %get3A_125 = tpu.vector_load %arg8[%get3A_124] {strides = array<i32>} : memref<2048xi32, #tpu.memory_space<vmem>>, vector<16xi32>,
    tpu.vector_store_idx %arg11[%get3A_125], %broadcast_in_dim3A_8 {add = true} : memref<16xi32, #tpu.memory_space<vmem>>[vector<16xi32>], vector<16xi32>,
    %gt3A_126 = arith.constant 22 : i32
    %gt3A_127 = arith.cmpi sgt, %mul3A_15, %gt3A_126 : i32
    %broadcast_in_dim3A_128 = vector.broadcast %gt3A_127 : i1 to vector<16xi1>
    tpu.vector_store_idx %arg10[%get3A_125], %broadcast_in_dim3A_8 masked %broadcast_in_dim3A_128 {add = true} : memref<16xi32, #tpu.memory_space<vmem>>[vector<16xi32>], vector<16xi32>, vector<16xi1>
    %get3A_129 = arith.constant 368 : index
    %get3A_130 = tpu.vector_load %arg8[%get3A_129] {strides = array<i32>} : memref<2048xi32, #tpu.memory_space<vmem>>, vector<16xi32>,
    tpu.vector_store_idx %arg11[%get3A_130], %broadcast_in_dim3A_8 {add = true} : memref<16xi32, #tpu.memory_space<vmem>>[vector<16xi32>], vector<16xi32>,
    %gt3A_131 = arith.constant 23 : i32
    %gt3A_132 = arith.cmpi sgt, %mul3A_15, %gt3A_131 : i32
    %broadcast_in_dim3A_133 = vector.broadcast %gt3A_132 : i1 to vector<16xi1>
    tpu.vector_store_idx %arg10[%get3A_130], %broadcast_in_dim3A_8 masked %broadcast_in_dim3A_133 {add = true} : memref<16xi32, #tpu.memory_space<vmem>>[vector<16xi32>], vector<16xi32>, vector<16xi1>
    %get3A_134 = arith.constant 384 : index
    %get3A_135 = tpu.vector_load %arg8[%get3A_134] {strides = array<i32>} : memref<2048xi32, #tpu.memory_space<vmem>>, vector<16xi32>,
    tpu.vector_store_idx %arg11[%get3A_135], %broadcast_in_dim3A_8 {add = true} : memref<16xi32, #tpu.memory_space<vmem>>[vector<16xi32>], vector<16xi32>,
    %gt3A_136 = arith.constant 24 : i32
    %gt3A_137 = arith.cmpi sgt, %mul3A_15, %gt3A_136 : i32
    %broadcast_in_dim3A_138 = vector.broadcast %gt3A_137 : i1 to vector<16xi1>
    tpu.vector_store_idx %arg10[%get3A_135], %broadcast_in_dim3A_8 masked %broadcast_in_dim3A_138 {add = true} : memref<16xi32, #tpu.memory_space<vmem>>[vector<16xi32>], vector<16xi32>, vector<16xi1>
    %get3A_139 = arith.constant 400 : index
    %get3A_140 = tpu.vector_load %arg8[%get3A_139] {strides = array<i32>} : memref<2048xi32, #tpu.memory_space<vmem>>, vector<16xi32>,
    tpu.vector_store_idx %arg11[%get3A_140], %broadcast_in_dim3A_8 {add = true} : memref<16xi32, #tpu.memory_space<vmem>>[vector<16xi32>], vector<16xi32>,
    %gt3A_141 = arith.constant 25 : i32
    %gt3A_142 = arith.cmpi sgt, %mul3A_15, %gt3A_141 : i32
    %broadcast_in_dim3A_143 = vector.broadcast %gt3A_142 : i1 to vector<16xi1>
    tpu.vector_store_idx %arg10[%get3A_140], %broadcast_in_dim3A_8 masked %broadcast_in_dim3A_143 {add = true} : memref<16xi32, #tpu.memory_space<vmem>>[vector<16xi32>], vector<16xi32>, vector<16xi1>
    %get3A_144 = arith.constant 416 : index
    %get3A_145 = tpu.vector_load %arg8[%get3A_144] {strides = array<i32>} : memref<2048xi32, #tpu.memory_space<vmem>>, vector<16xi32>,
    tpu.vector_store_idx %arg11[%get3A_145], %broadcast_in_dim3A_8 {add = true} : memref<16xi32, #tpu.memory_space<vmem>>[vector<16xi32>], vector<16xi32>,
    %gt3A_146 = arith.constant 26 : i32
    %gt3A_147 = arith.cmpi sgt, %mul3A_15, %gt3A_146 : i32
    %broadcast_in_dim3A_148 = vector.broadcast %gt3A_147 : i1 to vector<16xi1>
    tpu.vector_store_idx %arg10[%get3A_145], %broadcast_in_dim3A_8 masked %broadcast_in_dim3A_148 {add = true} : memref<16xi32, #tpu.memory_space<vmem>>[vector<16xi32>], vector<16xi32>, vector<16xi1>
    %get3A_149 = arith.constant 432 : index
    %get3A_150 = tpu.vector_load %arg8[%get3A_149] {strides = array<i32>} : memref<2048xi32, #tpu.memory_space<vmem>>, vector<16xi32>,
    tpu.vector_store_idx %arg11[%get3A_150], %broadcast_in_dim3A_8 {add = true} : memref<16xi32, #tpu.memory_space<vmem>>[vector<16xi32>], vector<16xi32>,
    %gt3A_151 = arith.constant 27 : i32
    %gt3A_152 = arith.cmpi sgt, %mul3A_15, %gt3A_151 : i32
    %broadcast_in_dim3A_153 = vector.broadcast %gt3A_152 : i1 to vector<16xi1>
    tpu.vector_store_idx %arg10[%get3A_150], %broadcast_in_dim3A_8 masked %broadcast_in_dim3A_153 {add = true} : memref<16xi32, #tpu.memory_space<vmem>>[vector<16xi32>], vector<16xi32>, vector<16xi1>
    %get3A_154 = arith.constant 448 : index
    %get3A_155 = tpu.vector_load %arg8[%get3A_154] {strides = array<i32>} : memref<2048xi32, #tpu.memory_space<vmem>>, vector<16xi32>,
    tpu.vector_store_idx %arg11[%get3A_155], %broadcast_in_dim3A_8 {add = true} : memref<16xi32, #tpu.memory_space<vmem>>[vector<16xi32>], vector<16xi32>,
    %gt3A_156 = arith.constant 28 : i32
    %gt3A_157 = arith.cmpi sgt, %mul3A_15, %gt3A_156 : i32
    %broadcast_in_dim3A_158 = vector.broadcast %gt3A_157 : i1 to vector<16xi1>
    tpu.vector_store_idx %arg10[%get3A_155], %broadcast_in_dim3A_8 masked %broadcast_in_dim3A_158 {add = true} : memref<16xi32, #tpu.memory_space<vmem>>[vector<16xi32>], vector<16xi32>, vector<16xi1>
    %get3A_159 = arith.constant 464 : index
    %get3A_160 = tpu.vector_load %arg8[%get3A_159] {strides = array<i32>} : memref<2048xi32, #tpu.memory_space<vmem>>, vector<16xi32>,
    tpu.vector_store_idx %arg11[%get3A_160], %broadcast_in_dim3A_8 {add = true} : memref<16xi32, #tpu.memory_space<vmem>>[vector<16xi32>], vector<16xi32>,
    %gt3A_161 = arith.constant 29 : i32
    %gt3A_162 = arith.cmpi sgt, %mul3A_15, %gt3A_161 : i32
    %broadcast_in_dim3A_163 = vector.broadcast %gt3A_162 : i1 to vector<16xi1>
    tpu.vector_store_idx %arg10[%get3A_160], %broadcast_in_dim3A_8 masked %broadcast_in_dim3A_163 {add = true} : memref<16xi32, #tpu.memory_space<vmem>>[vector<16xi32>], vector<16xi32>, vector<16xi1>
    %get3A_164 = arith.constant 480 : index
    %get3A_165 = tpu.vector_load %arg8[%get3A_164] {strides = array<i32>} : memref<2048xi32, #tpu.memory_space<vmem>>, vector<16xi32>,
    tpu.vector_store_idx %arg11[%get3A_165], %broadcast_in_dim3A_8 {add = true} : memref<16xi32, #tpu.memory_space<vmem>>[vector<16xi32>], vector<16xi32>,
    %gt3A_166 = arith.constant 30 : i32
    %gt3A_167 = arith.cmpi sgt, %mul3A_15, %gt3A_166 : i32
    %broadcast_in_dim3A_168 = vector.broadcast %gt3A_167 : i1 to vector<16xi1>
    tpu.vector_store_idx %arg10[%get3A_165], %broadcast_in_dim3A_8 masked %broadcast_in_dim3A_168 {add = true} : memref<16xi32, #tpu.memory_space<vmem>>[vector<16xi32>], vector<16xi32>, vector<16xi1>
    %get3A_169 = arith.constant 496 : index
    %get3A_170 = tpu.vector_load %arg8[%get3A_169] {strides = array<i32>} : memref<2048xi32, #tpu.memory_space<vmem>>, vector<16xi32>,
    tpu.vector_store_idx %arg11[%get3A_170], %broadcast_in_dim3A_8 {add = true} : memref<16xi32, #tpu.memory_space<vmem>>[vector<16xi32>], vector<16xi32>,
    %gt3A_171 = arith.constant 31 : i32
    %gt3A_172 = arith.cmpi sgt, %mul3A_15, %gt3A_171 : i32
    %broadcast_in_dim3A_173 = vector.broadcast %gt3A_172 : i1 to vector<16xi1>
    tpu.vector_store_idx %arg10[%get3A_170], %broadcast_in_dim3A_8 masked %broadcast_in_dim3A_173 {add = true} : memref<16xi32, #tpu.memory_space<vmem>>[vector<16xi32>], vector<16xi32>, vector<16xi1>
    %get3A_174 = arith.constant 512 : index
    %get3A_175 = tpu.vector_load %arg8[%get3A_174] {strides = array<i32>} : memref<2048xi32, #tpu.memory_space<vmem>>, vector<16xi32>,
    tpu.vector_store_idx %arg11[%get3A_175], %broadcast_in_dim3A_8 {add = true} : memref<16xi32, #tpu.memory_space<vmem>>[vector<16xi32>], vector<16xi32>,
    %gt3A_176 = arith.constant 32 : i32
    %gt3A_177 = arith.cmpi sgt, %mul3A_15, %gt3A_176 : i32
    %broadcast_in_dim3A_178 = vector.broadcast %gt3A_177 : i1 to vector<16xi1>
    tpu.vector_store_idx %arg10[%get3A_175], %broadcast_in_dim3A_8 masked %broadcast_in_dim3A_178 {add = true} : memref<16xi32, #tpu.memory_space<vmem>>[vector<16xi32>], vector<16xi32>, vector<16xi1>
    %get3A_179 = arith.constant 528 : index
    %get3A_180 = tpu.vector_load %arg8[%get3A_179] {strides = array<i32>} : memref<2048xi32, #tpu.memory_space<vmem>>, vector<16xi32>,
    tpu.vector_store_idx %arg11[%get3A_180], %broadcast_in_dim3A_8 {add = true} : memref<16xi32, #tpu.memory_space<vmem>>[vector<16xi32>], vector<16xi32>,
    %gt3A_181 = arith.constant 33 : i32
    %gt3A_182 = arith.cmpi sgt, %mul3A_15, %gt3A_181 : i32
    %broadcast_in_dim3A_183 = vector.broadcast %gt3A_182 : i1 to vector<16xi1>
    tpu.vector_store_idx %arg10[%get3A_180], %broadcast_in_dim3A_8 masked %broadcast_in_dim3A_183 {add = true} : memref<16xi32, #tpu.memory_space<vmem>>[vector<16xi32>], vector<16xi32>, vector<16xi1>
    %get3A_184 = arith.constant 544 : index
    %get3A_185 = tpu.vector_load %arg8[%get3A_184] {strides = array<i32>} : memref<2048xi32, #tpu.memory_space<vmem>>, vector<16xi32>,
    tpu.vector_store_idx %arg11[%get3A_185], %broadcast_in_dim3A_8 {add = true} : memref<16xi32, #tpu.memory_space<vmem>>[vector<16xi32>], vector<16xi32>,
    %gt3A_186 = arith.constant 34 : i32
    %gt3A_187 = arith.cmpi sgt, %mul3A_15, %gt3A_186 : i32
    %broadcast_in_dim3A_188 = vector.broadcast %gt3A_187 : i1 to vector<16xi1>
    tpu.vector_store_idx %arg10[%get3A_185], %broadcast_in_dim3A_8 masked %broadcast_in_dim3A_188 {add = true} : memref<16xi32, #tpu.memory_space<vmem>>[vector<16xi32>], vector<16xi32>, vector<16xi1>
    %get3A_189 = arith.constant 560 : index
    %get3A_190 = tpu.vector_load %arg8[%get3A_189] {strides = array<i32>} : memref<2048xi32, #tpu.memory_space<vmem>>, vector<16xi32>,
    tpu.vector_store_idx %arg11[%get3A_190], %broadcast_in_dim3A_8 {add = true} : memref<16xi32, #tpu.memory_space<vmem>>[vector<16xi32>], vector<16xi32>,
    %gt3A_191 = arith.constant 35 : i32
    %gt3A_192 = arith.cmpi sgt, %mul3A_15, %gt3A_191 : i32
    %broadcast_in_dim3A_193 = vector.broadcast %gt3A_192 : i1 to vector<16xi1>
    tpu.vector_store_idx %arg10[%get3A_190], %broadcast_in_dim3A_8 masked %broadcast_in_dim3A_193 {add = true} : memref<16xi32, #tpu.memory_space<vmem>>[vector<16xi32>], vector<16xi32>, vector<16xi1>
    %get3A_194 = arith.constant 576 : index
    %get3A_195 = tpu.vector_load %arg8[%get3A_194] {strides = array<i32>} : memref<2048xi32, #tpu.memory_space<vmem>>, vector<16xi32>,
    tpu.vector_store_idx %arg11[%get3A_195], %broadcast_in_dim3A_8 {add = true} : memref<16xi32, #tpu.memory_space<vmem>>[vector<16xi32>], vector<16xi32>,
    %gt3A_196 = arith.constant 36 : i32
    %gt3A_197 = arith.cmpi sgt, %mul3A_15, %gt3A_196 : i32
    %broadcast_in_dim3A_198 = vector.broadcast %gt3A_197 : i1 to vector<16xi1>
    tpu.vector_store_idx %arg10[%get3A_195], %broadcast_in_dim3A_8 masked %broadcast_in_dim3A_198 {add = true} : memref<16xi32, #tpu.memory_space<vmem>>[vector<16xi32>], vector<16xi32>, vector<16xi1>
    %get3A_199 = arith.constant 592 : index
    %get3A_200 = tpu.vector_load %arg8[%get3A_199] {strides = array<i32>} : memref<2048xi32, #tpu.memory_space<vmem>>, vector<16xi32>,
    tpu.vector_store_idx %arg11[%get3A_200], %broadcast_in_dim3A_8 {add = true} : memref<16xi32, #tpu.memory_space<vmem>>[vector<16xi32>], vector<16xi32>,
    %gt3A_201 = arith.constant 37 : i32
    %gt3A_202 = arith.cmpi sgt, %mul3A_15, %gt3A_201 : i32
    %broadcast_in_dim3A_203 = vector.broadcast %gt3A_202 : i1 to vector<16xi1>
    tpu.vector_store_idx %arg10[%get3A_200], %broadcast_in_dim3A_8 masked %broadcast_in_dim3A_203 {add = true} : memref<16xi32, #tpu.memory_space<vmem>>[vector<16xi32>], vector<16xi32>, vector<16xi1>
    %get3A_204 = arith.constant 608 : index
    %get3A_205 = tpu.vector_load %arg8[%get3A_204] {strides = array<i32>} : memref<2048xi32, #tpu.memory_space<vmem>>, vector<16xi32>,
    tpu.vector_store_idx %arg11[%get3A_205], %broadcast_in_dim3A_8 {add = true} : memref<16xi32, #tpu.memory_space<vmem>>[vector<16xi32>], vector<16xi32>,
    %gt3A_206 = arith.constant 38 : i32
    %gt3A_207 = arith.cmpi sgt, %mul3A_15, %gt3A_206 : i32
    %broadcast_in_dim3A_208 = vector.broadcast %gt3A_207 : i1 to vector<16xi1>
    tpu.vector_store_idx %arg10[%get3A_205], %broadcast_in_dim3A_8 masked %broadcast_in_dim3A_208 {add = true} : memref<16xi32, #tpu.memory_space<vmem>>[vector<16xi32>], vector<16xi32>, vector<16xi1>
    %get3A_209 = arith.constant 624 : index
    %get3A_210 = tpu.vector_load %arg8[%get3A_209] {strides = array<i32>} : memref<2048xi32, #tpu.memory_space<vmem>>, vector<16xi32>,
    tpu.vector_store_idx %arg11[%get3A_210], %broadcast_in_dim3A_8 {add = true} : memref<16xi32, #tpu.memory_space<vmem>>[vector<16xi32>], vector<16xi32>,
    %gt3A_211 = arith.constant 39 : i32
    %gt3A_212 = arith.cmpi sgt, %mul3A_15, %gt3A_211 : i32
    %broadcast_in_dim3A_213 = vector.broadcast %gt3A_212 : i1 to vector<16xi1>
    tpu.vector_store_idx %arg10[%get3A_210], %broadcast_in_dim3A_8 masked %broadcast_in_dim3A_213 {add = true} : memref<16xi32, #tpu.memory_space<vmem>>[vector<16xi32>], vector<16xi32>, vector<16xi1>
    %get3A_214 = arith.constant 640 : index
    %get3A_215 = tpu.vector_load %arg8[%get3A_214] {strides = array<i32>} : memref<2048xi32, #tpu.memory_space<vmem>>, vector<16xi32>,
    tpu.vector_store_idx %arg11[%get3A_215], %broadcast_in_dim3A_8 {add = true} : memref<16xi32, #tpu.memory_space<vmem>>[vector<16xi32>], vector<16xi32>,
    %gt3A_216 = arith.constant 40 : i32
    %gt3A_217 = arith.cmpi sgt, %mul3A_15, %gt3A_216 : i32
    %broadcast_in_dim3A_218 = vector.broadcast %gt3A_217 : i1 to vector<16xi1>
    tpu.vector_store_idx %arg10[%get3A_215], %broadcast_in_dim3A_8 masked %broadcast_in_dim3A_218 {add = true} : memref<16xi32, #tpu.memory_space<vmem>>[vector<16xi32>], vector<16xi32>, vector<16xi1>
    %get3A_219 = arith.constant 656 : index
    %get3A_220 = tpu.vector_load %arg8[%get3A_219] {strides = array<i32>} : memref<2048xi32, #tpu.memory_space<vmem>>, vector<16xi32>,
    tpu.vector_store_idx %arg11[%get3A_220], %broadcast_in_dim3A_8 {add = true} : memref<16xi32, #tpu.memory_space<vmem>>[vector<16xi32>], vector<16xi32>,
    %gt3A_221 = arith.constant 41 : i32
    %gt3A_222 = arith.cmpi sgt, %mul3A_15, %gt3A_221 : i32
    %broadcast_in_dim3A_223 = vector.broadcast %gt3A_222 : i1 to vector<16xi1>
    tpu.vector_store_idx %arg10[%get3A_220], %broadcast_in_dim3A_8 masked %broadcast_in_dim3A_223 {add = true} : memref<16xi32, #tpu.memory_space<vmem>>[vector<16xi32>], vector<16xi32>, vector<16xi1>
    %get3A_224 = arith.constant 672 : index
    %get3A_225 = tpu.vector_load %arg8[%get3A_224] {strides = array<i32>} : memref<2048xi32, #tpu.memory_space<vmem>>, vector<16xi32>,
    tpu.vector_store_idx %arg11[%get3A_225], %broadcast_in_dim3A_8 {add = true} : memref<16xi32, #tpu.memory_space<vmem>>[vector<16xi32>], vector<16xi32>,
    %gt3A_226 = arith.constant 42 : i32
    %gt3A_227 = arith.cmpi sgt, %mul3A_15, %gt3A_226 : i32
    %broadcast_in_dim3A_228 = vector.broadcast %gt3A_227 : i1 to vector<16xi1>
    tpu.vector_store_idx %arg10[%get3A_225], %broadcast_in_dim3A_8 masked %broadcast_in_dim3A_228 {add = true} : memref<16xi32, #tpu.memory_space<vmem>>[vector<16xi32>], vector<16xi32>, vector<16xi1>
    %get3A_229 = arith.constant 688 : index
    %get3A_230 = tpu.vector_load %arg8[%get3A_229] {strides = array<i32>} : memref<2048xi32, #tpu.memory_space<vmem>>, vector<16xi32>,
    tpu.vector_store_idx %arg11[%get3A_230], %broadcast_in_dim3A_8 {add = true} : memref<16xi32, #tpu.memory_space<vmem>>[vector<16xi32>], vector<16xi32>,
    %gt3A_231 = arith.constant 43 : i32
    %gt3A_232 = arith.cmpi sgt, %mul3A_15, %gt3A_231 : i32
    %broadcast_in_dim3A_233 = vector.broadcast %gt3A_232 : i1 to vector<16xi1>
    tpu.vector_store_idx %arg10[%get3A_230], %broadcast_in_dim3A_8 masked %broadcast_in_dim3A_233 {add = true} : memref<16xi32, #tpu.memory_space<vmem>>[vector<16xi32>], vector<16xi32>, vector<16xi1>
    %get3A_234 = arith.constant 704 : index
    %get3A_235 = tpu.vector_load %arg8[%get3A_234] {strides = array<i32>} : memref<2048xi32, #tpu.memory_space<vmem>>, vector<16xi32>,
    tpu.vector_store_idx %arg11[%get3A_235], %broadcast_in_dim3A_8 {add = true} : memref<16xi32, #tpu.memory_space<vmem>>[vector<16xi32>], vector<16xi32>,
    %gt3A_236 = arith.constant 44 : i32
    %gt3A_237 = arith.cmpi sgt, %mul3A_15, %gt3A_236 : i32
    %broadcast_in_dim3A_238 = vector.broadcast %gt3A_237 : i1 to vector<16xi1>
    tpu.vector_store_idx %arg10[%get3A_235], %broadcast_in_dim3A_8 masked %broadcast_in_dim3A_238 {add = true} : memref<16xi32, #tpu.memory_space<vmem>>[vector<16xi32>], vector<16xi32>, vector<16xi1>
    %get3A_239 = arith.constant 720 : index
    %get3A_240 = tpu.vector_load %arg8[%get3A_239] {strides = array<i32>} : memref<2048xi32, #tpu.memory_space<vmem>>, vector<16xi32>,
    tpu.vector_store_idx %arg11[%get3A_240], %broadcast_in_dim3A_8 {add = true} : memref<16xi32, #tpu.memory_space<vmem>>[vector<16xi32>], vector<16xi32>,
    %gt3A_241 = arith.constant 45 : i32
    %gt3A_242 = arith.cmpi sgt, %mul3A_15, %gt3A_241 : i32
    %broadcast_in_dim3A_243 = vector.broadcast %gt3A_242 : i1 to vector<16xi1>
    tpu.vector_store_idx %arg10[%get3A_240], %broadcast_in_dim3A_8 masked %broadcast_in_dim3A_243 {add = true} : memref<16xi32, #tpu.memory_space<vmem>>[vector<16xi32>], vector<16xi32>, vector<16xi1>
    %get3A_244 = arith.constant 736 : index
    %get3A_245 = tpu.vector_load %arg8[%get3A_244] {strides = array<i32>} : memref<2048xi32, #tpu.memory_space<vmem>>, vector<16xi32>,
    tpu.vector_store_idx %arg11[%get3A_245], %broadcast_in_dim3A_8 {add = true} : memref<16xi32, #tpu.memory_space<vmem>>[vector<16xi32>], vector<16xi32>,
    %gt3A_246 = arith.constant 46 : i32
    %gt3A_247 = arith.cmpi sgt, %mul3A_15, %gt3A_246 : i32
    %broadcast_in_dim3A_248 = vector.broadcast %gt3A_247 : i1 to vector<16xi1>
    tpu.vector_store_idx %arg10[%get3A_245], %broadcast_in_dim3A_8 masked %broadcast_in_dim3A_248 {add = true} : memref<16xi32, #tpu.memory_space<vmem>>[vector<16xi32>], vector<16xi32>, vector<16xi1>
    %get3A_249 = arith.constant 752 : index
    %get3A_250 = tpu.vector_load %arg8[%get3A_249] {strides = array<i32>} : memref<2048xi32, #tpu.memory_space<vmem>>, vector<16xi32>,
    tpu.vector_store_idx %arg11[%get3A_250], %broadcast_in_dim3A_8 {add = true} : memref<16xi32, #tpu.memory_space<vmem>>[vector<16xi32>], vector<16xi32>,
    %gt3A_251 = arith.constant 47 : i32
    %gt3A_252 = arith.cmpi sgt, %mul3A_15, %gt3A_251 : i32
    %broadcast_in_dim3A_253 = vector.broadcast %gt3A_252 : i1 to vector<16xi1>
    tpu.vector_store_idx %arg10[%get3A_250], %broadcast_in_dim3A_8 masked %broadcast_in_dim3A_253 {add = true} : memref<16xi32, #tpu.memory_space<vmem>>[vector<16xi32>], vector<16xi32>, vector<16xi1>
    %get3A_254 = arith.constant 768 : index
    %get3A_255 = tpu.vector_load %arg8[%get3A_254] {strides = array<i32>} : memref<2048xi32, #tpu.memory_space<vmem>>, vector<16xi32>,
    tpu.vector_store_idx %arg11[%get3A_255], %broadcast_in_dim3A_8 {add = true} : memref<16xi32, #tpu.memory_space<vmem>>[vector<16xi32>], vector<16xi32>,
    %gt3A_256 = arith.constant 48 : i32
    %gt3A_257 = arith.cmpi sgt, %mul3A_15, %gt3A_256 : i32
    %broadcast_in_dim3A_258 = vector.broadcast %gt3A_257 : i1 to vector<16xi1>
    tpu.vector_store_idx %arg10[%get3A_255], %broadcast_in_dim3A_8 masked %broadcast_in_dim3A_258 {add = true} : memref<16xi32, #tpu.memory_space<vmem>>[vector<16xi32>], vector<16xi32>, vector<16xi1>
    %get3A_259 = arith.constant 784 : index
    %get3A_260 = tpu.vector_load %arg8[%get3A_259] {strides = array<i32>} : memref<2048xi32, #tpu.memory_space<vmem>>, vector<16xi32>,
    tpu.vector_store_idx %arg11[%get3A_260], %broadcast_in_dim3A_8 {add = true} : memref<16xi32, #tpu.memory_space<vmem>>[vector<16xi32>], vector<16xi32>,
    %gt3A_261 = arith.constant 49 : i32
    %gt3A_262 = arith.cmpi sgt, %mul3A_15, %gt3A_261 : i32
    %broadcast_in_dim3A_263 = vector.broadcast %gt3A_262 : i1 to vector<16xi1>
    tpu.vector_store_idx %arg10[%get3A_260], %broadcast_in_dim3A_8 masked %broadcast_in_dim3A_263 {add = true} : memref<16xi32, #tpu.memory_space<vmem>>[vector<16xi32>], vector<16xi32>, vector<16xi1>
    %get3A_264 = arith.constant 800 : index
    %get3A_265 = tpu.vector_load %arg8[%get3A_264] {strides = array<i32>} : memref<2048xi32, #tpu.memory_space<vmem>>, vector<16xi32>,
    tpu.vector_store_idx %arg11[%get3A_265], %broadcast_in_dim3A_8 {add = true} : memref<16xi32, #tpu.memory_space<vmem>>[vector<16xi32>], vector<16xi32>,
    %gt3A_266 = arith.constant 50 : i32
    %gt3A_267 = arith.cmpi sgt, %mul3A_15, %gt3A_266 : i32
    %broadcast_in_dim3A_268 = vector.broadcast %gt3A_267 : i1 to vector<16xi1>
    tpu.vector_store_idx %arg10[%get3A_265], %broadcast_in_dim3A_8 masked %broadcast_in_dim3A_268 {add = true} : memref<16xi32, #tpu.memory_space<vmem>>[vector<16xi32>], vector<16xi32>, vector<16xi1>
    %get3A_269 = arith.constant 816 : index
    %get3A_270 = tpu.vector_load %arg8[%get3A_269] {strides = array<i32>} : memref<2048xi32, #tpu.memory_space<vmem>>, vector<16xi32>,
    tpu.vector_store_idx %arg11[%get3A_270], %broadcast_in_dim3A_8 {add = true} : memref<16xi32, #tpu.memory_space<vmem>>[vector<16xi32>], vector<16xi32>,
    %gt3A_271 = arith.constant 51 : i32
    %gt3A_272 = arith.cmpi sgt, %mul3A_15, %gt3A_271 : i32
    %broadcast_in_dim3A_273 = vector.broadcast %gt3A_272 : i1 to vector<16xi1>
    tpu.vector_store_idx %arg10[%get3A_270], %broadcast_in_dim3A_8 masked %broadcast_in_dim3A_273 {add = true} : memref<16xi32, #tpu.memory_space<vmem>>[vector<16xi32>], vector<16xi32>, vector<16xi1>
    %get3A_274 = arith.constant 832 : index
    %get3A_275 = tpu.vector_load %arg8[%get3A_274] {strides = array<i32>} : memref<2048xi32, #tpu.memory_space<vmem>>, vector<16xi32>,
    tpu.vector_store_idx %arg11[%get3A_275], %broadcast_in_dim3A_8 {add = true} : memref<16xi32, #tpu.memory_space<vmem>>[vector<16xi32>], vector<16xi32>,
    %gt3A_276 = arith.constant 52 : i32
    %gt3A_277 = arith.cmpi sgt, %mul3A_15, %gt3A_276 : i32
    %broadcast_in_dim3A_278 = vector.broadcast %gt3A_277 : i1 to vector<16xi1>
    tpu.vector_store_idx %arg10[%get3A_275], %broadcast_in_dim3A_8 masked %broadcast_in_dim3A_278 {add = true} : memref<16xi32, #tpu.memory_space<vmem>>[vector<16xi32>], vector<16xi32>, vector<16xi1>
    %get3A_279 = arith.constant 848 : index
    %get3A_280 = tpu.vector_load %arg8[%get3A_279] {strides = array<i32>} : memref<2048xi32, #tpu.memory_space<vmem>>, vector<16xi32>,
    tpu.vector_store_idx %arg11[%get3A_280], %broadcast_in_dim3A_8 {add = true} : memref<16xi32, #tpu.memory_space<vmem>>[vector<16xi32>], vector<16xi32>,
    %gt3A_281 = arith.constant 53 : i32
    %gt3A_282 = arith.cmpi sgt, %mul3A_15, %gt3A_281 : i32
    %broadcast_in_dim3A_283 = vector.broadcast %gt3A_282 : i1 to vector<16xi1>
    tpu.vector_store_idx %arg10[%get3A_280], %broadcast_in_dim3A_8 masked %broadcast_in_dim3A_283 {add = true} : memref<16xi32, #tpu.memory_space<vmem>>[vector<16xi32>], vector<16xi32>, vector<16xi1>
    %get3A_284 = arith.constant 864 : index
    %get3A_285 = tpu.vector_load %arg8[%get3A_284] {strides = array<i32>} : memref<2048xi32, #tpu.memory_space<vmem>>, vector<16xi32>,
    tpu.vector_store_idx %arg11[%get3A_285], %broadcast_in_dim3A_8 {add = true} : memref<16xi32, #tpu.memory_space<vmem>>[vector<16xi32>], vector<16xi32>,
    %gt3A_286 = arith.constant 54 : i32
    %gt3A_287 = arith.cmpi sgt, %mul3A_15, %gt3A_286 : i32
    %broadcast_in_dim3A_288 = vector.broadcast %gt3A_287 : i1 to vector<16xi1>
    tpu.vector_store_idx %arg10[%get3A_285], %broadcast_in_dim3A_8 masked %broadcast_in_dim3A_288 {add = true} : memref<16xi32, #tpu.memory_space<vmem>>[vector<16xi32>], vector<16xi32>, vector<16xi1>
    %get3A_289 = arith.constant 880 : index
    %get3A_290 = tpu.vector_load %arg8[%get3A_289] {strides = array<i32>} : memref<2048xi32, #tpu.memory_space<vmem>>, vector<16xi32>,
    tpu.vector_store_idx %arg11[%get3A_290], %broadcast_in_dim3A_8 {add = true} : memref<16xi32, #tpu.memory_space<vmem>>[vector<16xi32>], vector<16xi32>,
    %gt3A_291 = arith.constant 55 : i32
    %gt3A_292 = arith.cmpi sgt, %mul3A_15, %gt3A_291 : i32
    %broadcast_in_dim3A_293 = vector.broadcast %gt3A_292 : i1 to vector<16xi1>
    tpu.vector_store_idx %arg10[%get3A_290], %broadcast_in_dim3A_8 masked %broadcast_in_dim3A_293 {add = true} : memref<16xi32, #tpu.memory_space<vmem>>[vector<16xi32>], vector<16xi32>, vector<16xi1>
    %get3A_294 = arith.constant 896 : index
    %get3A_295 = tpu.vector_load %arg8[%get3A_294] {strides = array<i32>} : memref<2048xi32, #tpu.memory_space<vmem>>, vector<16xi32>,
    tpu.vector_store_idx %arg11[%get3A_295], %broadcast_in_dim3A_8 {add = true} : memref<16xi32, #tpu.memory_space<vmem>>[vector<16xi32>], vector<16xi32>,
    %gt3A_296 = arith.constant 56 : i32
    %gt3A_297 = arith.cmpi sgt, %mul3A_15, %gt3A_296 : i32
    %broadcast_in_dim3A_298 = vector.broadcast %gt3A_297 : i1 to vector<16xi1>
    tpu.vector_store_idx %arg10[%get3A_295], %broadcast_in_dim3A_8 masked %broadcast_in_dim3A_298 {add = true} : memref<16xi32, #tpu.memory_space<vmem>>[vector<16xi32>], vector<16xi32>, vector<16xi1>
    %get3A_299 = arith.constant 912 : index
    %get3A_300 = tpu.vector_load %arg8[%get3A_299] {strides = array<i32>} : memref<2048xi32, #tpu.memory_space<vmem>>, vector<16xi32>,
    tpu.vector_store_idx %arg11[%get3A_300], %broadcast_in_dim3A_8 {add = true} : memref<16xi32, #tpu.memory_space<vmem>>[vector<16xi32>], vector<16xi32>,
    %gt3A_301 = arith.constant 57 : i32
    %gt3A_302 = arith.cmpi sgt, %mul3A_15, %gt3A_301 : i32
    %broadcast_in_dim3A_303 = vector.broadcast %gt3A_302 : i1 to vector<16xi1>
    tpu.vector_store_idx %arg10[%get3A_300], %broadcast_in_dim3A_8 masked %broadcast_in_dim3A_303 {add = true} : memref<16xi32, #tpu.memory_space<vmem>>[vector<16xi32>], vector<16xi32>, vector<16xi1>
    %get3A_304 = arith.constant 928 : index
    %get3A_305 = tpu.vector_load %arg8[%get3A_304] {strides = array<i32>} : memref<2048xi32, #tpu.memory_space<vmem>>, vector<16xi32>,
    tpu.vector_store_idx %arg11[%get3A_305], %broadcast_in_dim3A_8 {add = true} : memref<16xi32, #tpu.memory_space<vmem>>[vector<16xi32>], vector<16xi32>,
    %gt3A_306 = arith.constant 58 : i32
    %gt3A_307 = arith.cmpi sgt, %mul3A_15, %gt3A_306 : i32
    %broadcast_in_dim3A_308 = vector.broadcast %gt3A_307 : i1 to vector<16xi1>
    tpu.vector_store_idx %arg10[%get3A_305], %broadcast_in_dim3A_8 masked %broadcast_in_dim3A_308 {add = true} : memref<16xi32, #tpu.memory_space<vmem>>[vector<16xi32>], vector<16xi32>, vector<16xi1>
    %get3A_309 = arith.constant 944 : index
    %get3A_310 = tpu.vector_load %arg8[%get3A_309] {strides = array<i32>} : memref<2048xi32, #tpu.memory_space<vmem>>, vector<16xi32>,
    tpu.vector_store_idx %arg11[%get3A_310], %broadcast_in_dim3A_8 {add = true} : memref<16xi32, #tpu.memory_space<vmem>>[vector<16xi32>], vector<16xi32>,
    %gt3A_311 = arith.constant 59 : i32
    %gt3A_312 = arith.cmpi sgt, %mul3A_15, %gt3A_311 : i32
    %broadcast_in_dim3A_313 = vector.broadcast %gt3A_312 : i1 to vector<16xi1>
    tpu.vector_store_idx %arg10[%get3A_310], %broadcast_in_dim3A_8 masked %broadcast_in_dim3A_313 {add = true} : memref<16xi32, #tpu.memory_space<vmem>>[vector<16xi32>], vector<16xi32>, vector<16xi1>
    %get3A_314 = arith.constant 960 : index
    %get3A_315 = tpu.vector_load %arg8[%get3A_314] {strides = array<i32>} : memref<2048xi32, #tpu.memory_space<vmem>>, vector<16xi32>,
    tpu.vector_store_idx %arg11[%get3A_315], %broadcast_in_dim3A_8 {add = true} : memref<16xi32, #tpu.memory_space<vmem>>[vector<16xi32>], vector<16xi32>,
    %gt3A_316 = arith.constant 60 : i32
    %gt3A_317 = arith.cmpi sgt, %mul3A_15, %gt3A_316 : i32
    %broadcast_in_dim3A_318 = vector.broadcast %gt3A_317 : i1 to vector<16xi1>
    tpu.vector_store_idx %arg10[%get3A_315], %broadcast_in_dim3A_8 masked %broadcast_in_dim3A_318 {add = true} : memref<16xi32, #tpu.memory_space<vmem>>[vector<16xi32>], vector<16xi32>, vector<16xi1>
    %get3A_319 = arith.constant 976 : index
    %get3A_320 = tpu.vector_load %arg8[%get3A_319] {strides = array<i32>} : memref<2048xi32, #tpu.memory_space<vmem>>, vector<16xi32>,
    tpu.vector_store_idx %arg11[%get3A_320], %broadcast_in_dim3A_8 {add = true} : memref<16xi32, #tpu.memory_space<vmem>>[vector<16xi32>], vector<16xi32>,
    %gt3A_321 = arith.constant 61 : i32
    %gt3A_322 = arith.cmpi sgt, %mul3A_15, %gt3A_321 : i32
    %broadcast_in_dim3A_323 = vector.broadcast %gt3A_322 : i1 to vector<16xi1>
    tpu.vector_store_idx %arg10[%get3A_320], %broadcast_in_dim3A_8 masked %broadcast_in_dim3A_323 {add = true} : memref<16xi32, #tpu.memory_space<vmem>>[vector<16xi32>], vector<16xi32>, vector<16xi1>
    %get3A_324 = arith.constant 992 : index
    %get3A_325 = tpu.vector_load %arg8[%get3A_324] {strides = array<i32>} : memref<2048xi32, #tpu.memory_space<vmem>>, vector<16xi32>,
    tpu.vector_store_idx %arg11[%get3A_325], %broadcast_in_dim3A_8 {add = true} : memref<16xi32, #tpu.memory_space<vmem>>[vector<16xi32>], vector<16xi32>,
    %gt3A_326 = arith.constant 62 : i32
    %gt3A_327 = arith.cmpi sgt, %mul3A_15, %gt3A_326 : i32
    %broadcast_in_dim3A_328 = vector.broadcast %gt3A_327 : i1 to vector<16xi1>
    tpu.vector_store_idx %arg10[%get3A_325], %broadcast_in_dim3A_8 masked %broadcast_in_dim3A_328 {add = true} : memref<16xi32, #tpu.memory_space<vmem>>[vector<16xi32>], vector<16xi32>, vector<16xi1>
    %get3A_329 = arith.constant 1008 : index
    %get3A_330 = tpu.vector_load %arg8[%get3A_329] {strides = array<i32>} : memref<2048xi32, #tpu.memory_space<vmem>>, vector<16xi32>,
    tpu.vector_store_idx %arg11[%get3A_330], %broadcast_in_dim3A_8 {add = true} : memref<16xi32, #tpu.memory_space<vmem>>[vector<16xi32>], vector<16xi32>,
    %gt3A_331 = arith.constant 63 : i32
    %gt3A_332 = arith.cmpi sgt, %mul3A_15, %gt3A_331 : i32
    %broadcast_in_dim3A_333 = vector.broadcast %gt3A_332 : i1 to vector<16xi1>
    tpu.vector_store_idx %arg10[%get3A_330], %broadcast_in_dim3A_8 masked %broadcast_in_dim3A_333 {add = true} : memref<16xi32, #tpu.memory_space<vmem>>[vector<16xi32>], vector<16xi32>, vector<16xi1>
    %get3A_334 = arith.constant 1024 : index
    %get3A_335 = tpu.vector_load %arg8[%get3A_334] {strides = array<i32>} : memref<2048xi32, #tpu.memory_space<vmem>>, vector<16xi32>,
    tpu.vector_store_idx %arg11[%get3A_335], %broadcast_in_dim3A_8 {add = true} : memref<16xi32, #tpu.memory_space<vmem>>[vector<16xi32>], vector<16xi32>,
    %gt3A_336 = arith.constant 64 : i32
    %gt3A_337 = arith.cmpi sgt, %mul3A_15, %gt3A_336 : i32
    %broadcast_in_dim3A_338 = vector.broadcast %gt3A_337 : i1 to vector<16xi1>
    tpu.vector_store_idx %arg10[%get3A_335], %broadcast_in_dim3A_8 masked %broadcast_in_dim3A_338 {add = true} : memref<16xi32, #tpu.memory_space<vmem>>[vector<16xi32>], vector<16xi32>, vector<16xi1>
    %get3A_339 = arith.constant 1040 : index
    %get3A_340 = tpu.vector_load %arg8[%get3A_339] {strides = array<i32>} : memref<2048xi32, #tpu.memory_space<vmem>>, vector<16xi32>,
    tpu.vector_store_idx %arg11[%get3A_340], %broadcast_in_dim3A_8 {add = true} : memref<16xi32, #tpu.memory_space<vmem>>[vector<16xi32>], vector<16xi32>,
    %gt3A_341 = arith.constant 65 : i32
    %gt3A_342 = arith.cmpi sgt, %mul3A_15, %gt3A_341 : i32
    %broadcast_in_dim3A_343 = vector.broadcast %gt3A_342 : i1 to vector<16xi1>
    tpu.vector_store_idx %arg10[%get3A_340], %broadcast_in_dim3A_8 masked %broadcast_in_dim3A_343 {add = true} : memref<16xi32, #tpu.memory_space<vmem>>[vector<16xi32>], vector<16xi32>, vector<16xi1>
    %get3A_344 = arith.constant 1056 : index
    %get3A_345 = tpu.vector_load %arg8[%get3A_344] {strides = array<i32>} : memref<2048xi32, #tpu.memory_space<vmem>>, vector<16xi32>,
    tpu.vector_store_idx %arg11[%get3A_345], %broadcast_in_dim3A_8 {add = true} : memref<16xi32, #tpu.memory_space<vmem>>[vector<16xi32>], vector<16xi32>,
    %gt3A_346 = arith.constant 66 : i32
    %gt3A_347 = arith.cmpi sgt, %mul3A_15, %gt3A_346 : i32
    %broadcast_in_dim3A_348 = vector.broadcast %gt3A_347 : i1 to vector<16xi1>
    tpu.vector_store_idx %arg10[%get3A_345], %broadcast_in_dim3A_8 masked %broadcast_in_dim3A_348 {add = true} : memref<16xi32, #tpu.memory_space<vmem>>[vector<16xi32>], vector<16xi32>, vector<16xi1>
    %get3A_349 = arith.constant 1072 : index
    %get3A_350 = tpu.vector_load %arg8[%get3A_349] {strides = array<i32>} : memref<2048xi32, #tpu.memory_space<vmem>>, vector<16xi32>,
    tpu.vector_store_idx %arg11[%get3A_350], %broadcast_in_dim3A_8 {add = true} : memref<16xi32, #tpu.memory_space<vmem>>[vector<16xi32>], vector<16xi32>,
    %gt3A_351 = arith.constant 67 : i32
    %gt3A_352 = arith.cmpi sgt, %mul3A_15, %gt3A_351 : i32
    %broadcast_in_dim3A_353 = vector.broadcast %gt3A_352 : i1 to vector<16xi1>
    tpu.vector_store_idx %arg10[%get3A_350], %broadcast_in_dim3A_8 masked %broadcast_in_dim3A_353 {add = true} : memref<16xi32, #tpu.memory_space<vmem>>[vector<16xi32>], vector<16xi32>, vector<16xi1>
    %get3A_354 = arith.constant 1088 : index
    %get3A_355 = tpu.vector_load %arg8[%get3A_354] {strides = array<i32>} : memref<2048xi32, #tpu.memory_space<vmem>>, vector<16xi32>,
    tpu.vector_store_idx %arg11[%get3A_355], %broadcast_in_dim3A_8 {add = true} : memref<16xi32, #tpu.memory_space<vmem>>[vector<16xi32>], vector<16xi32>,
    %gt3A_356 = arith.constant 68 : i32
    %gt3A_357 = arith.cmpi sgt, %mul3A_15, %gt3A_356 : i32
    %broadcast_in_dim3A_358 = vector.broadcast %gt3A_357 : i1 to vector<16xi1>
    tpu.vector_store_idx %arg10[%get3A_355], %broadcast_in_dim3A_8 masked %broadcast_in_dim3A_358 {add = true} : memref<16xi32, #tpu.memory_space<vmem>>[vector<16xi32>], vector<16xi32>, vector<16xi1>
    %get3A_359 = arith.constant 1104 : index
    %get3A_360 = tpu.vector_load %arg8[%get3A_359] {strides = array<i32>} : memref<2048xi32, #tpu.memory_space<vmem>>, vector<16xi32>,
    tpu.vector_store_idx %arg11[%get3A_360], %broadcast_in_dim3A_8 {add = true} : memref<16xi32, #tpu.memory_space<vmem>>[vector<16xi32>], vector<16xi32>,
    %gt3A_361 = arith.constant 69 : i32
    %gt3A_362 = arith.cmpi sgt, %mul3A_15, %gt3A_361 : i32
    %broadcast_in_dim3A_363 = vector.broadcast %gt3A_362 : i1 to vector<16xi1>
    tpu.vector_store_idx %arg10[%get3A_360], %broadcast_in_dim3A_8 masked %broadcast_in_dim3A_363 {add = true} : memref<16xi32, #tpu.memory_space<vmem>>[vector<16xi32>], vector<16xi32>, vector<16xi1>
    %get3A_364 = arith.constant 1120 : index
    %get3A_365 = tpu.vector_load %arg8[%get3A_364] {strides = array<i32>} : memref<2048xi32, #tpu.memory_space<vmem>>, vector<16xi32>,
    tpu.vector_store_idx %arg11[%get3A_365], %broadcast_in_dim3A_8 {add = true} : memref<16xi32, #tpu.memory_space<vmem>>[vector<16xi32>], vector<16xi32>,
    %gt3A_366 = arith.constant 70 : i32
    %gt3A_367 = arith.cmpi sgt, %mul3A_15, %gt3A_366 : i32
    %broadcast_in_dim3A_368 = vector.broadcast %gt3A_367 : i1 to vector<16xi1>
    tpu.vector_store_idx %arg10[%get3A_365], %broadcast_in_dim3A_8 masked %broadcast_in_dim3A_368 {add = true} : memref<16xi32, #tpu.memory_space<vmem>>[vector<16xi32>], vector<16xi32>, vector<16xi1>
    %get3A_369 = arith.constant 1136 : index
    %get3A_370 = tpu.vector_load %arg8[%get3A_369] {strides = array<i32>} : memref<2048xi32, #tpu.memory_space<vmem>>, vector<16xi32>,
    tpu.vector_store_idx %arg11[%get3A_370], %broadcast_in_dim3A_8 {add = true} : memref<16xi32, #tpu.memory_space<vmem>>[vector<16xi32>], vector<16xi32>,
    %gt3A_371 = arith.constant 71 : i32
    %gt3A_372 = arith.cmpi sgt, %mul3A_15, %gt3A_371 : i32
    %broadcast_in_dim3A_373 = vector.broadcast %gt3A_372 : i1 to vector<16xi1>
    tpu.vector_store_idx %arg10[%get3A_370], %broadcast_in_dim3A_8 masked %broadcast_in_dim3A_373 {add = true} : memref<16xi32, #tpu.memory_space<vmem>>[vector<16xi32>], vector<16xi32>, vector<16xi1>
    %get3A_374 = arith.constant 1152 : index
    %get3A_375 = tpu.vector_load %arg8[%get3A_374] {strides = array<i32>} : memref<2048xi32, #tpu.memory_space<vmem>>, vector<16xi32>,
    tpu.vector_store_idx %arg11[%get3A_375], %broadcast_in_dim3A_8 {add = true} : memref<16xi32, #tpu.memory_space<vmem>>[vector<16xi32>], vector<16xi32>,
    %gt3A_376 = arith.constant 72 : i32
    %gt3A_377 = arith.cmpi sgt, %mul3A_15, %gt3A_376 : i32
    %broadcast_in_dim3A_378 = vector.broadcast %gt3A_377 : i1 to vector<16xi1>
    tpu.vector_store_idx %arg10[%get3A_375], %broadcast_in_dim3A_8 masked %broadcast_in_dim3A_378 {add = true} : memref<16xi32, #tpu.memory_space<vmem>>[vector<16xi32>], vector<16xi32>, vector<16xi1>
    %get3A_379 = arith.constant 1168 : index
    %get3A_380 = tpu.vector_load %arg8[%get3A_379] {strides = array<i32>} : memref<2048xi32, #tpu.memory_space<vmem>>, vector<16xi32>,
    tpu.vector_store_idx %arg11[%get3A_380], %broadcast_in_dim3A_8 {add = true} : memref<16xi32, #tpu.memory_space<vmem>>[vector<16xi32>], vector<16xi32>,
    %gt3A_381 = arith.constant 73 : i32
    %gt3A_382 = arith.cmpi sgt, %mul3A_15, %gt3A_381 : i32
    %broadcast_in_dim3A_383 = vector.broadcast %gt3A_382 : i1 to vector<16xi1>
    tpu.vector_store_idx %arg10[%get3A_380], %broadcast_in_dim3A_8 masked %broadcast_in_dim3A_383 {add = true} : memref<16xi32, #tpu.memory_space<vmem>>[vector<16xi32>], vector<16xi32>, vector<16xi1>
    %get3A_384 = arith.constant 1184 : index
    %get3A_385 = tpu.vector_load %arg8[%get3A_384] {strides = array<i32>} : memref<2048xi32, #tpu.memory_space<vmem>>, vector<16xi32>,
    tpu.vector_store_idx %arg11[%get3A_385], %broadcast_in_dim3A_8 {add = true} : memref<16xi32, #tpu.memory_space<vmem>>[vector<16xi32>], vector<16xi32>,
    %gt3A_386 = arith.constant 74 : i32
    %gt3A_387 = arith.cmpi sgt, %mul3A_15, %gt3A_386 : i32
    %broadcast_in_dim3A_388 = vector.broadcast %gt3A_387 : i1 to vector<16xi1>
    tpu.vector_store_idx %arg10[%get3A_385], %broadcast_in_dim3A_8 masked %broadcast_in_dim3A_388 {add = true} : memref<16xi32, #tpu.memory_space<vmem>>[vector<16xi32>], vector<16xi32>, vector<16xi1>
    %get3A_389 = arith.constant 1200 : index
    %get3A_390 = tpu.vector_load %arg8[%get3A_389] {strides = array<i32>} : memref<2048xi32, #tpu.memory_space<vmem>>, vector<16xi32>,
    tpu.vector_store_idx %arg11[%get3A_390], %broadcast_in_dim3A_8 {add = true} : memref<16xi32, #tpu.memory_space<vmem>>[vector<16xi32>], vector<16xi32>,
    %gt3A_391 = arith.constant 75 : i32
    %gt3A_392 = arith.cmpi sgt, %mul3A_15, %gt3A_391 : i32
    %broadcast_in_dim3A_393 = vector.broadcast %gt3A_392 : i1 to vector<16xi1>
    tpu.vector_store_idx %arg10[%get3A_390], %broadcast_in_dim3A_8 masked %broadcast_in_dim3A_393 {add = true} : memref<16xi32, #tpu.memory_space<vmem>>[vector<16xi32>], vector<16xi32>, vector<16xi1>
    %get3A_394 = arith.constant 1216 : index
    %get3A_395 = tpu.vector_load %arg8[%get3A_394] {strides = array<i32>} : memref<2048xi32, #tpu.memory_space<vmem>>, vector<16xi32>,
    tpu.vector_store_idx %arg11[%get3A_395], %broadcast_in_dim3A_8 {add = true} : memref<16xi32, #tpu.memory_space<vmem>>[vector<16xi32>], vector<16xi32>,
    %gt3A_396 = arith.constant 76 : i32
    %gt3A_397 = arith.cmpi sgt, %mul3A_15, %gt3A_396 : i32
    %broadcast_in_dim3A_398 = vector.broadcast %gt3A_397 : i1 to vector<16xi1>
    tpu.vector_store_idx %arg10[%get3A_395], %broadcast_in_dim3A_8 masked %broadcast_in_dim3A_398 {add = true} : memref<16xi32, #tpu.memory_space<vmem>>[vector<16xi32>], vector<16xi32>, vector<16xi1>
    %get3A_399 = arith.constant 1232 : index
    %get3A_400 = tpu.vector_load %arg8[%get3A_399] {strides = array<i32>} : memref<2048xi32, #tpu.memory_space<vmem>>, vector<16xi32>,
    tpu.vector_store_idx %arg11[%get3A_400], %broadcast_in_dim3A_8 {add = true} : memref<16xi32, #tpu.memory_space<vmem>>[vector<16xi32>], vector<16xi32>,
    %gt3A_401 = arith.constant 77 : i32
    %gt3A_402 = arith.cmpi sgt, %mul3A_15, %gt3A_401 : i32
    %broadcast_in_dim3A_403 = vector.broadcast %gt3A_402 : i1 to vector<16xi1>
    tpu.vector_store_idx %arg10[%get3A_400], %broadcast_in_dim3A_8 masked %broadcast_in_dim3A_403 {add = true} : memref<16xi32, #tpu.memory_space<vmem>>[vector<16xi32>], vector<16xi32>, vector<16xi1>
    %get3A_404 = arith.constant 1248 : index
    %get3A_405 = tpu.vector_load %arg8[%get3A_404] {strides = array<i32>} : memref<2048xi32, #tpu.memory_space<vmem>>, vector<16xi32>,
    tpu.vector_store_idx %arg11[%get3A_405], %broadcast_in_dim3A_8 {add = true} : memref<16xi32, #tpu.memory_space<vmem>>[vector<16xi32>], vector<16xi32>,
    %gt3A_406 = arith.constant 78 : i32
    %gt3A_407 = arith.cmpi sgt, %mul3A_15, %gt3A_406 : i32
    %broadcast_in_dim3A_408 = vector.broadcast %gt3A_407 : i1 to vector<16xi1>
    tpu.vector_store_idx %arg10[%get3A_405], %broadcast_in_dim3A_8 masked %broadcast_in_dim3A_408 {add = true} : memref<16xi32, #tpu.memory_space<vmem>>[vector<16xi32>], vector<16xi32>, vector<16xi1>
    %get3A_409 = arith.constant 1264 : index
    %get3A_410 = tpu.vector_load %arg8[%get3A_409] {strides = array<i32>} : memref<2048xi32, #tpu.memory_space<vmem>>, vector<16xi32>,
    tpu.vector_store_idx %arg11[%get3A_410], %broadcast_in_dim3A_8 {add = true} : memref<16xi32, #tpu.memory_space<vmem>>[vector<16xi32>], vector<16xi32>,
    %gt3A_411 = arith.constant 79 : i32
    %gt3A_412 = arith.cmpi sgt, %mul3A_15, %gt3A_411 : i32
    %broadcast_in_dim3A_413 = vector.broadcast %gt3A_412 : i1 to vector<16xi1>
    tpu.vector_store_idx %arg10[%get3A_410], %broadcast_in_dim3A_8 masked %broadcast_in_dim3A_413 {add = true} : memref<16xi32, #tpu.memory_space<vmem>>[vector<16xi32>], vector<16xi32>, vector<16xi1>
    %get3A_414 = arith.constant 1280 : index
    %get3A_415 = tpu.vector_load %arg8[%get3A_414] {strides = array<i32>} : memref<2048xi32, #tpu.memory_space<vmem>>, vector<16xi32>,
    tpu.vector_store_idx %arg11[%get3A_415], %broadcast_in_dim3A_8 {add = true} : memref<16xi32, #tpu.memory_space<vmem>>[vector<16xi32>], vector<16xi32>,
    %gt3A_416 = arith.constant 80 : i32
    %gt3A_417 = arith.cmpi sgt, %mul3A_15, %gt3A_416 : i32
    %broadcast_in_dim3A_418 = vector.broadcast %gt3A_417 : i1 to vector<16xi1>
    tpu.vector_store_idx %arg10[%get3A_415], %broadcast_in_dim3A_8 masked %broadcast_in_dim3A_418 {add = true} : memref<16xi32, #tpu.memory_space<vmem>>[vector<16xi32>], vector<16xi32>, vector<16xi1>
    %get3A_419 = arith.constant 1296 : index
    %get3A_420 = tpu.vector_load %arg8[%get3A_419] {strides = array<i32>} : memref<2048xi32, #tpu.memory_space<vmem>>, vector<16xi32>,
    tpu.vector_store_idx %arg11[%get3A_420], %broadcast_in_dim3A_8 {add = true} : memref<16xi32, #tpu.memory_space<vmem>>[vector<16xi32>], vector<16xi32>,
    %gt3A_421 = arith.constant 81 : i32
    %gt3A_422 = arith.cmpi sgt, %mul3A_15, %gt3A_421 : i32
    %broadcast_in_dim3A_423 = vector.broadcast %gt3A_422 : i1 to vector<16xi1>
    tpu.vector_store_idx %arg10[%get3A_420], %broadcast_in_dim3A_8 masked %broadcast_in_dim3A_423 {add = true} : memref<16xi32, #tpu.memory_space<vmem>>[vector<16xi32>], vector<16xi32>, vector<16xi1>
    %get3A_424 = arith.constant 1312 : index
    %get3A_425 = tpu.vector_load %arg8[%get3A_424] {strides = array<i32>} : memref<2048xi32, #tpu.memory_space<vmem>>, vector<16xi32>,
    tpu.vector_store_idx %arg11[%get3A_425], %broadcast_in_dim3A_8 {add = true} : memref<16xi32, #tpu.memory_space<vmem>>[vector<16xi32>], vector<16xi32>,
    %gt3A_426 = arith.constant 82 : i32
    %gt3A_427 = arith.cmpi sgt, %mul3A_15, %gt3A_426 : i32
    %broadcast_in_dim3A_428 = vector.broadcast %gt3A_427 : i1 to vector<16xi1>
    tpu.vector_store_idx %arg10[%get3A_425], %broadcast_in_dim3A_8 masked %broadcast_in_dim3A_428 {add = true} : memref<16xi32, #tpu.memory_space<vmem>>[vector<16xi32>], vector<16xi32>, vector<16xi1>
    %get3A_429 = arith.constant 1328 : index
    %get3A_430 = tpu.vector_load %arg8[%get3A_429] {strides = array<i32>} : memref<2048xi32, #tpu.memory_space<vmem>>, vector<16xi32>,
    tpu.vector_store_idx %arg11[%get3A_430], %broadcast_in_dim3A_8 {add = true} : memref<16xi32, #tpu.memory_space<vmem>>[vector<16xi32>], vector<16xi32>,
    %gt3A_431 = arith.constant 83 : i32
    %gt3A_432 = arith.cmpi sgt, %mul3A_15, %gt3A_431 : i32
    %broadcast_in_dim3A_433 = vector.broadcast %gt3A_432 : i1 to vector<16xi1>
    tpu.vector_store_idx %arg10[%get3A_430], %broadcast_in_dim3A_8 masked %broadcast_in_dim3A_433 {add = true} : memref<16xi32, #tpu.memory_space<vmem>>[vector<16xi32>], vector<16xi32>, vector<16xi1>
    %get3A_434 = arith.constant 1344 : index
    %get3A_435 = tpu.vector_load %arg8[%get3A_434] {strides = array<i32>} : memref<2048xi32, #tpu.memory_space<vmem>>, vector<16xi32>,
    tpu.vector_store_idx %arg11[%get3A_435], %broadcast_in_dim3A_8 {add = true} : memref<16xi32, #tpu.memory_space<vmem>>[vector<16xi32>], vector<16xi32>,
    %gt3A_436 = arith.constant 84 : i32
    %gt3A_437 = arith.cmpi sgt, %mul3A_15, %gt3A_436 : i32
    %broadcast_in_dim3A_438 = vector.broadcast %gt3A_437 : i1 to vector<16xi1>
    tpu.vector_store_idx %arg10[%get3A_435], %broadcast_in_dim3A_8 masked %broadcast_in_dim3A_438 {add = true} : memref<16xi32, #tpu.memory_space<vmem>>[vector<16xi32>], vector<16xi32>, vector<16xi1>
    %get3A_439 = arith.constant 1360 : index
    %get3A_440 = tpu.vector_load %arg8[%get3A_439] {strides = array<i32>} : memref<2048xi32, #tpu.memory_space<vmem>>, vector<16xi32>,
    tpu.vector_store_idx %arg11[%get3A_440], %broadcast_in_dim3A_8 {add = true} : memref<16xi32, #tpu.memory_space<vmem>>[vector<16xi32>], vector<16xi32>,
    %gt3A_441 = arith.constant 85 : i32
    %gt3A_442 = arith.cmpi sgt, %mul3A_15, %gt3A_441 : i32
    %broadcast_in_dim3A_443 = vector.broadcast %gt3A_442 : i1 to vector<16xi1>
    tpu.vector_store_idx %arg10[%get3A_440], %broadcast_in_dim3A_8 masked %broadcast_in_dim3A_443 {add = true} : memref<16xi32, #tpu.memory_space<vmem>>[vector<16xi32>], vector<16xi32>, vector<16xi1>
    %get3A_444 = arith.constant 1376 : index
    %get3A_445 = tpu.vector_load %arg8[%get3A_444] {strides = array<i32>} : memref<2048xi32, #tpu.memory_space<vmem>>, vector<16xi32>,
    tpu.vector_store_idx %arg11[%get3A_445], %broadcast_in_dim3A_8 {add = true} : memref<16xi32, #tpu.memory_space<vmem>>[vector<16xi32>], vector<16xi32>,
    %gt3A_446 = arith.constant 86 : i32
    %gt3A_447 = arith.cmpi sgt, %mul3A_15, %gt3A_446 : i32
    %broadcast_in_dim3A_448 = vector.broadcast %gt3A_447 : i1 to vector<16xi1>
    tpu.vector_store_idx %arg10[%get3A_445], %broadcast_in_dim3A_8 masked %broadcast_in_dim3A_448 {add = true} : memref<16xi32, #tpu.memory_space<vmem>>[vector<16xi32>], vector<16xi32>, vector<16xi1>
    %get3A_449 = arith.constant 1392 : index
    %get3A_450 = tpu.vector_load %arg8[%get3A_449] {strides = array<i32>} : memref<2048xi32, #tpu.memory_space<vmem>>, vector<16xi32>,
    tpu.vector_store_idx %arg11[%get3A_450], %broadcast_in_dim3A_8 {add = true} : memref<16xi32, #tpu.memory_space<vmem>>[vector<16xi32>], vector<16xi32>,
    %gt3A_451 = arith.constant 87 : i32
    %gt3A_452 = arith.cmpi sgt, %mul3A_15, %gt3A_451 : i32
    %broadcast_in_dim3A_453 = vector.broadcast %gt3A_452 : i1 to vector<16xi1>
    tpu.vector_store_idx %arg10[%get3A_450], %broadcast_in_dim3A_8 masked %broadcast_in_dim3A_453 {add = true} : memref<16xi32, #tpu.memory_space<vmem>>[vector<16xi32>], vector<16xi32>, vector<16xi1>
    %get3A_454 = arith.constant 1408 : index
    %get3A_455 = tpu.vector_load %arg8[%get3A_454] {strides = array<i32>} : memref<2048xi32, #tpu.memory_space<vmem>>, vector<16xi32>,
    tpu.vector_store_idx %arg11[%get3A_455], %broadcast_in_dim3A_8 {add = true} : memref<16xi32, #tpu.memory_space<vmem>>[vector<16xi32>], vector<16xi32>,
    %gt3A_456 = arith.constant 88 : i32
    %gt3A_457 = arith.cmpi sgt, %mul3A_15, %gt3A_456 : i32
    %broadcast_in_dim3A_458 = vector.broadcast %gt3A_457 : i1 to vector<16xi1>
    tpu.vector_store_idx %arg10[%get3A_455], %broadcast_in_dim3A_8 masked %broadcast_in_dim3A_458 {add = true} : memref<16xi32, #tpu.memory_space<vmem>>[vector<16xi32>], vector<16xi32>, vector<16xi1>
    %get3A_459 = arith.constant 1424 : index
    %get3A_460 = tpu.vector_load %arg8[%get3A_459] {strides = array<i32>} : memref<2048xi32, #tpu.memory_space<vmem>>, vector<16xi32>,
    tpu.vector_store_idx %arg11[%get3A_460], %broadcast_in_dim3A_8 {add = true} : memref<16xi32, #tpu.memory_space<vmem>>[vector<16xi32>], vector<16xi32>,
    %gt3A_461 = arith.constant 89 : i32
    %gt3A_462 = arith.cmpi sgt, %mul3A_15, %gt3A_461 : i32
    %broadcast_in_dim3A_463 = vector.broadcast %gt3A_462 : i1 to vector<16xi1>
    tpu.vector_store_idx %arg10[%get3A_460], %broadcast_in_dim3A_8 masked %broadcast_in_dim3A_463 {add = true} : memref<16xi32, #tpu.memory_space<vmem>>[vector<16xi32>], vector<16xi32>, vector<16xi1>
    %get3A_464 = arith.constant 1440 : index
    %get3A_465 = tpu.vector_load %arg8[%get3A_464] {strides = array<i32>} : memref<2048xi32, #tpu.memory_space<vmem>>, vector<16xi32>,
    tpu.vector_store_idx %arg11[%get3A_465], %broadcast_in_dim3A_8 {add = true} : memref<16xi32, #tpu.memory_space<vmem>>[vector<16xi32>], vector<16xi32>,
    %gt3A_466 = arith.constant 90 : i32
    %gt3A_467 = arith.cmpi sgt, %mul3A_15, %gt3A_466 : i32
    %broadcast_in_dim3A_468 = vector.broadcast %gt3A_467 : i1 to vector<16xi1>
    tpu.vector_store_idx %arg10[%get3A_465], %broadcast_in_dim3A_8 masked %broadcast_in_dim3A_468 {add = true} : memref<16xi32, #tpu.memory_space<vmem>>[vector<16xi32>], vector<16xi32>, vector<16xi1>
    %get3A_469 = arith.constant 1456 : index
    %get3A_470 = tpu.vector_load %arg8[%get3A_469] {strides = array<i32>} : memref<2048xi32, #tpu.memory_space<vmem>>, vector<16xi32>,
    tpu.vector_store_idx %arg11[%get3A_470], %broadcast_in_dim3A_8 {add = true} : memref<16xi32, #tpu.memory_space<vmem>>[vector<16xi32>], vector<16xi32>,
    %gt3A_471 = arith.constant 91 : i32
    %gt3A_472 = arith.cmpi sgt, %mul3A_15, %gt3A_471 : i32
    %broadcast_in_dim3A_473 = vector.broadcast %gt3A_472 : i1 to vector<16xi1>
    tpu.vector_store_idx %arg10[%get3A_470], %broadcast_in_dim3A_8 masked %broadcast_in_dim3A_473 {add = true} : memref<16xi32, #tpu.memory_space<vmem>>[vector<16xi32>], vector<16xi32>, vector<16xi1>
    %get3A_474 = arith.constant 1472 : index
    %get3A_475 = tpu.vector_load %arg8[%get3A_474] {strides = array<i32>} : memref<2048xi32, #tpu.memory_space<vmem>>, vector<16xi32>,
    tpu.vector_store_idx %arg11[%get3A_475], %broadcast_in_dim3A_8 {add = true} : memref<16xi32, #tpu.memory_space<vmem>>[vector<16xi32>], vector<16xi32>,
    %gt3A_476 = arith.constant 92 : i32
    %gt3A_477 = arith.cmpi sgt, %mul3A_15, %gt3A_476 : i32
    %broadcast_in_dim3A_478 = vector.broadcast %gt3A_477 : i1 to vector<16xi1>
    tpu.vector_store_idx %arg10[%get3A_475], %broadcast_in_dim3A_8 masked %broadcast_in_dim3A_478 {add = true} : memref<16xi32, #tpu.memory_space<vmem>>[vector<16xi32>], vector<16xi32>, vector<16xi1>
    %get3A_479 = arith.constant 1488 : index
    %get3A_480 = tpu.vector_load %arg8[%get3A_479] {strides = array<i32>} : memref<2048xi32, #tpu.memory_space<vmem>>, vector<16xi32>,
    tpu.vector_store_idx %arg11[%get3A_480], %broadcast_in_dim3A_8 {add = true} : memref<16xi32, #tpu.memory_space<vmem>>[vector<16xi32>], vector<16xi32>,
    %gt3A_481 = arith.constant 93 : i32
    %gt3A_482 = arith.cmpi sgt, %mul3A_15, %gt3A_481 : i32
    %broadcast_in_dim3A_483 = vector.broadcast %gt3A_482 : i1 to vector<16xi1>
    tpu.vector_store_idx %arg10[%get3A_480], %broadcast_in_dim3A_8 masked %broadcast_in_dim3A_483 {add = true} : memref<16xi32, #tpu.memory_space<vmem>>[vector<16xi32>], vector<16xi32>, vector<16xi1>
    %get3A_484 = arith.constant 1504 : index
    %get3A_485 = tpu.vector_load %arg8[%get3A_484] {strides = array<i32>} : memref<2048xi32, #tpu.memory_space<vmem>>, vector<16xi32>,
    tpu.vector_store_idx %arg11[%get3A_485], %broadcast_in_dim3A_8 {add = true} : memref<16xi32, #tpu.memory_space<vmem>>[vector<16xi32>], vector<16xi32>,
    %gt3A_486 = arith.constant 94 : i32
    %gt3A_487 = arith.cmpi sgt, %mul3A_15, %gt3A_486 : i32
    %broadcast_in_dim3A_488 = vector.broadcast %gt3A_487 : i1 to vector<16xi1>
    tpu.vector_store_idx %arg10[%get3A_485], %broadcast_in_dim3A_8 masked %broadcast_in_dim3A_488 {add = true} : memref<16xi32, #tpu.memory_space<vmem>>[vector<16xi32>], vector<16xi32>, vector<16xi1>
    %get3A_489 = arith.constant 1520 : index
    %get3A_490 = tpu.vector_load %arg8[%get3A_489] {strides = array<i32>} : memref<2048xi32, #tpu.memory_space<vmem>>, vector<16xi32>,
    tpu.vector_store_idx %arg11[%get3A_490], %broadcast_in_dim3A_8 {add = true} : memref<16xi32, #tpu.memory_space<vmem>>[vector<16xi32>], vector<16xi32>,
    %gt3A_491 = arith.constant 95 : i32
    %gt3A_492 = arith.cmpi sgt, %mul3A_15, %gt3A_491 : i32
    %broadcast_in_dim3A_493 = vector.broadcast %gt3A_492 : i1 to vector<16xi1>
    tpu.vector_store_idx %arg10[%get3A_490], %broadcast_in_dim3A_8 masked %broadcast_in_dim3A_493 {add = true} : memref<16xi32, #tpu.memory_space<vmem>>[vector<16xi32>], vector<16xi32>, vector<16xi1>
    %get3A_494 = arith.constant 1536 : index
    %get3A_495 = tpu.vector_load %arg8[%get3A_494] {strides = array<i32>} : memref<2048xi32, #tpu.memory_space<vmem>>, vector<16xi32>,
    tpu.vector_store_idx %arg11[%get3A_495], %broadcast_in_dim3A_8 {add = true} : memref<16xi32, #tpu.memory_space<vmem>>[vector<16xi32>], vector<16xi32>,
    %gt3A_496 = arith.constant 96 : i32
    %gt3A_497 = arith.cmpi sgt, %mul3A_15, %gt3A_496 : i32
    %broadcast_in_dim3A_498 = vector.broadcast %gt3A_497 : i1 to vector<16xi1>
    tpu.vector_store_idx %arg10[%get3A_495], %broadcast_in_dim3A_8 masked %broadcast_in_dim3A_498 {add = true} : memref<16xi32, #tpu.memory_space<vmem>>[vector<16xi32>], vector<16xi32>, vector<16xi1>
    %get3A_499 = arith.constant 1552 : index
    %get3A_500 = tpu.vector_load %arg8[%get3A_499] {strides = array<i32>} : memref<2048xi32, #tpu.memory_space<vmem>>, vector<16xi32>,
    tpu.vector_store_idx %arg11[%get3A_500], %broadcast_in_dim3A_8 {add = true} : memref<16xi32, #tpu.memory_space<vmem>>[vector<16xi32>], vector<16xi32>,
    %gt3A_501 = arith.constant 97 : i32
    %gt3A_502 = arith.cmpi sgt, %mul3A_15, %gt3A_501 : i32
    %broadcast_in_dim3A_503 = vector.broadcast %gt3A_502 : i1 to vector<16xi1>
    tpu.vector_store_idx %arg10[%get3A_500], %broadcast_in_dim3A_8 masked %broadcast_in_dim3A_503 {add = true} : memref<16xi32, #tpu.memory_space<vmem>>[vector<16xi32>], vector<16xi32>, vector<16xi1>
    %get3A_504 = arith.constant 1568 : index
    %get3A_505 = tpu.vector_load %arg8[%get3A_504] {strides = array<i32>} : memref<2048xi32, #tpu.memory_space<vmem>>, vector<16xi32>,
    tpu.vector_store_idx %arg11[%get3A_505], %broadcast_in_dim3A_8 {add = true} : memref<16xi32, #tpu.memory_space<vmem>>[vector<16xi32>], vector<16xi32>,
    %gt3A_506 = arith.constant 98 : i32
    %gt3A_507 = arith.cmpi sgt, %mul3A_15, %gt3A_506 : i32
    %broadcast_in_dim3A_508 = vector.broadcast %gt3A_507 : i1 to vector<16xi1>
    tpu.vector_store_idx %arg10[%get3A_505], %broadcast_in_dim3A_8 masked %broadcast_in_dim3A_508 {add = true} : memref<16xi32, #tpu.memory_space<vmem>>[vector<16xi32>], vector<16xi32>, vector<16xi1>
    %get3A_509 = arith.constant 1584 : index
    %get3A_510 = tpu.vector_load %arg8[%get3A_509] {strides = array<i32>} : memref<2048xi32, #tpu.memory_space<vmem>>, vector<16xi32>,
    tpu.vector_store_idx %arg11[%get3A_510], %broadcast_in_dim3A_8 {add = true} : memref<16xi32, #tpu.memory_space<vmem>>[vector<16xi32>], vector<16xi32>,
    %gt3A_511 = arith.constant 99 : i32
    %gt3A_512 = arith.cmpi sgt, %mul3A_15, %gt3A_511 : i32
    %broadcast_in_dim3A_513 = vector.broadcast %gt3A_512 : i1 to vector<16xi1>
    tpu.vector_store_idx %arg10[%get3A_510], %broadcast_in_dim3A_8 masked %broadcast_in_dim3A_513 {add = true} : memref<16xi32, #tpu.memory_space<vmem>>[vector<16xi32>], vector<16xi32>, vector<16xi1>
    %get3A_514 = arith.constant 1600 : index
    %get3A_515 = tpu.vector_load %arg8[%get3A_514] {strides = array<i32>} : memref<2048xi32, #tpu.memory_space<vmem>>, vector<16xi32>,
    tpu.vector_store_idx %arg11[%get3A_515], %broadcast_in_dim3A_8 {add = true} : memref<16xi32, #tpu.memory_space<vmem>>[vector<16xi32>], vector<16xi32>,
    %gt3A_516 = arith.constant 100 : i32
    %gt3A_517 = arith.cmpi sgt, %mul3A_15, %gt3A_516 : i32
    %broadcast_in_dim3A_518 = vector.broadcast %gt3A_517 : i1 to vector<16xi1>
    tpu.vector_store_idx %arg10[%get3A_515], %broadcast_in_dim3A_8 masked %broadcast_in_dim3A_518 {add = true} : memref<16xi32, #tpu.memory_space<vmem>>[vector<16xi32>], vector<16xi32>, vector<16xi1>
    %get3A_519 = arith.constant 1616 : index
    %get3A_520 = tpu.vector_load %arg8[%get3A_519] {strides = array<i32>} : memref<2048xi32, #tpu.memory_space<vmem>>, vector<16xi32>,
    tpu.vector_store_idx %arg11[%get3A_520], %broadcast_in_dim3A_8 {add = true} : memref<16xi32, #tpu.memory_space<vmem>>[vector<16xi32>], vector<16xi32>,
    %gt3A_521 = arith.constant 101 : i32
    %gt3A_522 = arith.cmpi sgt, %mul3A_15, %gt3A_521 : i32
    %broadcast_in_dim3A_523 = vector.broadcast %gt3A_522 : i1 to vector<16xi1>
    tpu.vector_store_idx %arg10[%get3A_520], %broadcast_in_dim3A_8 masked %broadcast_in_dim3A_523 {add = true} : memref<16xi32, #tpu.memory_space<vmem>>[vector<16xi32>], vector<16xi32>, vector<16xi1>
    %get3A_524 = arith.constant 1632 : index
    %get3A_525 = tpu.vector_load %arg8[%get3A_524] {strides = array<i32>} : memref<2048xi32, #tpu.memory_space<vmem>>, vector<16xi32>,
    tpu.vector_store_idx %arg11[%get3A_525], %broadcast_in_dim3A_8 {add = true} : memref<16xi32, #tpu.memory_space<vmem>>[vector<16xi32>], vector<16xi32>,
    %gt3A_526 = arith.constant 102 : i32
    %gt3A_527 = arith.cmpi sgt, %mul3A_15, %gt3A_526 : i32
    %broadcast_in_dim3A_528 = vector.broadcast %gt3A_527 : i1 to vector<16xi1>
    tpu.vector_store_idx %arg10[%get3A_525], %broadcast_in_dim3A_8 masked %broadcast_in_dim3A_528 {add = true} : memref<16xi32, #tpu.memory_space<vmem>>[vector<16xi32>], vector<16xi32>, vector<16xi1>
    %get3A_529 = arith.constant 1648 : index
    %get3A_530 = tpu.vector_load %arg8[%get3A_529] {strides = array<i32>} : memref<2048xi32, #tpu.memory_space<vmem>>, vector<16xi32>,
    tpu.vector_store_idx %arg11[%get3A_530], %broadcast_in_dim3A_8 {add = true} : memref<16xi32, #tpu.memory_space<vmem>>[vector<16xi32>], vector<16xi32>,
    %gt3A_531 = arith.constant 103 : i32
    %gt3A_532 = arith.cmpi sgt, %mul3A_15, %gt3A_531 : i32
    %broadcast_in_dim3A_533 = vector.broadcast %gt3A_532 : i1 to vector<16xi1>
    tpu.vector_store_idx %arg10[%get3A_530], %broadcast_in_dim3A_8 masked %broadcast_in_dim3A_533 {add = true} : memref<16xi32, #tpu.memory_space<vmem>>[vector<16xi32>], vector<16xi32>, vector<16xi1>
    %get3A_534 = arith.constant 1664 : index
    %get3A_535 = tpu.vector_load %arg8[%get3A_534] {strides = array<i32>} : memref<2048xi32, #tpu.memory_space<vmem>>, vector<16xi32>,
    tpu.vector_store_idx %arg11[%get3A_535], %broadcast_in_dim3A_8 {add = true} : memref<16xi32, #tpu.memory_space<vmem>>[vector<16xi32>], vector<16xi32>,
    %gt3A_536 = arith.constant 104 : i32
    %gt3A_537 = arith.cmpi sgt, %mul3A_15, %gt3A_536 : i32
    %broadcast_in_dim3A_538 = vector.broadcast %gt3A_537 : i1 to vector<16xi1>
    tpu.vector_store_idx %arg10[%get3A_535], %broadcast_in_dim3A_8 masked %broadcast_in_dim3A_538 {add = true} : memref<16xi32, #tpu.memory_space<vmem>>[vector<16xi32>], vector<16xi32>, vector<16xi1>
    %get3A_539 = arith.constant 1680 : index
    %get3A_540 = tpu.vector_load %arg8[%get3A_539] {strides = array<i32>} : memref<2048xi32, #tpu.memory_space<vmem>>, vector<16xi32>,
    tpu.vector_store_idx %arg11[%get3A_540], %broadcast_in_dim3A_8 {add = true} : memref<16xi32, #tpu.memory_space<vmem>>[vector<16xi32>], vector<16xi32>,
    %gt3A_541 = arith.constant 105 : i32
    %gt3A_542 = arith.cmpi sgt, %mul3A_15, %gt3A_541 : i32
    %broadcast_in_dim3A_543 = vector.broadcast %gt3A_542 : i1 to vector<16xi1>
    tpu.vector_store_idx %arg10[%get3A_540], %broadcast_in_dim3A_8 masked %broadcast_in_dim3A_543 {add = true} : memref<16xi32, #tpu.memory_space<vmem>>[vector<16xi32>], vector<16xi32>, vector<16xi1>
    %get3A_544 = arith.constant 1696 : index
    %get3A_545 = tpu.vector_load %arg8[%get3A_544] {strides = array<i32>} : memref<2048xi32, #tpu.memory_space<vmem>>, vector<16xi32>,
    tpu.vector_store_idx %arg11[%get3A_545], %broadcast_in_dim3A_8 {add = true} : memref<16xi32, #tpu.memory_space<vmem>>[vector<16xi32>], vector<16xi32>,
    %gt3A_546 = arith.constant 106 : i32
    %gt3A_547 = arith.cmpi sgt, %mul3A_15, %gt3A_546 : i32
    %broadcast_in_dim3A_548 = vector.broadcast %gt3A_547 : i1 to vector<16xi1>
    tpu.vector_store_idx %arg10[%get3A_545], %broadcast_in_dim3A_8 masked %broadcast_in_dim3A_548 {add = true} : memref<16xi32, #tpu.memory_space<vmem>>[vector<16xi32>], vector<16xi32>, vector<16xi1>
    %get3A_549 = arith.constant 1712 : index
    %get3A_550 = tpu.vector_load %arg8[%get3A_549] {strides = array<i32>} : memref<2048xi32, #tpu.memory_space<vmem>>, vector<16xi32>,
    tpu.vector_store_idx %arg11[%get3A_550], %broadcast_in_dim3A_8 {add = true} : memref<16xi32, #tpu.memory_space<vmem>>[vector<16xi32>], vector<16xi32>,
    %gt3A_551 = arith.constant 107 : i32
    %gt3A_552 = arith.cmpi sgt, %mul3A_15, %gt3A_551 : i32
    %broadcast_in_dim3A_553 = vector.broadcast %gt3A_552 : i1 to vector<16xi1>
    tpu.vector_store_idx %arg10[%get3A_550], %broadcast_in_dim3A_8 masked %broadcast_in_dim3A_553 {add = true} : memref<16xi32, #tpu.memory_space<vmem>>[vector<16xi32>], vector<16xi32>, vector<16xi1>
    %get3A_554 = arith.constant 1728 : index
    %get3A_555 = tpu.vector_load %arg8[%get3A_554] {strides = array<i32>} : memref<2048xi32, #tpu.memory_space<vmem>>, vector<16xi32>,
    tpu.vector_store_idx %arg11[%get3A_555], %broadcast_in_dim3A_8 {add = true} : memref<16xi32, #tpu.memory_space<vmem>>[vector<16xi32>], vector<16xi32>,
    %gt3A_556 = arith.constant 108 : i32
    %gt3A_557 = arith.cmpi sgt, %mul3A_15, %gt3A_556 : i32
    %broadcast_in_dim3A_558 = vector.broadcast %gt3A_557 : i1 to vector<16xi1>
    tpu.vector_store_idx %arg10[%get3A_555], %broadcast_in_dim3A_8 masked %broadcast_in_dim3A_558 {add = true} : memref<16xi32, #tpu.memory_space<vmem>>[vector<16xi32>], vector<16xi32>, vector<16xi1>
    %get3A_559 = arith.constant 1744 : index
    %get3A_560 = tpu.vector_load %arg8[%get3A_559] {strides = array<i32>} : memref<2048xi32, #tpu.memory_space<vmem>>, vector<16xi32>,
    tpu.vector_store_idx %arg11[%get3A_560], %broadcast_in_dim3A_8 {add = true} : memref<16xi32, #tpu.memory_space<vmem>>[vector<16xi32>], vector<16xi32>,
    %gt3A_561 = arith.constant 109 : i32
    %gt3A_562 = arith.cmpi sgt, %mul3A_15, %gt3A_561 : i32
    %broadcast_in_dim3A_563 = vector.broadcast %gt3A_562 : i1 to vector<16xi1>
    tpu.vector_store_idx %arg10[%get3A_560], %broadcast_in_dim3A_8 masked %broadcast_in_dim3A_563 {add = true} : memref<16xi32, #tpu.memory_space<vmem>>[vector<16xi32>], vector<16xi32>, vector<16xi1>
    %get3A_564 = arith.constant 1760 : index
    %get3A_565 = tpu.vector_load %arg8[%get3A_564] {strides = array<i32>} : memref<2048xi32, #tpu.memory_space<vmem>>, vector<16xi32>,
    tpu.vector_store_idx %arg11[%get3A_565], %broadcast_in_dim3A_8 {add = true} : memref<16xi32, #tpu.memory_space<vmem>>[vector<16xi32>], vector<16xi32>,
    %gt3A_566 = arith.constant 110 : i32
    %gt3A_567 = arith.cmpi sgt, %mul3A_15, %gt3A_566 : i32
    %broadcast_in_dim3A_568 = vector.broadcast %gt3A_567 : i1 to vector<16xi1>
    tpu.vector_store_idx %arg10[%get3A_565], %broadcast_in_dim3A_8 masked %broadcast_in_dim3A_568 {add = true} : memref<16xi32, #tpu.memory_space<vmem>>[vector<16xi32>], vector<16xi32>, vector<16xi1>
    %get3A_569 = arith.constant 1776 : index
    %get3A_570 = tpu.vector_load %arg8[%get3A_569] {strides = array<i32>} : memref<2048xi32, #tpu.memory_space<vmem>>, vector<16xi32>,
    tpu.vector_store_idx %arg11[%get3A_570], %broadcast_in_dim3A_8 {add = true} : memref<16xi32, #tpu.memory_space<vmem>>[vector<16xi32>], vector<16xi32>,
    %gt3A_571 = arith.constant 111 : i32
    %gt3A_572 = arith.cmpi sgt, %mul3A_15, %gt3A_571 : i32
    %broadcast_in_dim3A_573 = vector.broadcast %gt3A_572 : i1 to vector<16xi1>
    tpu.vector_store_idx %arg10[%get3A_570], %broadcast_in_dim3A_8 masked %broadcast_in_dim3A_573 {add = true} : memref<16xi32, #tpu.memory_space<vmem>>[vector<16xi32>], vector<16xi32>, vector<16xi1>
    %get3A_574 = arith.constant 1792 : index
    %get3A_575 = tpu.vector_load %arg8[%get3A_574] {strides = array<i32>} : memref<2048xi32, #tpu.memory_space<vmem>>, vector<16xi32>,
    tpu.vector_store_idx %arg11[%get3A_575], %broadcast_in_dim3A_8 {add = true} : memref<16xi32, #tpu.memory_space<vmem>>[vector<16xi32>], vector<16xi32>,
    %gt3A_576 = arith.constant 112 : i32
    %gt3A_577 = arith.cmpi sgt, %mul3A_15, %gt3A_576 : i32
    %broadcast_in_dim3A_578 = vector.broadcast %gt3A_577 : i1 to vector<16xi1>
    tpu.vector_store_idx %arg10[%get3A_575], %broadcast_in_dim3A_8 masked %broadcast_in_dim3A_578 {add = true} : memref<16xi32, #tpu.memory_space<vmem>>[vector<16xi32>], vector<16xi32>, vector<16xi1>
    %get3A_579 = arith.constant 1808 : index
    %get3A_580 = tpu.vector_load %arg8[%get3A_579] {strides = array<i32>} : memref<2048xi32, #tpu.memory_space<vmem>>, vector<16xi32>,
    tpu.vector_store_idx %arg11[%get3A_580], %broadcast_in_dim3A_8 {add = true} : memref<16xi32, #tpu.memory_space<vmem>>[vector<16xi32>], vector<16xi32>,
    %gt3A_581 = arith.constant 113 : i32
    %gt3A_582 = arith.cmpi sgt, %mul3A_15, %gt3A_581 : i32
    %broadcast_in_dim3A_583 = vector.broadcast %gt3A_582 : i1 to vector<16xi1>
    tpu.vector_store_idx %arg10[%get3A_580], %broadcast_in_dim3A_8 masked %broadcast_in_dim3A_583 {add = true} : memref<16xi32, #tpu.memory_space<vmem>>[vector<16xi32>], vector<16xi32>, vector<16xi1>
    %get3A_584 = arith.constant 1824 : index
    %get3A_585 = tpu.vector_load %arg8[%get3A_584] {strides = array<i32>} : memref<2048xi32, #tpu.memory_space<vmem>>, vector<16xi32>,
    tpu.vector_store_idx %arg11[%get3A_585], %broadcast_in_dim3A_8 {add = true} : memref<16xi32, #tpu.memory_space<vmem>>[vector<16xi32>], vector<16xi32>,
    %gt3A_586 = arith.constant 114 : i32
    %gt3A_587 = arith.cmpi sgt, %mul3A_15, %gt3A_586 : i32
    %broadcast_in_dim3A_588 = vector.broadcast %gt3A_587 : i1 to vector<16xi1>
    tpu.vector_store_idx %arg10[%get3A_585], %broadcast_in_dim3A_8 masked %broadcast_in_dim3A_588 {add = true} : memref<16xi32, #tpu.memory_space<vmem>>[vector<16xi32>], vector<16xi32>, vector<16xi1>
    %get3A_589 = arith.constant 1840 : index
    %get3A_590 = tpu.vector_load %arg8[%get3A_589] {strides = array<i32>} : memref<2048xi32, #tpu.memory_space<vmem>>, vector<16xi32>,
    tpu.vector_store_idx %arg11[%get3A_590], %broadcast_in_dim3A_8 {add = true} : memref<16xi32, #tpu.memory_space<vmem>>[vector<16xi32>], vector<16xi32>,
    %gt3A_591 = arith.constant 115 : i32
    %gt3A_592 = arith.cmpi sgt, %mul3A_15, %gt3A_591 : i32
    %broadcast_in_dim3A_593 = vector.broadcast %gt3A_592 : i1 to vector<16xi1>
    tpu.vector_store_idx %arg10[%get3A_590], %broadcast_in_dim3A_8 masked %broadcast_in_dim3A_593 {add = true} : memref<16xi32, #tpu.memory_space<vmem>>[vector<16xi32>], vector<16xi32>, vector<16xi1>
    %get3A_594 = arith.constant 1856 : index
    %get3A_595 = tpu.vector_load %arg8[%get3A_594] {strides = array<i32>} : memref<2048xi32, #tpu.memory_space<vmem>>, vector<16xi32>,
    tpu.vector_store_idx %arg11[%get3A_595], %broadcast_in_dim3A_8 {add = true} : memref<16xi32, #tpu.memory_space<vmem>>[vector<16xi32>], vector<16xi32>,
    %gt3A_596 = arith.constant 116 : i32
    %gt3A_597 = arith.cmpi sgt, %mul3A_15, %gt3A_596 : i32
    %broadcast_in_dim3A_598 = vector.broadcast %gt3A_597 : i1 to vector<16xi1>
    tpu.vector_store_idx %arg10[%get3A_595], %broadcast_in_dim3A_8 masked %broadcast_in_dim3A_598 {add = true} : memref<16xi32, #tpu.memory_space<vmem>>[vector<16xi32>], vector<16xi32>, vector<16xi1>
    %get3A_599 = arith.constant 1872 : index
    %get3A_600 = tpu.vector_load %arg8[%get3A_599] {strides = array<i32>} : memref<2048xi32, #tpu.memory_space<vmem>>, vector<16xi32>,
    tpu.vector_store_idx %arg11[%get3A_600], %broadcast_in_dim3A_8 {add = true} : memref<16xi32, #tpu.memory_space<vmem>>[vector<16xi32>], vector<16xi32>,
    %gt3A_601 = arith.constant 117 : i32
    %gt3A_602 = arith.cmpi sgt, %mul3A_15, %gt3A_601 : i32
    %broadcast_in_dim3A_603 = vector.broadcast %gt3A_602 : i1 to vector<16xi1>
    tpu.vector_store_idx %arg10[%get3A_600], %broadcast_in_dim3A_8 masked %broadcast_in_dim3A_603 {add = true} : memref<16xi32, #tpu.memory_space<vmem>>[vector<16xi32>], vector<16xi32>, vector<16xi1>
    %get3A_604 = arith.constant 1888 : index
    %get3A_605 = tpu.vector_load %arg8[%get3A_604] {strides = array<i32>} : memref<2048xi32, #tpu.memory_space<vmem>>, vector<16xi32>,
    tpu.vector_store_idx %arg11[%get3A_605], %broadcast_in_dim3A_8 {add = true} : memref<16xi32, #tpu.memory_space<vmem>>[vector<16xi32>], vector<16xi32>,
    %gt3A_606 = arith.constant 118 : i32
    %gt3A_607 = arith.cmpi sgt, %mul3A_15, %gt3A_606 : i32
    %broadcast_in_dim3A_608 = vector.broadcast %gt3A_607 : i1 to vector<16xi1>
    tpu.vector_store_idx %arg10[%get3A_605], %broadcast_in_dim3A_8 masked %broadcast_in_dim3A_608 {add = true} : memref<16xi32, #tpu.memory_space<vmem>>[vector<16xi32>], vector<16xi32>, vector<16xi1>
    %get3A_609 = arith.constant 1904 : index
    %get3A_610 = tpu.vector_load %arg8[%get3A_609] {strides = array<i32>} : memref<2048xi32, #tpu.memory_space<vmem>>, vector<16xi32>,
    tpu.vector_store_idx %arg11[%get3A_610], %broadcast_in_dim3A_8 {add = true} : memref<16xi32, #tpu.memory_space<vmem>>[vector<16xi32>], vector<16xi32>,
    %gt3A_611 = arith.constant 119 : i32
    %gt3A_612 = arith.cmpi sgt, %mul3A_15, %gt3A_611 : i32
    %broadcast_in_dim3A_613 = vector.broadcast %gt3A_612 : i1 to vector<16xi1>
    tpu.vector_store_idx %arg10[%get3A_610], %broadcast_in_dim3A_8 masked %broadcast_in_dim3A_613 {add = true} : memref<16xi32, #tpu.memory_space<vmem>>[vector<16xi32>], vector<16xi32>, vector<16xi1>
    %get3A_614 = arith.constant 1920 : index
    %get3A_615 = tpu.vector_load %arg8[%get3A_614] {strides = array<i32>} : memref<2048xi32, #tpu.memory_space<vmem>>, vector<16xi32>,
    tpu.vector_store_idx %arg11[%get3A_615], %broadcast_in_dim3A_8 {add = true} : memref<16xi32, #tpu.memory_space<vmem>>[vector<16xi32>], vector<16xi32>,
    %gt3A_616 = arith.constant 120 : i32
    %gt3A_617 = arith.cmpi sgt, %mul3A_15, %gt3A_616 : i32
    %broadcast_in_dim3A_618 = vector.broadcast %gt3A_617 : i1 to vector<16xi1>
    tpu.vector_store_idx %arg10[%get3A_615], %broadcast_in_dim3A_8 masked %broadcast_in_dim3A_618 {add = true} : memref<16xi32, #tpu.memory_space<vmem>>[vector<16xi32>], vector<16xi32>, vector<16xi1>
    %get3A_619 = arith.constant 1936 : index
    %get3A_620 = tpu.vector_load %arg8[%get3A_619] {strides = array<i32>} : memref<2048xi32, #tpu.memory_space<vmem>>, vector<16xi32>,
    tpu.vector_store_idx %arg11[%get3A_620], %broadcast_in_dim3A_8 {add = true} : memref<16xi32, #tpu.memory_space<vmem>>[vector<16xi32>], vector<16xi32>,
    %gt3A_621 = arith.constant 121 : i32
    %gt3A_622 = arith.cmpi sgt, %mul3A_15, %gt3A_621 : i32
    %broadcast_in_dim3A_623 = vector.broadcast %gt3A_622 : i1 to vector<16xi1>
    tpu.vector_store_idx %arg10[%get3A_620], %broadcast_in_dim3A_8 masked %broadcast_in_dim3A_623 {add = true} : memref<16xi32, #tpu.memory_space<vmem>>[vector<16xi32>], vector<16xi32>, vector<16xi1>
    %get3A_624 = arith.constant 1952 : index
    %get3A_625 = tpu.vector_load %arg8[%get3A_624] {strides = array<i32>} : memref<2048xi32, #tpu.memory_space<vmem>>, vector<16xi32>,
    tpu.vector_store_idx %arg11[%get3A_625], %broadcast_in_dim3A_8 {add = true} : memref<16xi32, #tpu.memory_space<vmem>>[vector<16xi32>], vector<16xi32>,
    %gt3A_626 = arith.constant 122 : i32
    %gt3A_627 = arith.cmpi sgt, %mul3A_15, %gt3A_626 : i32
    %broadcast_in_dim3A_628 = vector.broadcast %gt3A_627 : i1 to vector<16xi1>
    tpu.vector_store_idx %arg10[%get3A_625], %broadcast_in_dim3A_8 masked %broadcast_in_dim3A_628 {add = true} : memref<16xi32, #tpu.memory_space<vmem>>[vector<16xi32>], vector<16xi32>, vector<16xi1>
    %get3A_629 = arith.constant 1968 : index
    %get3A_630 = tpu.vector_load %arg8[%get3A_629] {strides = array<i32>} : memref<2048xi32, #tpu.memory_space<vmem>>, vector<16xi32>,
    tpu.vector_store_idx %arg11[%get3A_630], %broadcast_in_dim3A_8 {add = true} : memref<16xi32, #tpu.memory_space<vmem>>[vector<16xi32>], vector<16xi32>,
    %gt3A_631 = arith.constant 123 : i32
    %gt3A_632 = arith.cmpi sgt, %mul3A_15, %gt3A_631 : i32
    %broadcast_in_dim3A_633 = vector.broadcast %gt3A_632 : i1 to vector<16xi1>
    tpu.vector_store_idx %arg10[%get3A_630], %broadcast_in_dim3A_8 masked %broadcast_in_dim3A_633 {add = true} : memref<16xi32, #tpu.memory_space<vmem>>[vector<16xi32>], vector<16xi32>, vector<16xi1>
    %get3A_634 = arith.constant 1984 : index
    %get3A_635 = tpu.vector_load %arg8[%get3A_634] {strides = array<i32>} : memref<2048xi32, #tpu.memory_space<vmem>>, vector<16xi32>,
    tpu.vector_store_idx %arg11[%get3A_635], %broadcast_in_dim3A_8 {add = true} : memref<16xi32, #tpu.memory_space<vmem>>[vector<16xi32>], vector<16xi32>,
    %gt3A_636 = arith.constant 124 : i32
    %gt3A_637 = arith.cmpi sgt, %mul3A_15, %gt3A_636 : i32
    %broadcast_in_dim3A_638 = vector.broadcast %gt3A_637 : i1 to vector<16xi1>
    tpu.vector_store_idx %arg10[%get3A_635], %broadcast_in_dim3A_8 masked %broadcast_in_dim3A_638 {add = true} : memref<16xi32, #tpu.memory_space<vmem>>[vector<16xi32>], vector<16xi32>, vector<16xi1>
    %get3A_639 = arith.constant 2000 : index
    %get3A_640 = tpu.vector_load %arg8[%get3A_639] {strides = array<i32>} : memref<2048xi32, #tpu.memory_space<vmem>>, vector<16xi32>,
    tpu.vector_store_idx %arg11[%get3A_640], %broadcast_in_dim3A_8 {add = true} : memref<16xi32, #tpu.memory_space<vmem>>[vector<16xi32>], vector<16xi32>,
    %gt3A_641 = arith.constant 125 : i32
    %gt3A_642 = arith.cmpi sgt, %mul3A_15, %gt3A_641 : i32
    %broadcast_in_dim3A_643 = vector.broadcast %gt3A_642 : i1 to vector<16xi1>
    tpu.vector_store_idx %arg10[%get3A_640], %broadcast_in_dim3A_8 masked %broadcast_in_dim3A_643 {add = true} : memref<16xi32, #tpu.memory_space<vmem>>[vector<16xi32>], vector<16xi32>, vector<16xi1>
    %get3A_644 = arith.constant 2016 : index
    %get3A_645 = tpu.vector_load %arg8[%get3A_644] {strides = array<i32>} : memref<2048xi32, #tpu.memory_space<vmem>>, vector<16xi32>,
    tpu.vector_store_idx %arg11[%get3A_645], %broadcast_in_dim3A_8 {add = true} : memref<16xi32, #tpu.memory_space<vmem>>[vector<16xi32>], vector<16xi32>,
    %gt3A_646 = arith.constant 126 : i32
    %gt3A_647 = arith.cmpi sgt, %mul3A_15, %gt3A_646 : i32
    %broadcast_in_dim3A_648 = vector.broadcast %gt3A_647 : i1 to vector<16xi1>
    tpu.vector_store_idx %arg10[%get3A_645], %broadcast_in_dim3A_8 masked %broadcast_in_dim3A_648 {add = true} : memref<16xi32, #tpu.memory_space<vmem>>[vector<16xi32>], vector<16xi32>, vector<16xi1>
    %get3A_649 = arith.constant 2032 : index
    %get3A_650 = tpu.vector_load %arg8[%get3A_649] {strides = array<i32>} : memref<2048xi32, #tpu.memory_space<vmem>>, vector<16xi32>,
    tpu.vector_store_idx %arg11[%get3A_650], %broadcast_in_dim3A_8 {add = true} : memref<16xi32, #tpu.memory_space<vmem>>[vector<16xi32>], vector<16xi32>,
    %gt3A_651 = arith.constant 127 : i32
    %gt3A_652 = arith.cmpi sgt, %mul3A_15, %gt3A_651 : i32
    %broadcast_in_dim3A_653 = vector.broadcast %gt3A_652 : i1 to vector<16xi1>
    tpu.vector_store_idx %arg10[%get3A_650], %broadcast_in_dim3A_8 masked %broadcast_in_dim3A_653 {add = true} : memref<16xi32, #tpu.memory_space<vmem>>[vector<16xi32>], vector<16xi32>, vector<16xi1>
    %add3A_654 = arith.constant 0 : i32
    %add3A_655 = arith.addi %mul3A_2, %add3A_654 : i32
    %get3A_656 = arith.index_cast %add3A_655 : i32 to index
    %get3A_657 = tpu.vector_load %arg8[%get3A_656] {strides = array<i32>} : memref<2048xi32, #tpu.memory_space<vmem>>, vector<16xi32>,
    %gather3A = tpu.vector_load_idx %arg9[%get3A_657] : memref<16xi32, #tpu.memory_space<vmem>>[vector<16xi32>], vector<16xi32>,
    %eq3A = arith.constant 0 : i32
    %eq3A_658 = vector.broadcast %eq3A : i32 to vector<16xi32>
    %eq3A_659 = arith.cmpi eq, %get3A_657, %eq3A_658 : vector<16xi32>
    %convert_element_type3A = arith.extui %eq3A_659 : vector<16xi1> to vector<16xi32>
    %broadcast_in_dim3A_660 = arith.constant true
    %broadcast_in_dim3A_661 = vector.broadcast %broadcast_in_dim3A_660 : i1 to vector<16xi1>
    %masked_cumsum3A = tpu.scan <sum>, %convert_element_type3A masked %broadcast_in_dim3A_661 : vector<16xi32>, vector<16xi1> -> vector<16xi32>
    %sub3A = arith.constant 1 : i32
    %sub3A_662 = vector.broadcast %sub3A : i32 to vector<16xi32>
    %sub3A_663 = arith.subi %masked_cumsum3A, %sub3A_662 : vector<16xi32>
    %select_n3A = arith.select %eq3A_659, %sub3A_663, %broadcast_in_dim3A_6 : vector<16xi1>, vector<16xi32>
    %eq3A_664 = arith.constant 1 : i32
    %eq3A_665 = vector.broadcast %eq3A_664 : i32 to vector<16xi32>
    %eq3A_666 = arith.cmpi eq, %get3A_657, %eq3A_665 : vector<16xi32>
    %convert_element_type3A_667 = arith.extui %eq3A_666 : vector<16xi1> to vector<16xi32>
    %broadcast_in_dim3A_668 = arith.constant true
    %broadcast_in_dim3A_669 = vector.broadcast %broadcast_in_dim3A_668 : i1 to vector<16xi1>
    %masked_cumsum3A_670 = tpu.scan <sum>, %convert_element_type3A_667 masked %broadcast_in_dim3A_669 : vector<16xi32>, vector<16xi1> -> vector<16xi32>
    %sub3A_671 = arith.constant 1 : i32
    %sub3A_672 = vector.broadcast %sub3A_671 : i32 to vector<16xi32>
    %sub3A_673 = arith.subi %masked_cumsum3A_670, %sub3A_672 : vector<16xi32>
    %select_n3A_674 = arith.select %eq3A_666, %sub3A_673, %select_n3A : vector<16xi1>, vector<16xi32>
    %eq3A_675 = arith.constant 2 : i32
    %eq3A_676 = vector.broadcast %eq3A_675 : i32 to vector<16xi32>
    %eq3A_677 = arith.cmpi eq, %get3A_657, %eq3A_676 : vector<16xi32>
    %convert_element_type3A_678 = arith.extui %eq3A_677 : vector<16xi1> to vector<16xi32>
    %broadcast_in_dim3A_679 = arith.constant true
    %broadcast_in_dim3A_680 = vector.broadcast %broadcast_in_dim3A_679 : i1 to vector<16xi1>
    %masked_cumsum3A_681 = tpu.scan <sum>, %convert_element_type3A_678 masked %broadcast_in_dim3A_680 : vector<16xi32>, vector<16xi1> -> vector<16xi32>
    %sub3A_682 = arith.constant 1 : i32
    %sub3A_683 = vector.broadcast %sub3A_682 : i32 to vector<16xi32>
    %sub3A_684 = arith.subi %masked_cumsum3A_681, %sub3A_683 : vector<16xi32>
    %select_n3A_685 = arith.select %eq3A_677, %sub3A_684, %select_n3A_674 : vector<16xi1>, vector<16xi32>
    %eq3A_686 = arith.constant 3 : i32
    %eq3A_687 = vector.broadcast %eq3A_686 : i32 to vector<16xi32>
    %eq3A_688 = arith.cmpi eq, %get3A_657, %eq3A_687 : vector<16xi32>
    %convert_element_type3A_689 = arith.extui %eq3A_688 : vector<16xi1> to vector<16xi32>
    %broadcast_in_dim3A_690 = arith.constant true
    %broadcast_in_dim3A_691 = vector.broadcast %broadcast_in_dim3A_690 : i1 to vector<16xi1>
    %masked_cumsum3A_692 = tpu.scan <sum>, %convert_element_type3A_689 masked %broadcast_in_dim3A_691 : vector<16xi32>, vector<16xi1> -> vector<16xi32>
    %sub3A_693 = arith.constant 1 : i32
    %sub3A_694 = vector.broadcast %sub3A_693 : i32 to vector<16xi32>
    %sub3A_695 = arith.subi %masked_cumsum3A_692, %sub3A_694 : vector<16xi32>
    %select_n3A_696 = arith.select %eq3A_688, %sub3A_695, %select_n3A_685 : vector<16xi1>, vector<16xi32>
    %eq3A_697 = arith.constant 4 : i32
    %eq3A_698 = vector.broadcast %eq3A_697 : i32 to vector<16xi32>
    %eq3A_699 = arith.cmpi eq, %get3A_657, %eq3A_698 : vector<16xi32>
    %convert_element_type3A_700 = arith.extui %eq3A_699 : vector<16xi1> to vector<16xi32>
    %broadcast_in_dim3A_701 = arith.constant true
    %broadcast_in_dim3A_702 = vector.broadcast %broadcast_in_dim3A_701 : i1 to vector<16xi1>
    %masked_cumsum3A_703 = tpu.scan <sum>, %convert_element_type3A_700 masked %broadcast_in_dim3A_702 : vector<16xi32>, vector<16xi1> -> vector<16xi32>
    %sub3A_704 = arith.constant 1 : i32
    %sub3A_705 = vector.broadcast %sub3A_704 : i32 to vector<16xi32>
    %sub3A_706 = arith.subi %masked_cumsum3A_703, %sub3A_705 : vector<16xi32>
    %select_n3A_707 = arith.select %eq3A_699, %sub3A_706, %select_n3A_696 : vector<16xi1>, vector<16xi32>
    %eq3A_708 = arith.constant 5 : i32
    %eq3A_709 = vector.broadcast %eq3A_708 : i32 to vector<16xi32>
    %eq3A_710 = arith.cmpi eq, %get3A_657, %eq3A_709 : vector<16xi32>
    %convert_element_type3A_711 = arith.extui %eq3A_710 : vector<16xi1> to vector<16xi32>
    %broadcast_in_dim3A_712 = arith.constant true
    %broadcast_in_dim3A_713 = vector.broadcast %broadcast_in_dim3A_712 : i1 to vector<16xi1>
    %masked_cumsum3A_714 = tpu.scan <sum>, %convert_element_type3A_711 masked %broadcast_in_dim3A_713 : vector<16xi32>, vector<16xi1> -> vector<16xi32>
    %sub3A_715 = arith.constant 1 : i32
    %sub3A_716 = vector.broadcast %sub3A_715 : i32 to vector<16xi32>
    %sub3A_717 = arith.subi %masked_cumsum3A_714, %sub3A_716 : vector<16xi32>
    %select_n3A_718 = arith.select %eq3A_710, %sub3A_717, %select_n3A_707 : vector<16xi1>, vector<16xi32>
    %eq3A_719 = arith.constant 6 : i32
    %eq3A_720 = vector.broadcast %eq3A_719 : i32 to vector<16xi32>
    %eq3A_721 = arith.cmpi eq, %get3A_657, %eq3A_720 : vector<16xi32>
    %convert_element_type3A_722 = arith.extui %eq3A_721 : vector<16xi1> to vector<16xi32>
    %broadcast_in_dim3A_723 = arith.constant true
    %broadcast_in_dim3A_724 = vector.broadcast %broadcast_in_dim3A_723 : i1 to vector<16xi1>
    %masked_cumsum3A_725 = tpu.scan <sum>, %convert_element_type3A_722 masked %broadcast_in_dim3A_724 : vector<16xi32>, vector<16xi1> -> vector<16xi32>
    %sub3A_726 = arith.constant 1 : i32
    %sub3A_727 = vector.broadcast %sub3A_726 : i32 to vector<16xi32>
    %sub3A_728 = arith.subi %masked_cumsum3A_725, %sub3A_727 : vector<16xi32>
    %select_n3A_729 = arith.select %eq3A_721, %sub3A_728, %select_n3A_718 : vector<16xi1>, vector<16xi32>
    %eq3A_730 = arith.constant 7 : i32
    %eq3A_731 = vector.broadcast %eq3A_730 : i32 to vector<16xi32>
    %eq3A_732 = arith.cmpi eq, %get3A_657, %eq3A_731 : vector<16xi32>
    %convert_element_type3A_733 = arith.extui %eq3A_732 : vector<16xi1> to vector<16xi32>
    %broadcast_in_dim3A_734 = arith.constant true
    %broadcast_in_dim3A_735 = vector.broadcast %broadcast_in_dim3A_734 : i1 to vector<16xi1>
    %masked_cumsum3A_736 = tpu.scan <sum>, %convert_element_type3A_733 masked %broadcast_in_dim3A_735 : vector<16xi32>, vector<16xi1> -> vector<16xi32>
    %sub3A_737 = arith.constant 1 : i32
    %sub3A_738 = vector.broadcast %sub3A_737 : i32 to vector<16xi32>
    %sub3A_739 = arith.subi %masked_cumsum3A_736, %sub3A_738 : vector<16xi32>
    %select_n3A_740 = arith.select %eq3A_732, %sub3A_739, %select_n3A_729 : vector<16xi1>, vector<16xi32>
    %eq3A_741 = arith.constant 8 : i32
    %eq3A_742 = vector.broadcast %eq3A_741 : i32 to vector<16xi32>
    %eq3A_743 = arith.cmpi eq, %get3A_657, %eq3A_742 : vector<16xi32>
    %convert_element_type3A_744 = arith.extui %eq3A_743 : vector<16xi1> to vector<16xi32>
    %broadcast_in_dim3A_745 = arith.constant true
    %broadcast_in_dim3A_746 = vector.broadcast %broadcast_in_dim3A_745 : i1 to vector<16xi1>
    %masked_cumsum3A_747 = tpu.scan <sum>, %convert_element_type3A_744 masked %broadcast_in_dim3A_746 : vector<16xi32>, vector<16xi1> -> vector<16xi32>
    %sub3A_748 = arith.constant 1 : i32
    %sub3A_749 = vector.broadcast %sub3A_748 : i32 to vector<16xi32>
    %sub3A_750 = arith.subi %masked_cumsum3A_747, %sub3A_749 : vector<16xi32>
    %select_n3A_751 = arith.select %eq3A_743, %sub3A_750, %select_n3A_740 : vector<16xi1>, vector<16xi32>
    %eq3A_752 = arith.constant 9 : i32
    %eq3A_753 = vector.broadcast %eq3A_752 : i32 to vector<16xi32>
    %eq3A_754 = arith.cmpi eq, %get3A_657, %eq3A_753 : vector<16xi32>
    %convert_element_type3A_755 = arith.extui %eq3A_754 : vector<16xi1> to vector<16xi32>
    %broadcast_in_dim3A_756 = arith.constant true
    %broadcast_in_dim3A_757 = vector.broadcast %broadcast_in_dim3A_756 : i1 to vector<16xi1>
    %masked_cumsum3A_758 = tpu.scan <sum>, %convert_element_type3A_755 masked %broadcast_in_dim3A_757 : vector<16xi32>, vector<16xi1> -> vector<16xi32>
    %sub3A_759 = arith.constant 1 : i32
    %sub3A_760 = vector.broadcast %sub3A_759 : i32 to vector<16xi32>
    %sub3A_761 = arith.subi %masked_cumsum3A_758, %sub3A_760 : vector<16xi32>
    %select_n3A_762 = arith.select %eq3A_754, %sub3A_761, %select_n3A_751 : vector<16xi1>, vector<16xi32>
    %eq3A_763 = arith.constant 10 : i32
    %eq3A_764 = vector.broadcast %eq3A_763 : i32 to vector<16xi32>
    %eq3A_765 = arith.cmpi eq, %get3A_657, %eq3A_764 : vector<16xi32>
    %convert_element_type3A_766 = arith.extui %eq3A_765 : vector<16xi1> to vector<16xi32>
    %broadcast_in_dim3A_767 = arith.constant true
    %broadcast_in_dim3A_768 = vector.broadcast %broadcast_in_dim3A_767 : i1 to vector<16xi1>
    %masked_cumsum3A_769 = tpu.scan <sum>, %convert_element_type3A_766 masked %broadcast_in_dim3A_768 : vector<16xi32>, vector<16xi1> -> vector<16xi32>
    %sub3A_770 = arith.constant 1 : i32
    %sub3A_771 = vector.broadcast %sub3A_770 : i32 to vector<16xi32>
    %sub3A_772 = arith.subi %masked_cumsum3A_769, %sub3A_771 : vector<16xi32>
    %select_n3A_773 = arith.select %eq3A_765, %sub3A_772, %select_n3A_762 : vector<16xi1>, vector<16xi32>
    %eq3A_774 = arith.constant 11 : i32
    %eq3A_775 = vector.broadcast %eq3A_774 : i32 to vector<16xi32>
    %eq3A_776 = arith.cmpi eq, %get3A_657, %eq3A_775 : vector<16xi32>
    %convert_element_type3A_777 = arith.extui %eq3A_776 : vector<16xi1> to vector<16xi32>
    %broadcast_in_dim3A_778 = arith.constant true
    %broadcast_in_dim3A_779 = vector.broadcast %broadcast_in_dim3A_778 : i1 to vector<16xi1>
    %masked_cumsum3A_780 = tpu.scan <sum>, %convert_element_type3A_777 masked %broadcast_in_dim3A_779 : vector<16xi32>, vector<16xi1> -> vector<16xi32>
    %sub3A_781 = arith.constant 1 : i32
    %sub3A_782 = vector.broadcast %sub3A_781 : i32 to vector<16xi32>
    %sub3A_783 = arith.subi %masked_cumsum3A_780, %sub3A_782 : vector<16xi32>
    %select_n3A_784 = arith.select %eq3A_776, %sub3A_783, %select_n3A_773 : vector<16xi1>, vector<16xi32>
    %eq3A_785 = arith.constant 12 : i32
    %eq3A_786 = vector.broadcast %eq3A_785 : i32 to vector<16xi32>
    %eq3A_787 = arith.cmpi eq, %get3A_657, %eq3A_786 : vector<16xi32>
    %convert_element_type3A_788 = arith.extui %eq3A_787 : vector<16xi1> to vector<16xi32>
    %broadcast_in_dim3A_789 = arith.constant true
    %broadcast_in_dim3A_790 = vector.broadcast %broadcast_in_dim3A_789 : i1 to vector<16xi1>
    %masked_cumsum3A_791 = tpu.scan <sum>, %convert_element_type3A_788 masked %broadcast_in_dim3A_790 : vector<16xi32>, vector<16xi1> -> vector<16xi32>
    %sub3A_792 = arith.constant 1 : i32
    %sub3A_793 = vector.broadcast %sub3A_792 : i32 to vector<16xi32>
    %sub3A_794 = arith.subi %masked_cumsum3A_791, %sub3A_793 : vector<16xi32>
    %select_n3A_795 = arith.select %eq3A_787, %sub3A_794, %select_n3A_784 : vector<16xi1>, vector<16xi32>
    %eq3A_796 = arith.constant 13 : i32
    %eq3A_797 = vector.broadcast %eq3A_796 : i32 to vector<16xi32>
    %eq3A_798 = arith.cmpi eq, %get3A_657, %eq3A_797 : vector<16xi32>
    %convert_element_type3A_799 = arith.extui %eq3A_798 : vector<16xi1> to vector<16xi32>
    %broadcast_in_dim3A_800 = arith.constant true
    %broadcast_in_dim3A_801 = vector.broadcast %broadcast_in_dim3A_800 : i1 to vector<16xi1>
    %masked_cumsum3A_802 = tpu.scan <sum>, %convert_element_type3A_799 masked %broadcast_in_dim3A_801 : vector<16xi32>, vector<16xi1> -> vector<16xi32>
    %sub3A_803 = arith.constant 1 : i32
    %sub3A_804 = vector.broadcast %sub3A_803 : i32 to vector<16xi32>
    %sub3A_805 = arith.subi %masked_cumsum3A_802, %sub3A_804 : vector<16xi32>
    %select_n3A_806 = arith.select %eq3A_798, %sub3A_805, %select_n3A_795 : vector<16xi1>, vector<16xi32>
    %eq3A_807 = arith.constant 14 : i32
    %eq3A_808 = vector.broadcast %eq3A_807 : i32 to vector<16xi32>
    %eq3A_809 = arith.cmpi eq, %get3A_657, %eq3A_808 : vector<16xi32>
    %convert_element_type3A_810 = arith.extui %eq3A_809 : vector<16xi1> to vector<16xi32>
    %broadcast_in_dim3A_811 = arith.constant true
    %broadcast_in_dim3A_812 = vector.broadcast %broadcast_in_dim3A_811 : i1 to vector<16xi1>
    %masked_cumsum3A_813 = tpu.scan <sum>, %convert_element_type3A_810 masked %broadcast_in_dim3A_812 : vector<16xi32>, vector<16xi1> -> vector<16xi32>
    %sub3A_814 = arith.constant 1 : i32
    %sub3A_815 = vector.broadcast %sub3A_814 : i32 to vector<16xi32>
    %sub3A_816 = arith.subi %masked_cumsum3A_813, %sub3A_815 : vector<16xi32>
    %select_n3A_817 = arith.select %eq3A_809, %sub3A_816, %select_n3A_806 : vector<16xi1>, vector<16xi32>
    %eq3A_818 = arith.constant 15 : i32
    %eq3A_819 = vector.broadcast %eq3A_818 : i32 to vector<16xi32>
    %eq3A_820 = arith.cmpi eq, %get3A_657, %eq3A_819 : vector<16xi32>
    %convert_element_type3A_821 = arith.extui %eq3A_820 : vector<16xi1> to vector<16xi32>
    %broadcast_in_dim3A_822 = arith.constant true
    %broadcast_in_dim3A_823 = vector.broadcast %broadcast_in_dim3A_822 : i1 to vector<16xi1>
    %masked_cumsum3A_824 = tpu.scan <sum>, %convert_element_type3A_821 masked %broadcast_in_dim3A_823 : vector<16xi32>, vector<16xi1> -> vector<16xi32>
    %sub3A_825 = arith.constant 1 : i32
    %sub3A_826 = vector.broadcast %sub3A_825 : i32 to vector<16xi32>
    %sub3A_827 = arith.subi %masked_cumsum3A_824, %sub3A_826 : vector<16xi32>
    %select_n3A_828 = arith.select %eq3A_820, %sub3A_827, %select_n3A_817 : vector<16xi1>, vector<16xi32>
    %add3A_829 = arith.addi %gather3A, %select_n3A_828 : vector<16xi32>
    tpu.vector_store_idx %arg9[%get3A_657], %broadcast_in_dim3A_8 {add = true} : memref<16xi32, #tpu.memory_space<vmem>>[vector<16xi32>], vector<16xi32>,
    %add3A_830 = arith.constant 16 : i32
    %add3A_831 = arith.addi %mul3A_2, %add3A_830 : i32
    %get3A_832 = arith.index_cast %add3A_831 : i32 to index
    %get3A_833 = tpu.vector_load %arg8[%get3A_832] {strides = array<i32>} : memref<2048xi32, #tpu.memory_space<vmem>>, vector<16xi32>,
    %gather3A_834 = tpu.vector_load_idx %arg9[%get3A_833] : memref<16xi32, #tpu.memory_space<vmem>>[vector<16xi32>], vector<16xi32>,
    %eq3A_835 = arith.constant 0 : i32
    %eq3A_836 = vector.broadcast %eq3A_835 : i32 to vector<16xi32>
    %eq3A_837 = arith.cmpi eq, %get3A_833, %eq3A_836 : vector<16xi32>
    %convert_element_type3A_838 = arith.extui %eq3A_837 : vector<16xi1> to vector<16xi32>
    %broadcast_in_dim3A_839 = arith.constant true
    %broadcast_in_dim3A_840 = vector.broadcast %broadcast_in_dim3A_839 : i1 to vector<16xi1>
    %masked_cumsum3A_841 = tpu.scan <sum>, %convert_element_type3A_838 masked %broadcast_in_dim3A_840 : vector<16xi32>, vector<16xi1> -> vector<16xi32>
    %sub3A_842 = arith.constant 1 : i32
    %sub3A_843 = vector.broadcast %sub3A_842 : i32 to vector<16xi32>
    %sub3A_844 = arith.subi %masked_cumsum3A_841, %sub3A_843 : vector<16xi32>
    %select_n3A_845 = arith.select %eq3A_837, %sub3A_844, %broadcast_in_dim3A_6 : vector<16xi1>, vector<16xi32>
    %eq3A_846 = arith.constant 1 : i32
    %eq3A_847 = vector.broadcast %eq3A_846 : i32 to vector<16xi32>
    %eq3A_848 = arith.cmpi eq, %get3A_833, %eq3A_847 : vector<16xi32>
    %convert_element_type3A_849 = arith.extui %eq3A_848 : vector<16xi1> to vector<16xi32>
    %broadcast_in_dim3A_850 = arith.constant true
    %broadcast_in_dim3A_851 = vector.broadcast %broadcast_in_dim3A_850 : i1 to vector<16xi1>
    %masked_cumsum3A_852 = tpu.scan <sum>, %convert_element_type3A_849 masked %broadcast_in_dim3A_851 : vector<16xi32>, vector<16xi1> -> vector<16xi32>
    %sub3A_853 = arith.constant 1 : i32
    %sub3A_854 = vector.broadcast %sub3A_853 : i32 to vector<16xi32>
    %sub3A_855 = arith.subi %masked_cumsum3A_852, %sub3A_854 : vector<16xi32>
    %select_n3A_856 = arith.select %eq3A_848, %sub3A_855, %select_n3A_845 : vector<16xi1>, vector<16xi32>
    %eq3A_857 = arith.constant 2 : i32
    %eq3A_858 = vector.broadcast %eq3A_857 : i32 to vector<16xi32>
    %eq3A_859 = arith.cmpi eq, %get3A_833, %eq3A_858 : vector<16xi32>
    %convert_element_type3A_860 = arith.extui %eq3A_859 : vector<16xi1> to vector<16xi32>
    %broadcast_in_dim3A_861 = arith.constant true
    %broadcast_in_dim3A_862 = vector.broadcast %broadcast_in_dim3A_861 : i1 to vector<16xi1>
    %masked_cumsum3A_863 = tpu.scan <sum>, %convert_element_type3A_860 masked %broadcast_in_dim3A_862 : vector<16xi32>, vector<16xi1> -> vector<16xi32>
    %sub3A_864 = arith.constant 1 : i32
    %sub3A_865 = vector.broadcast %sub3A_864 : i32 to vector<16xi32>
    %sub3A_866 = arith.subi %masked_cumsum3A_863, %sub3A_865 : vector<16xi32>
    %select_n3A_867 = arith.select %eq3A_859, %sub3A_866, %select_n3A_856 : vector<16xi1>, vector<16xi32>
    %eq3A_868 = arith.constant 3 : i32
    %eq3A_869 = vector.broadcast %eq3A_868 : i32 to vector<16xi32>
    %eq3A_870 = arith.cmpi eq, %get3A_833, %eq3A_869 : vector<16xi32>
    %convert_element_type3A_871 = arith.extui %eq3A_870 : vector<16xi1> to vector<16xi32>
    %broadcast_in_dim3A_872 = arith.constant true
    %broadcast_in_dim3A_873 = vector.broadcast %broadcast_in_dim3A_872 : i1 to vector<16xi1>
    %masked_cumsum3A_874 = tpu.scan <sum>, %convert_element_type3A_871 masked %broadcast_in_dim3A_873 : vector<16xi32>, vector<16xi1> -> vector<16xi32>
    %sub3A_875 = arith.constant 1 : i32
    %sub3A_876 = vector.broadcast %sub3A_875 : i32 to vector<16xi32>
    %sub3A_877 = arith.subi %masked_cumsum3A_874, %sub3A_876 : vector<16xi32>
    %select_n3A_878 = arith.select %eq3A_870, %sub3A_877, %select_n3A_867 : vector<16xi1>, vector<16xi32>
    %eq3A_879 = arith.constant 4 : i32
    %eq3A_880 = vector.broadcast %eq3A_879 : i32 to vector<16xi32>
    %eq3A_881 = arith.cmpi eq, %get3A_833, %eq3A_880 : vector<16xi32>
    %convert_element_type3A_882 = arith.extui %eq3A_881 : vector<16xi1> to vector<16xi32>
    %broadcast_in_dim3A_883 = arith.constant true
    %broadcast_in_dim3A_884 = vector.broadcast %broadcast_in_dim3A_883 : i1 to vector<16xi1>
    %masked_cumsum3A_885 = tpu.scan <sum>, %convert_element_type3A_882 masked %broadcast_in_dim3A_884 : vector<16xi32>, vector<16xi1> -> vector<16xi32>
    %sub3A_886 = arith.constant 1 : i32
    %sub3A_887 = vector.broadcast %sub3A_886 : i32 to vector<16xi32>
    %sub3A_888 = arith.subi %masked_cumsum3A_885, %sub3A_887 : vector<16xi32>
    %select_n3A_889 = arith.select %eq3A_881, %sub3A_888, %select_n3A_878 : vector<16xi1>, vector<16xi32>
    %eq3A_890 = arith.constant 5 : i32
    %eq3A_891 = vector.broadcast %eq3A_890 : i32 to vector<16xi32>
    %eq3A_892 = arith.cmpi eq, %get3A_833, %eq3A_891 : vector<16xi32>
    %convert_element_type3A_893 = arith.extui %eq3A_892 : vector<16xi1> to vector<16xi32>
    %broadcast_in_dim3A_894 = arith.constant true
    %broadcast_in_dim3A_895 = vector.broadcast %broadcast_in_dim3A_894 : i1 to vector<16xi1>
    %masked_cumsum3A_896 = tpu.scan <sum>, %convert_element_type3A_893 masked %broadcast_in_dim3A_895 : vector<16xi32>, vector<16xi1> -> vector<16xi32>
    %sub3A_897 = arith.constant 1 : i32
    %sub3A_898 = vector.broadcast %sub3A_897 : i32 to vector<16xi32>
    %sub3A_899 = arith.subi %masked_cumsum3A_896, %sub3A_898 : vector<16xi32>
    %select_n3A_900 = arith.select %eq3A_892, %sub3A_899, %select_n3A_889 : vector<16xi1>, vector<16xi32>
    %eq3A_901 = arith.constant 6 : i32
    %eq3A_902 = vector.broadcast %eq3A_901 : i32 to vector<16xi32>
    %eq3A_903 = arith.cmpi eq, %get3A_833, %eq3A_902 : vector<16xi32>
    %convert_element_type3A_904 = arith.extui %eq3A_903 : vector<16xi1> to vector<16xi32>
    %broadcast_in_dim3A_905 = arith.constant true
    %broadcast_in_dim3A_906 = vector.broadcast %broadcast_in_dim3A_905 : i1 to vector<16xi1>
    %masked_cumsum3A_907 = tpu.scan <sum>, %convert_element_type3A_904 masked %broadcast_in_dim3A_906 : vector<16xi32>, vector<16xi1> -> vector<16xi32>
    %sub3A_908 = arith.constant 1 : i32
    %sub3A_909 = vector.broadcast %sub3A_908 : i32 to vector<16xi32>
    %sub3A_910 = arith.subi %masked_cumsum3A_907, %sub3A_909 : vector<16xi32>
    %select_n3A_911 = arith.select %eq3A_903, %sub3A_910, %select_n3A_900 : vector<16xi1>, vector<16xi32>
    %eq3A_912 = arith.constant 7 : i32
    %eq3A_913 = vector.broadcast %eq3A_912 : i32 to vector<16xi32>
    %eq3A_914 = arith.cmpi eq, %get3A_833, %eq3A_913 : vector<16xi32>
    %convert_element_type3A_915 = arith.extui %eq3A_914 : vector<16xi1> to vector<16xi32>
    %broadcast_in_dim3A_916 = arith.constant true
    %broadcast_in_dim3A_917 = vector.broadcast %broadcast_in_dim3A_916 : i1 to vector<16xi1>
    %masked_cumsum3A_918 = tpu.scan <sum>, %convert_element_type3A_915 masked %broadcast_in_dim3A_917 : vector<16xi32>, vector<16xi1> -> vector<16xi32>
    %sub3A_919 = arith.constant 1 : i32
    %sub3A_920 = vector.broadcast %sub3A_919 : i32 to vector<16xi32>
    %sub3A_921 = arith.subi %masked_cumsum3A_918, %sub3A_920 : vector<16xi32>
    %select_n3A_922 = arith.select %eq3A_914, %sub3A_921, %select_n3A_911 : vector<16xi1>, vector<16xi32>
    %eq3A_923 = arith.constant 8 : i32
    %eq3A_924 = vector.broadcast %eq3A_923 : i32 to vector<16xi32>
    %eq3A_925 = arith.cmpi eq, %get3A_833, %eq3A_924 : vector<16xi32>
    %convert_element_type3A_926 = arith.extui %eq3A_925 : vector<16xi1> to vector<16xi32>
    %broadcast_in_dim3A_927 = arith.constant true
    %broadcast_in_dim3A_928 = vector.broadcast %broadcast_in_dim3A_927 : i1 to vector<16xi1>
    %masked_cumsum3A_929 = tpu.scan <sum>, %convert_element_type3A_926 masked %broadcast_in_dim3A_928 : vector<16xi32>, vector<16xi1> -> vector<16xi32>
    %sub3A_930 = arith.constant 1 : i32
    %sub3A_931 = vector.broadcast %sub3A_930 : i32 to vector<16xi32>
    %sub3A_932 = arith.subi %masked_cumsum3A_929, %sub3A_931 : vector<16xi32>
    %select_n3A_933 = arith.select %eq3A_925, %sub3A_932, %select_n3A_922 : vector<16xi1>, vector<16xi32>
    %eq3A_934 = arith.constant 9 : i32
    %eq3A_935 = vector.broadcast %eq3A_934 : i32 to vector<16xi32>
    %eq3A_936 = arith.cmpi eq, %get3A_833, %eq3A_935 : vector<16xi32>
    %convert_element_type3A_937 = arith.extui %eq3A_936 : vector<16xi1> to vector<16xi32>
    %broadcast_in_dim3A_938 = arith.constant true
    %broadcast_in_dim3A_939 = vector.broadcast %broadcast_in_dim3A_938 : i1 to vector<16xi1>
    %masked_cumsum3A_940 = tpu.scan <sum>, %convert_element_type3A_937 masked %broadcast_in_dim3A_939 : vector<16xi32>, vector<16xi1> -> vector<16xi32>
    %sub3A_941 = arith.constant 1 : i32
    %sub3A_942 = vector.broadcast %sub3A_941 : i32 to vector<16xi32>
    %sub3A_943 = arith.subi %masked_cumsum3A_940, %sub3A_942 : vector<16xi32>
    %select_n3A_944 = arith.select %eq3A_936, %sub3A_943, %select_n3A_933 : vector<16xi1>, vector<16xi32>
    %eq3A_945 = arith.constant 10 : i32
    %eq3A_946 = vector.broadcast %eq3A_945 : i32 to vector<16xi32>
    %eq3A_947 = arith.cmpi eq, %get3A_833, %eq3A_946 : vector<16xi32>
    %convert_element_type3A_948 = arith.extui %eq3A_947 : vector<16xi1> to vector<16xi32>
    %broadcast_in_dim3A_949 = arith.constant true
    %broadcast_in_dim3A_950 = vector.broadcast %broadcast_in_dim3A_949 : i1 to vector<16xi1>
    %masked_cumsum3A_951 = tpu.scan <sum>, %convert_element_type3A_948 masked %broadcast_in_dim3A_950 : vector<16xi32>, vector<16xi1> -> vector<16xi32>
    %sub3A_952 = arith.constant 1 : i32
    %sub3A_953 = vector.broadcast %sub3A_952 : i32 to vector<16xi32>
    %sub3A_954 = arith.subi %masked_cumsum3A_951, %sub3A_953 : vector<16xi32>
    %select_n3A_955 = arith.select %eq3A_947, %sub3A_954, %select_n3A_944 : vector<16xi1>, vector<16xi32>
    %eq3A_956 = arith.constant 11 : i32
    %eq3A_957 = vector.broadcast %eq3A_956 : i32 to vector<16xi32>
    %eq3A_958 = arith.cmpi eq, %get3A_833, %eq3A_957 : vector<16xi32>
    %convert_element_type3A_959 = arith.extui %eq3A_958 : vector<16xi1> to vector<16xi32>
    %broadcast_in_dim3A_960 = arith.constant true
    %broadcast_in_dim3A_961 = vector.broadcast %broadcast_in_dim3A_960 : i1 to vector<16xi1>
    %masked_cumsum3A_962 = tpu.scan <sum>, %convert_element_type3A_959 masked %broadcast_in_dim3A_961 : vector<16xi32>, vector<16xi1> -> vector<16xi32>
    %sub3A_963 = arith.constant 1 : i32
    %sub3A_964 = vector.broadcast %sub3A_963 : i32 to vector<16xi32>
    %sub3A_965 = arith.subi %masked_cumsum3A_962, %sub3A_964 : vector<16xi32>
    %select_n3A_966 = arith.select %eq3A_958, %sub3A_965, %select_n3A_955 : vector<16xi1>, vector<16xi32>
    %eq3A_967 = arith.constant 12 : i32
    %eq3A_968 = vector.broadcast %eq3A_967 : i32 to vector<16xi32>
    %eq3A_969 = arith.cmpi eq, %get3A_833, %eq3A_968 : vector<16xi32>
    %convert_element_type3A_970 = arith.extui %eq3A_969 : vector<16xi1> to vector<16xi32>
    %broadcast_in_dim3A_971 = arith.constant true
    %broadcast_in_dim3A_972 = vector.broadcast %broadcast_in_dim3A_971 : i1 to vector<16xi1>
    %masked_cumsum3A_973 = tpu.scan <sum>, %convert_element_type3A_970 masked %broadcast_in_dim3A_972 : vector<16xi32>, vector<16xi1> -> vector<16xi32>
    %sub3A_974 = arith.constant 1 : i32
    %sub3A_975 = vector.broadcast %sub3A_974 : i32 to vector<16xi32>
    %sub3A_976 = arith.subi %masked_cumsum3A_973, %sub3A_975 : vector<16xi32>
    %select_n3A_977 = arith.select %eq3A_969, %sub3A_976, %select_n3A_966 : vector<16xi1>, vector<16xi32>
    %eq3A_978 = arith.constant 13 : i32
    %eq3A_979 = vector.broadcast %eq3A_978 : i32 to vector<16xi32>
    %eq3A_980 = arith.cmpi eq, %get3A_833, %eq3A_979 : vector<16xi32>
    %convert_element_type3A_981 = arith.extui %eq3A_980 : vector<16xi1> to vector<16xi32>
    %broadcast_in_dim3A_982 = arith.constant true
    %broadcast_in_dim3A_983 = vector.broadcast %broadcast_in_dim3A_982 : i1 to vector<16xi1>
    %masked_cumsum3A_984 = tpu.scan <sum>, %convert_element_type3A_981 masked %broadcast_in_dim3A_983 : vector<16xi32>, vector<16xi1> -> vector<16xi32>
    %sub3A_985 = arith.constant 1 : i32
    %sub3A_986 = vector.broadcast %sub3A_985 : i32 to vector<16xi32>
    %sub3A_987 = arith.subi %masked_cumsum3A_984, %sub3A_986 : vector<16xi32>
    %select_n3A_988 = arith.select %eq3A_980, %sub3A_987, %select_n3A_977 : vector<16xi1>, vector<16xi32>
    %eq3A_989 = arith.constant 14 : i32
    %eq3A_990 = vector.broadcast %eq3A_989 : i32 to vector<16xi32>
    %eq3A_991 = arith.cmpi eq, %get3A_833, %eq3A_990 : vector<16xi32>
    %convert_element_type3A_992 = arith.extui %eq3A_991 : vector<16xi1> to vector<16xi32>
    %broadcast_in_dim3A_993 = arith.constant true
    %broadcast_in_dim3A_994 = vector.broadcast %broadcast_in_dim3A_993 : i1 to vector<16xi1>
    %masked_cumsum3A_995 = tpu.scan <sum>, %convert_element_type3A_992 masked %broadcast_in_dim3A_994 : vector<16xi32>, vector<16xi1> -> vector<16xi32>
    %sub3A_996 = arith.constant 1 : i32
    %sub3A_997 = vector.broadcast %sub3A_996 : i32 to vector<16xi32>
    %sub3A_998 = arith.subi %masked_cumsum3A_995, %sub3A_997 : vector<16xi32>
    %select_n3A_999 = arith.select %eq3A_991, %sub3A_998, %select_n3A_988 : vector<16xi1>, vector<16xi32>
    %eq3A_1000 = arith.constant 15 : i32
    %eq3A_1001 = vector.broadcast %eq3A_1000 : i32 to vector<16xi32>
    %eq3A_1002 = arith.cmpi eq, %get3A_833, %eq3A_1001 : vector<16xi32>
    %convert_element_type3A_1003 = arith.extui %eq3A_1002 : vector<16xi1> to vector<16xi32>
    %broadcast_in_dim3A_1004 = arith.constant true
    %broadcast_in_dim3A_1005 = vector.broadcast %broadcast_in_dim3A_1004 : i1 to vector<16xi1>
    %masked_cumsum3A_1006 = tpu.scan <sum>, %convert_element_type3A_1003 masked %broadcast_in_dim3A_1005 : vector<16xi32>, vector<16xi1> -> vector<16xi32>
    %sub3A_1007 = arith.constant 1 : i32
    %sub3A_1008 = vector.broadcast %sub3A_1007 : i32 to vector<16xi32>
    %sub3A_1009 = arith.subi %masked_cumsum3A_1006, %sub3A_1008 : vector<16xi32>
    %select_n3A_1010 = arith.select %eq3A_1002, %sub3A_1009, %select_n3A_999 : vector<16xi1>, vector<16xi32>
    %add3A_1011 = arith.addi %gather3A_834, %select_n3A_1010 : vector<16xi32>
    tpu.vector_store_idx %arg9[%get3A_833], %broadcast_in_dim3A_8 {add = true} : memref<16xi32, #tpu.memory_space<vmem>>[vector<16xi32>], vector<16xi32>,
    %add3A_1012 = arith.constant 32 : i32
    %add3A_1013 = arith.addi %mul3A_2, %add3A_1012 : i32
    %get3A_1014 = arith.index_cast %add3A_1013 : i32 to index
    %get3A_1015 = tpu.vector_load %arg8[%get3A_1014] {strides = array<i32>} : memref<2048xi32, #tpu.memory_space<vmem>>, vector<16xi32>,
    %gather3A_1016 = tpu.vector_load_idx %arg9[%get3A_1015] : memref<16xi32, #tpu.memory_space<vmem>>[vector<16xi32>], vector<16xi32>,
    %eq3A_1017 = arith.constant 0 : i32
    %eq3A_1018 = vector.broadcast %eq3A_1017 : i32 to vector<16xi32>
    %eq3A_1019 = arith.cmpi eq, %get3A_1015, %eq3A_1018 : vector<16xi32>
    %convert_element_type3A_1020 = arith.extui %eq3A_1019 : vector<16xi1> to vector<16xi32>
    %broadcast_in_dim3A_1021 = arith.constant true
    %broadcast_in_dim3A_1022 = vector.broadcast %broadcast_in_dim3A_1021 : i1 to vector<16xi1>
    %masked_cumsum3A_1023 = tpu.scan <sum>, %convert_element_type3A_1020 masked %broadcast_in_dim3A_1022 : vector<16xi32>, vector<16xi1> -> vector<16xi32>
    %sub3A_1024 = arith.constant 1 : i32
    %sub3A_1025 = vector.broadcast %sub3A_1024 : i32 to vector<16xi32>
    %sub3A_1026 = arith.subi %masked_cumsum3A_1023, %sub3A_1025 : vector<16xi32>
    %select_n3A_1027 = arith.select %eq3A_1019, %sub3A_1026, %broadcast_in_dim3A_6 : vector<16xi1>, vector<16xi32>
    %eq3A_1028 = arith.constant 1 : i32
    %eq3A_1029 = vector.broadcast %eq3A_1028 : i32 to vector<16xi32>
    %eq3A_1030 = arith.cmpi eq, %get3A_1015, %eq3A_1029 : vector<16xi32>
    %convert_element_type3A_1031 = arith.extui %eq3A_1030 : vector<16xi1> to vector<16xi32>
    %broadcast_in_dim3A_1032 = arith.constant true
    %broadcast_in_dim3A_1033 = vector.broadcast %broadcast_in_dim3A_1032 : i1 to vector<16xi1>
    %masked_cumsum3A_1034 = tpu.scan <sum>, %convert_element_type3A_1031 masked %broadcast_in_dim3A_1033 : vector<16xi32>, vector<16xi1> -> vector<16xi32>
    %sub3A_1035 = arith.constant 1 : i32
    %sub3A_1036 = vector.broadcast %sub3A_1035 : i32 to vector<16xi32>
    %sub3A_1037 = arith.subi %masked_cumsum3A_1034, %sub3A_1036 : vector<16xi32>
    %select_n3A_1038 = arith.select %eq3A_1030, %sub3A_1037, %select_n3A_1027 : vector<16xi1>, vector<16xi32>
    %eq3A_1039 = arith.constant 2 : i32
    %eq3A_1040 = vector.broadcast %eq3A_1039 : i32 to vector<16xi32>
    %eq3A_1041 = arith.cmpi eq, %get3A_1015, %eq3A_1040 : vector<16xi32>
    %convert_element_type3A_1042 = arith.extui %eq3A_1041 : vector<16xi1> to vector<16xi32>
    %broadcast_in_dim3A_1043 = arith.constant true
    %broadcast_in_dim3A_1044 = vector.broadcast %broadcast_in_dim3A_1043 : i1 to vector<16xi1>
    %masked_cumsum3A_1045 = tpu.scan <sum>, %convert_element_type3A_1042 masked %broadcast_in_dim3A_1044 : vector<16xi32>, vector<16xi1> -> vector<16xi32>
    %sub3A_1046 = arith.constant 1 : i32
    %sub3A_1047 = vector.broadcast %sub3A_1046 : i32 to vector<16xi32>
    %sub3A_1048 = arith.subi %masked_cumsum3A_1045, %sub3A_1047 : vector<16xi32>
    %select_n3A_1049 = arith.select %eq3A_1041, %sub3A_1048, %select_n3A_1038 : vector<16xi1>, vector<16xi32>
    %eq3A_1050 = arith.constant 3 : i32
    %eq3A_1051 = vector.broadcast %eq3A_1050 : i32 to vector<16xi32>
    %eq3A_1052 = arith.cmpi eq, %get3A_1015, %eq3A_1051 : vector<16xi32>
    %convert_element_type3A_1053 = arith.extui %eq3A_1052 : vector<16xi1> to vector<16xi32>
    %broadcast_in_dim3A_1054 = arith.constant true
    %broadcast_in_dim3A_1055 = vector.broadcast %broadcast_in_dim3A_1054 : i1 to vector<16xi1>
    %masked_cumsum3A_1056 = tpu.scan <sum>, %convert_element_type3A_1053 masked %broadcast_in_dim3A_1055 : vector<16xi32>, vector<16xi1> -> vector<16xi32>
    %sub3A_1057 = arith.constant 1 : i32
    %sub3A_1058 = vector.broadcast %sub3A_1057 : i32 to vector<16xi32>
    %sub3A_1059 = arith.subi %masked_cumsum3A_1056, %sub3A_1058 : vector<16xi32>
    %select_n3A_1060 = arith.select %eq3A_1052, %sub3A_1059, %select_n3A_1049 : vector<16xi1>, vector<16xi32>
    %eq3A_1061 = arith.constant 4 : i32
    %eq3A_1062 = vector.broadcast %eq3A_1061 : i32 to vector<16xi32>
    %eq3A_1063 = arith.cmpi eq, %get3A_1015, %eq3A_1062 : vector<16xi32>
    %convert_element_type3A_1064 = arith.extui %eq3A_1063 : vector<16xi1> to vector<16xi32>
    %broadcast_in_dim3A_1065 = arith.constant true
    %broadcast_in_dim3A_1066 = vector.broadcast %broadcast_in_dim3A_1065 : i1 to vector<16xi1>
    %masked_cumsum3A_1067 = tpu.scan <sum>, %convert_element_type3A_1064 masked %broadcast_in_dim3A_1066 : vector<16xi32>, vector<16xi1> -> vector<16xi32>
    %sub3A_1068 = arith.constant 1 : i32
    %sub3A_1069 = vector.broadcast %sub3A_1068 : i32 to vector<16xi32>
    %sub3A_1070 = arith.subi %masked_cumsum3A_1067, %sub3A_1069 : vector<16xi32>
    %select_n3A_1071 = arith.select %eq3A_1063, %sub3A_1070, %select_n3A_1060 : vector<16xi1>, vector<16xi32>
    %eq3A_1072 = arith.constant 5 : i32
    %eq3A_1073 = vector.broadcast %eq3A_1072 : i32 to vector<16xi32>
    %eq3A_1074 = arith.cmpi eq, %get3A_1015, %eq3A_1073 : vector<16xi32>
    %convert_element_type3A_1075 = arith.extui %eq3A_1074 : vector<16xi1> to vector<16xi32>
    %broadcast_in_dim3A_1076 = arith.constant true
    %broadcast_in_dim3A_1077 = vector.broadcast %broadcast_in_dim3A_1076 : i1 to vector<16xi1>
    %masked_cumsum3A_1078 = tpu.scan <sum>, %convert_element_type3A_1075 masked %broadcast_in_dim3A_1077 : vector<16xi32>, vector<16xi1> -> vector<16xi32>
    %sub3A_1079 = arith.constant 1 : i32
    %sub3A_1080 = vector.broadcast %sub3A_1079 : i32 to vector<16xi32>
    %sub3A_1081 = arith.subi %masked_cumsum3A_1078, %sub3A_1080 : vector<16xi32>
    %select_n3A_1082 = arith.select %eq3A_1074, %sub3A_1081, %select_n3A_1071 : vector<16xi1>, vector<16xi32>
    %eq3A_1083 = arith.constant 6 : i32
    %eq3A_1084 = vector.broadcast %eq3A_1083 : i32 to vector<16xi32>
    %eq3A_1085 = arith.cmpi eq, %get3A_1015, %eq3A_1084 : vector<16xi32>
    %convert_element_type3A_1086 = arith.extui %eq3A_1085 : vector<16xi1> to vector<16xi32>
    %broadcast_in_dim3A_1087 = arith.constant true
    %broadcast_in_dim3A_1088 = vector.broadcast %broadcast_in_dim3A_1087 : i1 to vector<16xi1>
    %masked_cumsum3A_1089 = tpu.scan <sum>, %convert_element_type3A_1086 masked %broadcast_in_dim3A_1088 : vector<16xi32>, vector<16xi1> -> vector<16xi32>
    %sub3A_1090 = arith.constant 1 : i32
    %sub3A_1091 = vector.broadcast %sub3A_1090 : i32 to vector<16xi32>
    %sub3A_1092 = arith.subi %masked_cumsum3A_1089, %sub3A_1091 : vector<16xi32>
    %select_n3A_1093 = arith.select %eq3A_1085, %sub3A_1092, %select_n3A_1082 : vector<16xi1>, vector<16xi32>
    %eq3A_1094 = arith.constant 7 : i32
    %eq3A_1095 = vector.broadcast %eq3A_1094 : i32 to vector<16xi32>
    %eq3A_1096 = arith.cmpi eq, %get3A_1015, %eq3A_1095 : vector<16xi32>
    %convert_element_type3A_1097 = arith.extui %eq3A_1096 : vector<16xi1> to vector<16xi32>
    %broadcast_in_dim3A_1098 = arith.constant true
    %broadcast_in_dim3A_1099 = vector.broadcast %broadcast_in_dim3A_1098 : i1 to vector<16xi1>
    %masked_cumsum3A_1100 = tpu.scan <sum>, %convert_element_type3A_1097 masked %broadcast_in_dim3A_1099 : vector<16xi32>, vector<16xi1> -> vector<16xi32>
    %sub3A_1101 = arith.constant 1 : i32
    %sub3A_1102 = vector.broadcast %sub3A_1101 : i32 to vector<16xi32>
    %sub3A_1103 = arith.subi %masked_cumsum3A_1100, %sub3A_1102 : vector<16xi32>
    %select_n3A_1104 = arith.select %eq3A_1096, %sub3A_1103, %select_n3A_1093 : vector<16xi1>, vector<16xi32>
    %eq3A_1105 = arith.constant 8 : i32
    %eq3A_1106 = vector.broadcast %eq3A_1105 : i32 to vector<16xi32>
    %eq3A_1107 = arith.cmpi eq, %get3A_1015, %eq3A_1106 : vector<16xi32>
    %convert_element_type3A_1108 = arith.extui %eq3A_1107 : vector<16xi1> to vector<16xi32>
    %broadcast_in_dim3A_1109 = arith.constant true
    %broadcast_in_dim3A_1110 = vector.broadcast %broadcast_in_dim3A_1109 : i1 to vector<16xi1>
    %masked_cumsum3A_1111 = tpu.scan <sum>, %convert_element_type3A_1108 masked %broadcast_in_dim3A_1110 : vector<16xi32>, vector<16xi1> -> vector<16xi32>
    %sub3A_1112 = arith.constant 1 : i32
    %sub3A_1113 = vector.broadcast %sub3A_1112 : i32 to vector<16xi32>
    %sub3A_1114 = arith.subi %masked_cumsum3A_1111, %sub3A_1113 : vector<16xi32>
    %select_n3A_1115 = arith.select %eq3A_1107, %sub3A_1114, %select_n3A_1104 : vector<16xi1>, vector<16xi32>
    %eq3A_1116 = arith.constant 9 : i32
    %eq3A_1117 = vector.broadcast %eq3A_1116 : i32 to vector<16xi32>
    %eq3A_1118 = arith.cmpi eq, %get3A_1015, %eq3A_1117 : vector<16xi32>
    %convert_element_type3A_1119 = arith.extui %eq3A_1118 : vector<16xi1> to vector<16xi32>
    %broadcast_in_dim3A_1120 = arith.constant true
    %broadcast_in_dim3A_1121 = vector.broadcast %broadcast_in_dim3A_1120 : i1 to vector<16xi1>
    %masked_cumsum3A_1122 = tpu.scan <sum>, %convert_element_type3A_1119 masked %broadcast_in_dim3A_1121 : vector<16xi32>, vector<16xi1> -> vector<16xi32>
    %sub3A_1123 = arith.constant 1 : i32
    %sub3A_1124 = vector.broadcast %sub3A_1123 : i32 to vector<16xi32>
    %sub3A_1125 = arith.subi %masked_cumsum3A_1122, %sub3A_1124 : vector<16xi32>
    %select_n3A_1126 = arith.select %eq3A_1118, %sub3A_1125, %select_n3A_1115 : vector<16xi1>, vector<16xi32>
    %eq3A_1127 = arith.constant 10 : i32
    %eq3A_1128 = vector.broadcast %eq3A_1127 : i32 to vector<16xi32>
    %eq3A_1129 = arith.cmpi eq, %get3A_1015, %eq3A_1128 : vector<16xi32>
    %convert_element_type3A_1130 = arith.extui %eq3A_1129 : vector<16xi1> to vector<16xi32>
    %broadcast_in_dim3A_1131 = arith.constant true
    %broadcast_in_dim3A_1132 = vector.broadcast %broadcast_in_dim3A_1131 : i1 to vector<16xi1>
    %masked_cumsum3A_1133 = tpu.scan <sum>, %convert_element_type3A_1130 masked %broadcast_in_dim3A_1132 : vector<16xi32>, vector<16xi1> -> vector<16xi32>
    %sub3A_1134 = arith.constant 1 : i32
    %sub3A_1135 = vector.broadcast %sub3A_1134 : i32 to vector<16xi32>
    %sub3A_1136 = arith.subi %masked_cumsum3A_1133, %sub3A_1135 : vector<16xi32>
    %select_n3A_1137 = arith.select %eq3A_1129, %sub3A_1136, %select_n3A_1126 : vector<16xi1>, vector<16xi32>
    %eq3A_1138 = arith.constant 11 : i32
    %eq3A_1139 = vector.broadcast %eq3A_1138 : i32 to vector<16xi32>
    %eq3A_1140 = arith.cmpi eq, %get3A_1015, %eq3A_1139 : vector<16xi32>
    %convert_element_type3A_1141 = arith.extui %eq3A_1140 : vector<16xi1> to vector<16xi32>
    %broadcast_in_dim3A_1142 = arith.constant true
    %broadcast_in_dim3A_1143 = vector.broadcast %broadcast_in_dim3A_1142 : i1 to vector<16xi1>
    %masked_cumsum3A_1144 = tpu.scan <sum>, %convert_element_type3A_1141 masked %broadcast_in_dim3A_1143 : vector<16xi32>, vector<16xi1> -> vector<16xi32>
    %sub3A_1145 = arith.constant 1 : i32
    %sub3A_1146 = vector.broadcast %sub3A_1145 : i32 to vector<16xi32>
    %sub3A_1147 = arith.subi %masked_cumsum3A_1144, %sub3A_1146 : vector<16xi32>
    %select_n3A_1148 = arith.select %eq3A_1140, %sub3A_1147, %select_n3A_1137 : vector<16xi1>, vector<16xi32>
    %eq3A_1149 = arith.constant 12 : i32
    %eq3A_1150 = vector.broadcast %eq3A_1149 : i32 to vector<16xi32>
    %eq3A_1151 = arith.cmpi eq, %get3A_1015, %eq3A_1150 : vector<16xi32>
    %convert_element_type3A_1152 = arith.extui %eq3A_1151 : vector<16xi1> to vector<16xi32>
    %broadcast_in_dim3A_1153 = arith.constant true
    %broadcast_in_dim3A_1154 = vector.broadcast %broadcast_in_dim3A_1153 : i1 to vector<16xi1>
    %masked_cumsum3A_1155 = tpu.scan <sum>, %convert_element_type3A_1152 masked %broadcast_in_dim3A_1154 : vector<16xi32>, vector<16xi1> -> vector<16xi32>
    %sub3A_1156 = arith.constant 1 : i32
    %sub3A_1157 = vector.broadcast %sub3A_1156 : i32 to vector<16xi32>
    %sub3A_1158 = arith.subi %masked_cumsum3A_1155, %sub3A_1157 : vector<16xi32>
    %select_n3A_1159 = arith.select %eq3A_1151, %sub3A_1158, %select_n3A_1148 : vector<16xi1>, vector<16xi32>
    %eq3A_1160 = arith.constant 13 : i32
    %eq3A_1161 = vector.broadcast %eq3A_1160 : i32 to vector<16xi32>
    %eq3A_1162 = arith.cmpi eq, %get3A_1015, %eq3A_1161 : vector<16xi32>
    %convert_element_type3A_1163 = arith.extui %eq3A_1162 : vector<16xi1> to vector<16xi32>
    %broadcast_in_dim3A_1164 = arith.constant true
    %broadcast_in_dim3A_1165 = vector.broadcast %broadcast_in_dim3A_1164 : i1 to vector<16xi1>
    %masked_cumsum3A_1166 = tpu.scan <sum>, %convert_element_type3A_1163 masked %broadcast_in_dim3A_1165 : vector<16xi32>, vector<16xi1> -> vector<16xi32>
    %sub3A_1167 = arith.constant 1 : i32
    %sub3A_1168 = vector.broadcast %sub3A_1167 : i32 to vector<16xi32>
    %sub3A_1169 = arith.subi %masked_cumsum3A_1166, %sub3A_1168 : vector<16xi32>
    %select_n3A_1170 = arith.select %eq3A_1162, %sub3A_1169, %select_n3A_1159 : vector<16xi1>, vector<16xi32>
    %eq3A_1171 = arith.constant 14 : i32
    %eq3A_1172 = vector.broadcast %eq3A_1171 : i32 to vector<16xi32>
    %eq3A_1173 = arith.cmpi eq, %get3A_1015, %eq3A_1172 : vector<16xi32>
    %convert_element_type3A_1174 = arith.extui %eq3A_1173 : vector<16xi1> to vector<16xi32>
    %broadcast_in_dim3A_1175 = arith.constant true
    %broadcast_in_dim3A_1176 = vector.broadcast %broadcast_in_dim3A_1175 : i1 to vector<16xi1>
    %masked_cumsum3A_1177 = tpu.scan <sum>, %convert_element_type3A_1174 masked %broadcast_in_dim3A_1176 : vector<16xi32>, vector<16xi1> -> vector<16xi32>
    %sub3A_1178 = arith.constant 1 : i32
    %sub3A_1179 = vector.broadcast %sub3A_1178 : i32 to vector<16xi32>
    %sub3A_1180 = arith.subi %masked_cumsum3A_1177, %sub3A_1179 : vector<16xi32>
    %select_n3A_1181 = arith.select %eq3A_1173, %sub3A_1180, %select_n3A_1170 : vector<16xi1>, vector<16xi32>
    %eq3A_1182 = arith.constant 15 : i32
    %eq3A_1183 = vector.broadcast %eq3A_1182 : i32 to vector<16xi32>
    %eq3A_1184 = arith.cmpi eq, %get3A_1015, %eq3A_1183 : vector<16xi32>
    %convert_element_type3A_1185 = arith.extui %eq3A_1184 : vector<16xi1> to vector<16xi32>
    %broadcast_in_dim3A_1186 = arith.constant true
    %broadcast_in_dim3A_1187 = vector.broadcast %broadcast_in_dim3A_1186 : i1 to vector<16xi1>
    %masked_cumsum3A_1188 = tpu.scan <sum>, %convert_element_type3A_1185 masked %broadcast_in_dim3A_1187 : vector<16xi32>, vector<16xi1> -> vector<16xi32>
    %sub3A_1189 = arith.constant 1 : i32
    %sub3A_1190 = vector.broadcast %sub3A_1189 : i32 to vector<16xi32>
    %sub3A_1191 = arith.subi %masked_cumsum3A_1188, %sub3A_1190 : vector<16xi32>
    %select_n3A_1192 = arith.select %eq3A_1184, %sub3A_1191, %select_n3A_1181 : vector<16xi1>, vector<16xi32>
    %add3A_1193 = arith.addi %gather3A_1016, %select_n3A_1192 : vector<16xi32>
    tpu.vector_store_idx %arg9[%get3A_1015], %broadcast_in_dim3A_8 {add = true} : memref<16xi32, #tpu.memory_space<vmem>>[vector<16xi32>], vector<16xi32>,
    %add3A_1194 = arith.constant 48 : i32
    %add3A_1195 = arith.addi %mul3A_2, %add3A_1194 : i32
    %get3A_1196 = arith.index_cast %add3A_1195 : i32 to index
    %get3A_1197 = tpu.vector_load %arg8[%get3A_1196] {strides = array<i32>} : memref<2048xi32, #tpu.memory_space<vmem>>, vector<16xi32>,
    %gather3A_1198 = tpu.vector_load_idx %arg9[%get3A_1197] : memref<16xi32, #tpu.memory_space<vmem>>[vector<16xi32>], vector<16xi32>,
    %eq3A_1199 = arith.constant 0 : i32
    %eq3A_1200 = vector.broadcast %eq3A_1199 : i32 to vector<16xi32>
    %eq3A_1201 = arith.cmpi eq, %get3A_1197, %eq3A_1200 : vector<16xi32>
    %convert_element_type3A_1202 = arith.extui %eq3A_1201 : vector<16xi1> to vector<16xi32>
    %broadcast_in_dim3A_1203 = arith.constant true
    %broadcast_in_dim3A_1204 = vector.broadcast %broadcast_in_dim3A_1203 : i1 to vector<16xi1>
    %masked_cumsum3A_1205 = tpu.scan <sum>, %convert_element_type3A_1202 masked %broadcast_in_dim3A_1204 : vector<16xi32>, vector<16xi1> -> vector<16xi32>
    %sub3A_1206 = arith.constant 1 : i32
    %sub3A_1207 = vector.broadcast %sub3A_1206 : i32 to vector<16xi32>
    %sub3A_1208 = arith.subi %masked_cumsum3A_1205, %sub3A_1207 : vector<16xi32>
    %select_n3A_1209 = arith.select %eq3A_1201, %sub3A_1208, %broadcast_in_dim3A_6 : vector<16xi1>, vector<16xi32>
    %eq3A_1210 = arith.constant 1 : i32
    %eq3A_1211 = vector.broadcast %eq3A_1210 : i32 to vector<16xi32>
    %eq3A_1212 = arith.cmpi eq, %get3A_1197, %eq3A_1211 : vector<16xi32>
    %convert_element_type3A_1213 = arith.extui %eq3A_1212 : vector<16xi1> to vector<16xi32>
    %broadcast_in_dim3A_1214 = arith.constant true
    %broadcast_in_dim3A_1215 = vector.broadcast %broadcast_in_dim3A_1214 : i1 to vector<16xi1>
    %masked_cumsum3A_1216 = tpu.scan <sum>, %convert_element_type3A_1213 masked %broadcast_in_dim3A_1215 : vector<16xi32>, vector<16xi1> -> vector<16xi32>
    %sub3A_1217 = arith.constant 1 : i32
    %sub3A_1218 = vector.broadcast %sub3A_1217 : i32 to vector<16xi32>
    %sub3A_1219 = arith.subi %masked_cumsum3A_1216, %sub3A_1218 : vector<16xi32>
    %select_n3A_1220 = arith.select %eq3A_1212, %sub3A_1219, %select_n3A_1209 : vector<16xi1>, vector<16xi32>
    %eq3A_1221 = arith.constant 2 : i32
    %eq3A_1222 = vector.broadcast %eq3A_1221 : i32 to vector<16xi32>
    %eq3A_1223 = arith.cmpi eq, %get3A_1197, %eq3A_1222 : vector<16xi32>
    %convert_element_type3A_1224 = arith.extui %eq3A_1223 : vector<16xi1> to vector<16xi32>
    %broadcast_in_dim3A_1225 = arith.constant true
    %broadcast_in_dim3A_1226 = vector.broadcast %broadcast_in_dim3A_1225 : i1 to vector<16xi1>
    %masked_cumsum3A_1227 = tpu.scan <sum>, %convert_element_type3A_1224 masked %broadcast_in_dim3A_1226 : vector<16xi32>, vector<16xi1> -> vector<16xi32>
    %sub3A_1228 = arith.constant 1 : i32
    %sub3A_1229 = vector.broadcast %sub3A_1228 : i32 to vector<16xi32>
    %sub3A_1230 = arith.subi %masked_cumsum3A_1227, %sub3A_1229 : vector<16xi32>
    %select_n3A_1231 = arith.select %eq3A_1223, %sub3A_1230, %select_n3A_1220 : vector<16xi1>, vector<16xi32>
    %eq3A_1232 = arith.constant 3 : i32
    %eq3A_1233 = vector.broadcast %eq3A_1232 : i32 to vector<16xi32>
    %eq3A_1234 = arith.cmpi eq, %get3A_1197, %eq3A_1233 : vector<16xi32>
    %convert_element_type3A_1235 = arith.extui %eq3A_1234 : vector<16xi1> to vector<16xi32>
    %broadcast_in_dim3A_1236 = arith.constant true
    %broadcast_in_dim3A_1237 = vector.broadcast %broadcast_in_dim3A_1236 : i1 to vector<16xi1>
    %masked_cumsum3A_1238 = tpu.scan <sum>, %convert_element_type3A_1235 masked %broadcast_in_dim3A_1237 : vector<16xi32>, vector<16xi1> -> vector<16xi32>
    %sub3A_1239 = arith.constant 1 : i32
    %sub3A_1240 = vector.broadcast %sub3A_1239 : i32 to vector<16xi32>
    %sub3A_1241 = arith.subi %masked_cumsum3A_1238, %sub3A_1240 : vector<16xi32>
    %select_n3A_1242 = arith.select %eq3A_1234, %sub3A_1241, %select_n3A_1231 : vector<16xi1>, vector<16xi32>
    %eq3A_1243 = arith.constant 4 : i32
    %eq3A_1244 = vector.broadcast %eq3A_1243 : i32 to vector<16xi32>
    %eq3A_1245 = arith.cmpi eq, %get3A_1197, %eq3A_1244 : vector<16xi32>
    %convert_element_type3A_1246 = arith.extui %eq3A_1245 : vector<16xi1> to vector<16xi32>
    %broadcast_in_dim3A_1247 = arith.constant true
    %broadcast_in_dim3A_1248 = vector.broadcast %broadcast_in_dim3A_1247 : i1 to vector<16xi1>
    %masked_cumsum3A_1249 = tpu.scan <sum>, %convert_element_type3A_1246 masked %broadcast_in_dim3A_1248 : vector<16xi32>, vector<16xi1> -> vector<16xi32>
    %sub3A_1250 = arith.constant 1 : i32
    %sub3A_1251 = vector.broadcast %sub3A_1250 : i32 to vector<16xi32>
    %sub3A_1252 = arith.subi %masked_cumsum3A_1249, %sub3A_1251 : vector<16xi32>
    %select_n3A_1253 = arith.select %eq3A_1245, %sub3A_1252, %select_n3A_1242 : vector<16xi1>, vector<16xi32>
    %eq3A_1254 = arith.constant 5 : i32
    %eq3A_1255 = vector.broadcast %eq3A_1254 : i32 to vector<16xi32>
    %eq3A_1256 = arith.cmpi eq, %get3A_1197, %eq3A_1255 : vector<16xi32>
    %convert_element_type3A_1257 = arith.extui %eq3A_1256 : vector<16xi1> to vector<16xi32>
    %broadcast_in_dim3A_1258 = arith.constant true
    %broadcast_in_dim3A_1259 = vector.broadcast %broadcast_in_dim3A_1258 : i1 to vector<16xi1>
    %masked_cumsum3A_1260 = tpu.scan <sum>, %convert_element_type3A_1257 masked %broadcast_in_dim3A_1259 : vector<16xi32>, vector<16xi1> -> vector<16xi32>
    %sub3A_1261 = arith.constant 1 : i32
    %sub3A_1262 = vector.broadcast %sub3A_1261 : i32 to vector<16xi32>
    %sub3A_1263 = arith.subi %masked_cumsum3A_1260, %sub3A_1262 : vector<16xi32>
    %select_n3A_1264 = arith.select %eq3A_1256, %sub3A_1263, %select_n3A_1253 : vector<16xi1>, vector<16xi32>
    %eq3A_1265 = arith.constant 6 : i32
    %eq3A_1266 = vector.broadcast %eq3A_1265 : i32 to vector<16xi32>
    %eq3A_1267 = arith.cmpi eq, %get3A_1197, %eq3A_1266 : vector<16xi32>
    %convert_element_type3A_1268 = arith.extui %eq3A_1267 : vector<16xi1> to vector<16xi32>
    %broadcast_in_dim3A_1269 = arith.constant true
    %broadcast_in_dim3A_1270 = vector.broadcast %broadcast_in_dim3A_1269 : i1 to vector<16xi1>
    %masked_cumsum3A_1271 = tpu.scan <sum>, %convert_element_type3A_1268 masked %broadcast_in_dim3A_1270 : vector<16xi32>, vector<16xi1> -> vector<16xi32>
    %sub3A_1272 = arith.constant 1 : i32
    %sub3A_1273 = vector.broadcast %sub3A_1272 : i32 to vector<16xi32>
    %sub3A_1274 = arith.subi %masked_cumsum3A_1271, %sub3A_1273 : vector<16xi32>
    %select_n3A_1275 = arith.select %eq3A_1267, %sub3A_1274, %select_n3A_1264 : vector<16xi1>, vector<16xi32>
    %eq3A_1276 = arith.constant 7 : i32
    %eq3A_1277 = vector.broadcast %eq3A_1276 : i32 to vector<16xi32>
    %eq3A_1278 = arith.cmpi eq, %get3A_1197, %eq3A_1277 : vector<16xi32>
    %convert_element_type3A_1279 = arith.extui %eq3A_1278 : vector<16xi1> to vector<16xi32>
    %broadcast_in_dim3A_1280 = arith.constant true
    %broadcast_in_dim3A_1281 = vector.broadcast %broadcast_in_dim3A_1280 : i1 to vector<16xi1>
    %masked_cumsum3A_1282 = tpu.scan <sum>, %convert_element_type3A_1279 masked %broadcast_in_dim3A_1281 : vector<16xi32>, vector<16xi1> -> vector<16xi32>
    %sub3A_1283 = arith.constant 1 : i32
    %sub3A_1284 = vector.broadcast %sub3A_1283 : i32 to vector<16xi32>
    %sub3A_1285 = arith.subi %masked_cumsum3A_1282, %sub3A_1284 : vector<16xi32>
    %select_n3A_1286 = arith.select %eq3A_1278, %sub3A_1285, %select_n3A_1275 : vector<16xi1>, vector<16xi32>
    %eq3A_1287 = arith.constant 8 : i32
    %eq3A_1288 = vector.broadcast %eq3A_1287 : i32 to vector<16xi32>
    %eq3A_1289 = arith.cmpi eq, %get3A_1197, %eq3A_1288 : vector<16xi32>
    %convert_element_type3A_1290 = arith.extui %eq3A_1289 : vector<16xi1> to vector<16xi32>
    %broadcast_in_dim3A_1291 = arith.constant true
    %broadcast_in_dim3A_1292 = vector.broadcast %broadcast_in_dim3A_1291 : i1 to vector<16xi1>
    %masked_cumsum3A_1293 = tpu.scan <sum>, %convert_element_type3A_1290 masked %broadcast_in_dim3A_1292 : vector<16xi32>, vector<16xi1> -> vector<16xi32>
    %sub3A_1294 = arith.constant 1 : i32
    %sub3A_1295 = vector.broadcast %sub3A_1294 : i32 to vector<16xi32>
    %sub3A_1296 = arith.subi %masked_cumsum3A_1293, %sub3A_1295 : vector<16xi32>
    %select_n3A_1297 = arith.select %eq3A_1289, %sub3A_1296, %select_n3A_1286 : vector<16xi1>, vector<16xi32>
    %eq3A_1298 = arith.constant 9 : i32
    %eq3A_1299 = vector.broadcast %eq3A_1298 : i32 to vector<16xi32>
    %eq3A_1300 = arith.cmpi eq, %get3A_1197, %eq3A_1299 : vector<16xi32>
    %convert_element_type3A_1301 = arith.extui %eq3A_1300 : vector<16xi1> to vector<16xi32>
    %broadcast_in_dim3A_1302 = arith.constant true
    %broadcast_in_dim3A_1303 = vector.broadcast %broadcast_in_dim3A_1302 : i1 to vector<16xi1>
    %masked_cumsum3A_1304 = tpu.scan <sum>, %convert_element_type3A_1301 masked %broadcast_in_dim3A_1303 : vector<16xi32>, vector<16xi1> -> vector<16xi32>
    %sub3A_1305 = arith.constant 1 : i32
    %sub3A_1306 = vector.broadcast %sub3A_1305 : i32 to vector<16xi32>
    %sub3A_1307 = arith.subi %masked_cumsum3A_1304, %sub3A_1306 : vector<16xi32>
    %select_n3A_1308 = arith.select %eq3A_1300, %sub3A_1307, %select_n3A_1297 : vector<16xi1>, vector<16xi32>
    %eq3A_1309 = arith.constant 10 : i32
    %eq3A_1310 = vector.broadcast %eq3A_1309 : i32 to vector<16xi32>
    %eq3A_1311 = arith.cmpi eq, %get3A_1197, %eq3A_1310 : vector<16xi32>
    %convert_element_type3A_1312 = arith.extui %eq3A_1311 : vector<16xi1> to vector<16xi32>
    %broadcast_in_dim3A_1313 = arith.constant true
    %broadcast_in_dim3A_1314 = vector.broadcast %broadcast_in_dim3A_1313 : i1 to vector<16xi1>
    %masked_cumsum3A_1315 = tpu.scan <sum>, %convert_element_type3A_1312 masked %broadcast_in_dim3A_1314 : vector<16xi32>, vector<16xi1> -> vector<16xi32>
    %sub3A_1316 = arith.constant 1 : i32
    %sub3A_1317 = vector.broadcast %sub3A_1316 : i32 to vector<16xi32>
    %sub3A_1318 = arith.subi %masked_cumsum3A_1315, %sub3A_1317 : vector<16xi32>
    %select_n3A_1319 = arith.select %eq3A_1311, %sub3A_1318, %select_n3A_1308 : vector<16xi1>, vector<16xi32>
    %eq3A_1320 = arith.constant 11 : i32
    %eq3A_1321 = vector.broadcast %eq3A_1320 : i32 to vector<16xi32>
    %eq3A_1322 = arith.cmpi eq, %get3A_1197, %eq3A_1321 : vector<16xi32>
    %convert_element_type3A_1323 = arith.extui %eq3A_1322 : vector<16xi1> to vector<16xi32>
    %broadcast_in_dim3A_1324 = arith.constant true
    %broadcast_in_dim3A_1325 = vector.broadcast %broadcast_in_dim3A_1324 : i1 to vector<16xi1>
    %masked_cumsum3A_1326 = tpu.scan <sum>, %convert_element_type3A_1323 masked %broadcast_in_dim3A_1325 : vector<16xi32>, vector<16xi1> -> vector<16xi32>
    %sub3A_1327 = arith.constant 1 : i32
    %sub3A_1328 = vector.broadcast %sub3A_1327 : i32 to vector<16xi32>
    %sub3A_1329 = arith.subi %masked_cumsum3A_1326, %sub3A_1328 : vector<16xi32>
    %select_n3A_1330 = arith.select %eq3A_1322, %sub3A_1329, %select_n3A_1319 : vector<16xi1>, vector<16xi32>
    %eq3A_1331 = arith.constant 12 : i32
    %eq3A_1332 = vector.broadcast %eq3A_1331 : i32 to vector<16xi32>
    %eq3A_1333 = arith.cmpi eq, %get3A_1197, %eq3A_1332 : vector<16xi32>
    %convert_element_type3A_1334 = arith.extui %eq3A_1333 : vector<16xi1> to vector<16xi32>
    %broadcast_in_dim3A_1335 = arith.constant true
    %broadcast_in_dim3A_1336 = vector.broadcast %broadcast_in_dim3A_1335 : i1 to vector<16xi1>
    %masked_cumsum3A_1337 = tpu.scan <sum>, %convert_element_type3A_1334 masked %broadcast_in_dim3A_1336 : vector<16xi32>, vector<16xi1> -> vector<16xi32>
    %sub3A_1338 = arith.constant 1 : i32
    %sub3A_1339 = vector.broadcast %sub3A_1338 : i32 to vector<16xi32>
    %sub3A_1340 = arith.subi %masked_cumsum3A_1337, %sub3A_1339 : vector<16xi32>
    %select_n3A_1341 = arith.select %eq3A_1333, %sub3A_1340, %select_n3A_1330 : vector<16xi1>, vector<16xi32>
    %eq3A_1342 = arith.constant 13 : i32
    %eq3A_1343 = vector.broadcast %eq3A_1342 : i32 to vector<16xi32>
    %eq3A_1344 = arith.cmpi eq, %get3A_1197, %eq3A_1343 : vector<16xi32>
    %convert_element_type3A_1345 = arith.extui %eq3A_1344 : vector<16xi1> to vector<16xi32>
    %broadcast_in_dim3A_1346 = arith.constant true
    %broadcast_in_dim3A_1347 = vector.broadcast %broadcast_in_dim3A_1346 : i1 to vector<16xi1>
    %masked_cumsum3A_1348 = tpu.scan <sum>, %convert_element_type3A_1345 masked %broadcast_in_dim3A_1347 : vector<16xi32>, vector<16xi1> -> vector<16xi32>
    %sub3A_1349 = arith.constant 1 : i32
    %sub3A_1350 = vector.broadcast %sub3A_1349 : i32 to vector<16xi32>
    %sub3A_1351 = arith.subi %masked_cumsum3A_1348, %sub3A_1350 : vector<16xi32>
    %select_n3A_1352 = arith.select %eq3A_1344, %sub3A_1351, %select_n3A_1341 : vector<16xi1>, vector<16xi32>
    %eq3A_1353 = arith.constant 14 : i32
    %eq3A_1354 = vector.broadcast %eq3A_1353 : i32 to vector<16xi32>
    %eq3A_1355 = arith.cmpi eq, %get3A_1197, %eq3A_1354 : vector<16xi32>
    %convert_element_type3A_1356 = arith.extui %eq3A_1355 : vector<16xi1> to vector<16xi32>
    %broadcast_in_dim3A_1357 = arith.constant true
    %broadcast_in_dim3A_1358 = vector.broadcast %broadcast_in_dim3A_1357 : i1 to vector<16xi1>
    %masked_cumsum3A_1359 = tpu.scan <sum>, %convert_element_type3A_1356 masked %broadcast_in_dim3A_1358 : vector<16xi32>, vector<16xi1> -> vector<16xi32>
    %sub3A_1360 = arith.constant 1 : i32
    %sub3A_1361 = vector.broadcast %sub3A_1360 : i32 to vector<16xi32>
    %sub3A_1362 = arith.subi %masked_cumsum3A_1359, %sub3A_1361 : vector<16xi32>
    %select_n3A_1363 = arith.select %eq3A_1355, %sub3A_1362, %select_n3A_1352 : vector<16xi1>, vector<16xi32>
    %eq3A_1364 = arith.constant 15 : i32
    %eq3A_1365 = vector.broadcast %eq3A_1364 : i32 to vector<16xi32>
    %eq3A_1366 = arith.cmpi eq, %get3A_1197, %eq3A_1365 : vector<16xi32>
    %convert_element_type3A_1367 = arith.extui %eq3A_1366 : vector<16xi1> to vector<16xi32>
    %broadcast_in_dim3A_1368 = arith.constant true
    %broadcast_in_dim3A_1369 = vector.broadcast %broadcast_in_dim3A_1368 : i1 to vector<16xi1>
    %masked_cumsum3A_1370 = tpu.scan <sum>, %convert_element_type3A_1367 masked %broadcast_in_dim3A_1369 : vector<16xi32>, vector<16xi1> -> vector<16xi32>
    %sub3A_1371 = arith.constant 1 : i32
    %sub3A_1372 = vector.broadcast %sub3A_1371 : i32 to vector<16xi32>
    %sub3A_1373 = arith.subi %masked_cumsum3A_1370, %sub3A_1372 : vector<16xi32>
    %select_n3A_1374 = arith.select %eq3A_1366, %sub3A_1373, %select_n3A_1363 : vector<16xi1>, vector<16xi32>
    %add3A_1375 = arith.addi %gather3A_1198, %select_n3A_1374 : vector<16xi32>
    tpu.vector_store_idx %arg9[%get3A_1197], %broadcast_in_dim3A_8 {add = true} : memref<16xi32, #tpu.memory_space<vmem>>[vector<16xi32>], vector<16xi32>,
    %get3A_1376 = arith.constant 0 : index
    %get3A_1377 = tpu.vector_load %arg11[%get3A_1376] {strides = array<i32>} : memref<16xi32, #tpu.memory_space<vmem>>, vector<16xi32>,
    %add3A_1378 = arith.constant 127 : i32
    %add3A_1379 = vector.broadcast %add3A_1378 : i32 to vector<16xi32>
    %add3A_1380 = arith.addi %get3A_1377, %add3A_1379 : vector<16xi32>
    %jit3A = arith.constant 128 : i32
    %div3A = vector.broadcast %jit3A : i32 to vector<16xi32>
    %div3A_1381 = arith.divsi %add3A_1380, %div3A : vector<16xi32>
    %sign3A = arith.constant 0 : i32
    %sign3A_1382 = vector.broadcast %sign3A : i32 to vector<16xi32>
    %sign3A_1383 = arith.cmpi sgt, %add3A_1380, %sign3A_1382 : vector<16xi32>
    %sign3A_1384 = arith.extui %sign3A_1383 : vector<16xi1> to vector<16xi32>
    %sign3A_1385 = arith.constant 0 : i32
    %sign3A_1386 = vector.broadcast %sign3A_1385 : i32 to vector<16xi32>
    %sign3A_1387 = arith.cmpi slt, %add3A_1380, %sign3A_1386 : vector<16xi32>
    %sign3A_1388 = arith.extui %sign3A_1387 : vector<16xi1> to vector<16xi32>
    %sign3A_1389 = arith.subi %sign3A_1384, %sign3A_1388 : vector<16xi32>
    %sign3A_1390 = arith.constant 0 : i32
    %sign3A_1391 = arith.cmpi sgt, %jit3A, %sign3A_1390 : i32
    %sign3A_1392 = arith.extui %sign3A_1391 : i1 to i32
    %sign3A_1393 = arith.constant 0 : i32
    %sign3A_1394 = arith.cmpi slt, %jit3A, %sign3A_1393 : i32
    %sign3A_1395 = arith.extui %sign3A_1394 : i1 to i32
    %sign3A_1396 = arith.subi %sign3A_1392, %sign3A_1395 : i32
    %ne3A = vector.broadcast %sign3A_1396 : i32 to vector<16xi32>
    %ne3A_1397 = arith.cmpi ne, %sign3A_1389, %ne3A : vector<16xi32>
    %rem3A = vector.broadcast %jit3A : i32 to vector<16xi32>
    %rem3A_1398 = arith.remsi %add3A_1380, %rem3A : vector<16xi32>
    %ne3A_1399 = arith.constant 0 : i32
    %ne3A_1400 = vector.broadcast %ne3A_1399 : i32 to vector<16xi32>
    %ne3A_1401 = arith.cmpi ne, %rem3A_1398, %ne3A_1400 : vector<16xi32>
    %and3A = arith.andi %ne3A_1397, %ne3A_1401 : vector<16xi1>
    %sub3A_1402 = arith.constant 1 : i32
    %sub3A_1403 = vector.broadcast %sub3A_1402 : i32 to vector<16xi32>
    %sub3A_1404 = arith.subi %div3A_1381, %sub3A_1403 : vector<16xi32>
    %select_n3A_1405 = arith.select %and3A, %sub3A_1404, %div3A_1381 : vector<16xi1>, vector<16xi32>
    %broadcast_in_dim3A_1406 = arith.constant true
    %broadcast_in_dim3A_1407 = vector.broadcast %broadcast_in_dim3A_1406 : i1 to vector<16xi1>
    %masked_cumsum3A_1408 = tpu.scan <sum>, %select_n3A_1405 masked %broadcast_in_dim3A_1407 : vector<16xi32>, vector<16xi1> -> vector<16xi32>
    %sub3A_1409 = arith.subi %masked_cumsum3A_1408, %select_n3A_1405 : vector<16xi32>
    %mul3A_1410 = arith.constant 128 : i32
    %mul3A_1411 = vector.broadcast %mul3A_1410 : i32 to vector<16xi32>
    %mul3A_1412 = arith.muli %sub3A_1409, %mul3A_1411 : vector<16xi32>
    %get3A_1413 = arith.constant 0 : index
    %get3A_1414 = tpu.vector_load %arg10[%get3A_1413] {strides = array<i32>} : memref<16xi32, #tpu.memory_space<vmem>>, vector<16xi32>,
    %add3A_1415 = arith.addi %mul3A_1412, %get3A_1414 : vector<16xi32>
    %swap3A_1416 = arith.constant 0 : index
    %swap3A_1417 = tpu.vector_load %arg12[%swap3A_1416] {strides = array<i32>} : memref<16xi32, #tpu.memory_space<vmem>>, vector<16xi32>,
    tpu.vector_store %arg12[%swap3A_1416], %add3A_1415 {strides = array<i32>} : memref<16xi32, #tpu.memory_space<vmem>>, vector<16xi32>,
    %gather3A_1418 = tpu.vector_load_idx %arg12[%get3A_657] : memref<16xi32, #tpu.memory_space<vmem>>[vector<16xi32>], vector<16xi32>,
    %add3A_1419 = arith.addi %gather3A_1418, %add3A_829 : vector<16xi32>
    %swap3A_1420 = arith.constant 0 : index
    %swap3A_1421 = tpu.vector_load %arg14[%swap3A_1420] {strides = array<i32>} : memref<64xi32, #tpu.memory_space<vmem>>, vector<16xi32>,
    tpu.vector_store %arg14[%swap3A_1420], %add3A_1419 {strides = array<i32>} : memref<64xi32, #tpu.memory_space<vmem>>, vector<16xi32>,
    %gather3A_1422 = tpu.vector_load_idx %arg12[%get3A_833] : memref<16xi32, #tpu.memory_space<vmem>>[vector<16xi32>], vector<16xi32>,
    %add3A_1423 = arith.addi %gather3A_1422, %add3A_1011 : vector<16xi32>
    %swap3A_1424 = arith.constant 16 : index
    %swap3A_1425 = tpu.vector_load %arg14[%swap3A_1424] {strides = array<i32>} : memref<64xi32, #tpu.memory_space<vmem>>, vector<16xi32>,
    tpu.vector_store %arg14[%swap3A_1424], %add3A_1423 {strides = array<i32>} : memref<64xi32, #tpu.memory_space<vmem>>, vector<16xi32>,
    %gather3A_1426 = tpu.vector_load_idx %arg12[%get3A_1015] : memref<16xi32, #tpu.memory_space<vmem>>[vector<16xi32>], vector<16xi32>,
    %add3A_1427 = arith.addi %gather3A_1426, %add3A_1193 : vector<16xi32>
    %swap3A_1428 = arith.constant 32 : index
    %swap3A_1429 = tpu.vector_load %arg14[%swap3A_1428] {strides = array<i32>} : memref<64xi32, #tpu.memory_space<vmem>>, vector<16xi32>,
    tpu.vector_store %arg14[%swap3A_1428], %add3A_1427 {strides = array<i32>} : memref<64xi32, #tpu.memory_space<vmem>>, vector<16xi32>,
    %gather3A_1430 = tpu.vector_load_idx %arg12[%get3A_1197] : memref<16xi32, #tpu.memory_space<vmem>>[vector<16xi32>], vector<16xi32>,
    %add3A_1431 = arith.addi %gather3A_1430, %add3A_1375 : vector<16xi32>
    %swap3A_1432 = arith.constant 48 : index
    %swap3A_1433 = tpu.vector_load %arg14[%swap3A_1432] {strides = array<i32>} : memref<64xi32, #tpu.memory_space<vmem>>, vector<16xi32>,
    tpu.vector_store %arg14[%swap3A_1432], %add3A_1431 {strides = array<i32>} : memref<64xi32, #tpu.memory_space<vmem>>, vector<16xi32>,
    "tpu.region"() ({
      %run_scoped3A = tpu.sem_alloc : memref<!tpu.dma_semaphore, #tpu.memory_space<semaphore_mem>>
      %dma_start3A_1447 = tpu.memref_slice %arg5[%mul3A_2] : memref<2048xi32, #tpu.memory_space<hbm>> -> memref<64xi32, #tpu.memory_space<hbm>>
      %dma_start3A_1448 = tpu.memref_slice %arg5[%mul3A_2] : memref<2048xi32, #tpu.memory_space<hbm>> -> memref<64xi32, #tpu.memory_space<hbm>>
      tpu.enqueue_dma source(%arg14 : memref<64xi32, #tpu.memory_space<vmem>>) target(%dma_start3A_1448 : memref<64xi32, #tpu.memory_space<hbm>>) target_semaphore(%run_scoped3A : memref<!tpu.dma_semaphore, #tpu.memory_space<semaphore_mem>>)
      %dma_wait3A_1449 = tpu.memref_slice %arg5[%mul3A_2] : memref<2048xi32, #tpu.memory_space<hbm>> -> memref<64xi32, #tpu.memory_space<hbm>>
      %dma_wait3A_1450 = tpu.memref_slice %arg5[%mul3A_2] : memref<2048xi32, #tpu.memory_space<hbm>> -> memref<64xi32, #tpu.memory_space<hbm>>
      tpu.wait_dma2 semaphore(%run_scoped3A : memref<!tpu.dma_semaphore, #tpu.memory_space<semaphore_mem>>) src(%arg14 : memref<64xi32, #tpu.memory_space<vmem>>) dst(%dma_wait3A_1450 : memref<64xi32, #tpu.memory_space<hbm>>)
      tpu.yield
    }) : () -> ()
    %dma_wait3A = arith.constant 0 : i32
    %dma_wait3A_1434 = tpu.memref_slice %arg2[%mul3A_2, %dma_wait3A] : memref<2048x768xf32, #tpu.memory_space<hbm>> -> memref<64x768xf32, #tpu.memory_space<hbm>>
    %dma_wait3A_1435 = arith.constant 0 : i32
    %dma_wait3A_1436 = tpu.memref_slice %arg2[%mul3A_2, %dma_wait3A_1435] : memref<2048x768xf32, #tpu.memory_space<hbm>> -> memref<64x768xf32, #tpu.memory_space<hbm>>
    tpu.wait_dma2 semaphore(%arg16 : memref<!tpu.dma_semaphore, #tpu.memory_space<semaphore_mem>>) src(%dma_wait3A_1436 : memref<64x768xf32, #tpu.memory_space<hbm>>) dst(%arg7 : memref<64x768xf32, #tpu.memory_space<vmem>>)
    %dma_start3A_1437 = arith.constant 0 : i32
    %dma_start3A_1438 = arith.constant 0 : i32
    %dma_start3A_1439 = tpu.memref_slice %arg4[%dma_start3A_1437, %dma_start3A_1438] : memref<4096x768xf32, #tpu.memory_space<hbm>> -> memref<4096x768xf32, #tpu.memory_space<hbm>>
    tpu.enqueue_indirect_dma source(%arg7 : memref<64x768xf32, #tpu.memory_space<vmem>>) target(%dma_start3A_1439 : memref<4096x768xf32, #tpu.memory_space<hbm>>) offsets(%arg14 : memref<64xi32, #tpu.memory_space<vmem>>) semaphore(%arg17 : memref<!tpu.dma_semaphore, #tpu.memory_space<semaphore_mem>>)
    %dma_wait3A_1440 = arith.constant 0 : i32
    %dma_wait3A_1441 = arith.constant 0 : i32
    %dma_wait3A_1442 = tpu.memref_slice %arg4[%dma_wait3A_1440, %dma_wait3A_1441] : memref<4096x768xf32, #tpu.memory_space<hbm>> -> memref<4096x768xf32, #tpu.memory_space<hbm>>
    tpu.wait_indirect_dma semaphore(%arg17 : memref<!tpu.dma_semaphore, #tpu.memory_space<semaphore_mem>>) src(%arg7 : memref<64x768xf32, #tpu.memory_space<vmem>>) dst(%dma_wait3A_1442 : memref<4096x768xf32, #tpu.memory_space<hbm>>)
    %eq3A_1443 = arith.constant 0 : i32
    %eq3A_1444 = arith.cmpi eq, %add3A, %eq3A_1443 : i32
    %convert_element_type3A_1445 = arith.extui %eq3A_1444 : i1 to i32
    %cond3A = arith.constant 0 : i32
    %cond3A_1446 = arith.cmpi ne, %convert_element_type3A_1445, %cond3A : i32
    scf.if %cond3A_1446 {
      %reduce_sum3A = arith.constant true
      %reduce_sum3A_1447 = vector.broadcast %reduce_sum3A : i1 to vector<16xi1>
      %reduce_sum3A_1448 = tpu.scan <sum>, %select_n3A_1405 masked %reduce_sum3A_1447 : vector<16xi32>, vector<16xi1> -> vector<16xi32>
      %reduce_sum3A_1449 = vector.extract %reduce_sum3A_1448[15] : i32 from vector<16xi32>
      %iota3A = tpu.iota {dimensions = array<i32: 0>} : vector<16xi32>
      %swap3A_1450 = arith.constant 0 : index
      %swap3A_1451 = tpu.vector_load %arg13[%swap3A_1450] {strides = array<i32>} : memref<32xi32, #tpu.memory_space<vmem>>, vector<16xi32>,
      tpu.vector_store %arg13[%swap3A_1450], %broadcast_in_dim3A_6 {strides = array<i32>} : memref<32xi32, #tpu.memory_space<vmem>>, vector<16xi32>,
      %swap3A_1452 = arith.constant 16 : index
      %swap3A_1453 = tpu.vector_load %arg13[%swap3A_1452] {strides = array<i32>} : memref<32xi32, #tpu.memory_space<vmem>>, vector<16xi32>,
      tpu.vector_store %arg13[%swap3A_1452], %broadcast_in_dim3A_6 {strides = array<i32>} : memref<32xi32, #tpu.memory_space<vmem>>, vector<16xi32>,
      %gt3A_1454 = arith.constant 0 : i32
      %gt3A_1455 = vector.broadcast %gt3A_1454 : i32 to vector<16xi32>
      %gt3A_1456 = arith.cmpi sgt, %select_n3A_1405, %gt3A_1455 : vector<16xi32>
      tpu.vector_store_idx %arg13[%sub3A_1409], %iota3A masked %gt3A_1456 : memref<32xi32, #tpu.memory_space<vmem>>[vector<16xi32>], vector<16xi32>, vector<16xi1>
      %get3A_1457 = arith.constant 0 : index
      %get3A_1458 = tpu.vector_load %arg13[%get3A_1457] {strides = array<i32>} : memref<32xi32, #tpu.memory_space<vmem>>, vector<16xi32>,
      %broadcast_in_dim3A_1459 = arith.constant true
      %broadcast_in_dim3A_1460 = vector.broadcast %broadcast_in_dim3A_1459 : i1 to vector<16xi1>
      %masked_cummax3A = arith.constant -2147483648 : i32
      %masked_cummax3A_1461 = vector.broadcast %masked_cummax3A : i32 to vector<16xi32>
      %masked_cummax3A_1462 = arith.xori %get3A_1458, %masked_cummax3A_1461 : vector<16xi32>
      %masked_cummax3A_1463 = tpu.scan <max>, %masked_cummax3A_1462 masked %broadcast_in_dim3A_1460 : vector<16xi32>, vector<16xi1> -> vector<16xi32>
      %masked_cummax3A_1464 = arith.xori %masked_cummax3A_1463, %masked_cummax3A_1461 : vector<16xi32>
      %reduce_max3A = arith.constant true
      %reduce_max3A_1465 = vector.broadcast %reduce_max3A : i1 to vector<16xi1>
      %reduce_max3A_1466 = arith.constant -2147483648 : i32
      %reduce_max3A_1467 = vector.broadcast %reduce_max3A_1466 : i32 to vector<16xi32>
      %reduce_max3A_1468 = arith.xori %masked_cummax3A_1464, %reduce_max3A_1467 : vector<16xi32>
      %reduce_max3A_1469 = tpu.scan <max>, %reduce_max3A_1468 masked %reduce_max3A_1465 : vector<16xi32>, vector<16xi1> -> vector<16xi32>
      %reduce_max3A_1470 = arith.xori %reduce_max3A_1469, %reduce_max3A_1467 : vector<16xi32>
      %reduce_max3A_1471 = vector.extract %reduce_max3A_1470[15] : i32 from vector<16xi32>
      %broadcast_in_dim3A_1472 = vector.broadcast %reduce_max3A_1471 : i32 to vector<16xi32>
      %get3A_1473 = arith.constant 16 : index
      %get3A_1474 = tpu.vector_load %arg13[%get3A_1473] {strides = array<i32>} : memref<32xi32, #tpu.memory_space<vmem>>, vector<16xi32>,
      %broadcast_in_dim3A_1475 = arith.constant true
      %broadcast_in_dim3A_1476 = vector.broadcast %broadcast_in_dim3A_1475 : i1 to vector<16xi1>
      %masked_cummax3A_1477 = arith.constant -2147483648 : i32
      %masked_cummax3A_1478 = vector.broadcast %masked_cummax3A_1477 : i32 to vector<16xi32>
      %masked_cummax3A_1479 = arith.xori %get3A_1474, %masked_cummax3A_1478 : vector<16xi32>
      %masked_cummax3A_1480 = tpu.scan <max>, %masked_cummax3A_1479 masked %broadcast_in_dim3A_1476 : vector<16xi32>, vector<16xi1> -> vector<16xi32>
      %masked_cummax3A_1481 = arith.xori %masked_cummax3A_1480, %masked_cummax3A_1478 : vector<16xi32>
      %max3A = arith.maxsi %masked_cummax3A_1481, %broadcast_in_dim3A_1472 : vector<16xi32>
      %swap3A_1482 = arith.constant 0 : index
      %swap3A_1483 = tpu.vector_load %arg15[%swap3A_1482] {strides = array<i32>} : memref<48xi32, #tpu.memory_space<vmem>>, vector<16xi32>,
      tpu.vector_store %arg15[%swap3A_1482], %masked_cummax3A_1464 {strides = array<i32>} : memref<48xi32, #tpu.memory_space<vmem>>, vector<16xi32>,
      %swap3A_1484 = arith.constant 16 : index
      %swap3A_1485 = tpu.vector_load %arg15[%swap3A_1484] {strides = array<i32>} : memref<48xi32, #tpu.memory_space<vmem>>, vector<16xi32>,
      tpu.vector_store %arg15[%swap3A_1484], %max3A {strides = array<i32>} : memref<48xi32, #tpu.memory_space<vmem>>, vector<16xi32>,
      %broadcast_in_dim3A_1486 = vector.broadcast %reduce_sum3A_1449 : i32 to vector<16xi32>
      %swap3A_1487 = arith.constant 32 : index
      %swap3A_1488 = tpu.vector_load %arg15[%swap3A_1487] {strides = array<i32>} : memref<48xi32, #tpu.memory_space<vmem>>, vector<16xi32>,
      tpu.vector_store %arg15[%swap3A_1487], %broadcast_in_dim3A_1486 {strides = array<i32>} : memref<48xi32, #tpu.memory_space<vmem>>, vector<16xi32>,
      "tpu.region"() ({
        %run_scoped3A = tpu.sem_alloc : memref<!tpu.dma_semaphore, #tpu.memory_space<semaphore_mem>>
        tpu.enqueue_dma source(%arg15 : memref<48xi32, #tpu.memory_space<vmem>>) target(%arg6 : memref<48xi32, #tpu.memory_space<hbm>>) target_semaphore(%run_scoped3A : memref<!tpu.dma_semaphore, #tpu.memory_space<semaphore_mem>>)
        tpu.wait_dma2 semaphore(%run_scoped3A : memref<!tpu.dma_semaphore, #tpu.memory_space<semaphore_mem>>) src(%arg15 : memref<48xi32, #tpu.memory_space<vmem>>) dst(%arg6 : memref<48xi32, #tpu.memory_space<hbm>>)
        tpu.yield
      }) : () -> ()
    } else {
    }
    return
  }
}

#map = affine_map<(d0, d1) -> (0, 0)>
#map1 = affine_map<(d0, d1) -> (0)>
module attributes {stable_mosaic.version = 14 : i64} {
  func.func @_unsort_body(%arg0: i32, %arg1: i32, %arg2: memref<4096x768xf32, #tpu.memory_space<hbm>>, %arg3: memref<2048xi32, #tpu.memory_space<hbm>>, %arg4: memref<2048x768xf32, #tpu.memory_space<hbm>>, %arg5: memref<64xi32, #tpu.memory_space<vmem>>, %arg6: memref<64x768xf32, #tpu.memory_space<vmem>>, %arg7: memref<!tpu.dma_semaphore, #tpu.memory_space<semaphore_mem>>) attributes {dimension_semantics = [#tpu.dimension_semantics<core_parallel>, #tpu.dimension_semantics<subcore_parallel>], iteration_bounds = array<i64: 2, 16>, scalar_prefetch = 0 : i64, scratch_operands = 3 : i64, tpu.core_type = #tpu.core_type<sc_vector_subcore>, window_params = [{transform_indices = #map}, {transform_indices = #map1}, {transform_indices = #map}]} {
    %mul3A = arith.constant 2 : i32
    %mul3A_0 = arith.muli %arg1, %mul3A : i32
    %add3A = arith.addi %mul3A_0, %arg0 : i32
    %mul3A_1 = arith.constant 64 : i32
    %mul3A_2 = arith.muli %add3A, %mul3A_1 : i32
    "tpu.region"() ({
      %run_scoped3A = tpu.sem_alloc : memref<!tpu.dma_semaphore, #tpu.memory_space<semaphore_mem>>
      %dma_start3A_7 = tpu.memref_slice %arg3[%mul3A_2] : memref<2048xi32, #tpu.memory_space<hbm>> -> memref<64xi32, #tpu.memory_space<hbm>>
      %dma_start3A_8 = tpu.memref_slice %arg3[%mul3A_2] : memref<2048xi32, #tpu.memory_space<hbm>> -> memref<64xi32, #tpu.memory_space<hbm>>
      tpu.enqueue_dma source(%dma_start3A_8 : memref<64xi32, #tpu.memory_space<hbm>>) target(%arg5 : memref<64xi32, #tpu.memory_space<vmem>>) target_semaphore(%run_scoped3A : memref<!tpu.dma_semaphore, #tpu.memory_space<semaphore_mem>>)
      %dma_wait3A_9 = tpu.memref_slice %arg3[%mul3A_2] : memref<2048xi32, #tpu.memory_space<hbm>> -> memref<64xi32, #tpu.memory_space<hbm>>
      %dma_wait3A_10 = tpu.memref_slice %arg3[%mul3A_2] : memref<2048xi32, #tpu.memory_space<hbm>> -> memref<64xi32, #tpu.memory_space<hbm>>
      tpu.wait_dma2 semaphore(%run_scoped3A : memref<!tpu.dma_semaphore, #tpu.memory_space<semaphore_mem>>) src(%dma_wait3A_10 : memref<64xi32, #tpu.memory_space<hbm>>) dst(%arg5 : memref<64xi32, #tpu.memory_space<vmem>>)
      tpu.yield
    }) : () -> ()
    %dma_start3A = arith.constant 0 : i32
    %dma_start3A_3 = arith.constant 0 : i32
    %dma_start3A_4 = tpu.memref_slice %arg2[%dma_start3A, %dma_start3A_3] : memref<4096x768xf32, #tpu.memory_space<hbm>> -> memref<4096x768xf32, #tpu.memory_space<hbm>>
    tpu.enqueue_indirect_dma source(%dma_start3A_4 : memref<4096x768xf32, #tpu.memory_space<hbm>>) target(%arg6 : memref<64x768xf32, #tpu.memory_space<vmem>>) offsets(%arg5 : memref<64xi32, #tpu.memory_space<vmem>>) semaphore(%arg7 : memref<!tpu.dma_semaphore, #tpu.memory_space<semaphore_mem>>)
    %dma_wait3A = arith.constant 0 : i32
    %dma_wait3A_5 = arith.constant 0 : i32
    %dma_wait3A_6 = tpu.memref_slice %arg2[%dma_wait3A, %dma_wait3A_5] : memref<4096x768xf32, #tpu.memory_space<hbm>> -> memref<4096x768xf32, #tpu.memory_space<hbm>>
    tpu.wait_indirect_dma semaphore(%arg7 : memref<!tpu.dma_semaphore, #tpu.memory_space<semaphore_mem>>) src(%dma_wait3A_6 : memref<4096x768xf32, #tpu.memory_space<hbm>>) dst(%arg6 : memref<64x768xf32, #tpu.memory_space<vmem>>)
    "tpu.region"() ({
      %run_scoped3A = tpu.sem_alloc : memref<!tpu.dma_semaphore, #tpu.memory_space<semaphore_mem>>
      %dma_start3A_7 = arith.constant 0 : i32
      %dma_start3A_8 = tpu.memref_slice %arg4[%mul3A_2, %dma_start3A_7] : memref<2048x768xf32, #tpu.memory_space<hbm>> -> memref<64x768xf32, #tpu.memory_space<hbm>>
      %dma_start3A_9 = arith.constant 0 : i32
      %dma_start3A_10 = tpu.memref_slice %arg4[%mul3A_2, %dma_start3A_9] : memref<2048x768xf32, #tpu.memory_space<hbm>> -> memref<64x768xf32, #tpu.memory_space<hbm>>
      tpu.enqueue_dma source(%arg6 : memref<64x768xf32, #tpu.memory_space<vmem>>) target(%dma_start3A_10 : memref<64x768xf32, #tpu.memory_space<hbm>>) target_semaphore(%run_scoped3A : memref<!tpu.dma_semaphore, #tpu.memory_space<semaphore_mem>>)
      %dma_wait3A_11 = arith.constant 0 : i32
      %dma_wait3A_12 = tpu.memref_slice %arg4[%mul3A_2, %dma_wait3A_11] : memref<2048x768xf32, #tpu.memory_space<hbm>> -> memref<64x768xf32, #tpu.memory_space<hbm>>
      %dma_wait3A_13 = arith.constant 0 : i32
      %dma_wait3A_14 = tpu.memref_slice %arg4[%mul3A_2, %dma_wait3A_13] : memref<2048x768xf32, #tpu.memory_space<hbm>> -> memref<64x768xf32, #tpu.memory_space<hbm>>
      tpu.wait_dma2 semaphore(%run_scoped3A : memref<!tpu.dma_semaphore, #tpu.memory_space<semaphore_mem>>) src(%arg6 : memref<64x768xf32, #tpu.memory_space<vmem>>) dst(%dma_wait3A_14 : memref<64x768xf32, #tpu.memory_space<hbm>>)
      tpu.yield
    }) : () -> ()
    return
  }
}

module attributes {stable_mosaic.version = 14 : i64} {
  func.func @_mlp_body(%arg0: i32, %arg1: memref<48xi32, #tpu.memory_space<smem>>, %arg2: memref<128x768xf32, #tpu.memory_space<vmem>>, %arg3: memref<1x768x256xf32, #tpu.memory_space<vmem>>, %arg4: memref<16x256xf32, #tpu.memory_space<vmem>>, %arg5: memref<1x256x768xf32, #tpu.memory_space<vmem>>, %arg6: memref<16x768xf32, #tpu.memory_space<vmem>>, %arg7: memref<128x768xf32, #tpu.memory_space<vmem>>) attributes {dimension_semantics = [#tpu.dimension_semantics<arbitrary>], iteration_bounds = array<i64: 32>, scalar_prefetch = 1 : i64, scratch_operands = 0 : i64, tpu.core_type = #tpu.core_type<tc>, window_params = [{transform_indices = @transform_0, window_bounds = array<i64: 128, 768>}, {transform_indices = @transform_1, window_bounds = array<i64: 1, 768, 256>}, {pipeline_mode = #tpu.pipeline_mode<synchronous>, transform_indices = @transform_2, window_bounds = array<i64: 16, 256>}, {transform_indices = @transform_3, window_bounds = array<i64: 1, 256, 768>}, {pipeline_mode = #tpu.pipeline_mode<synchronous>, transform_indices = @transform_4, window_bounds = array<i64: 16, 768>}, {transform_indices = @transform_5, window_bounds = array<i64: 128, 768>}]} {
    %get3A = arith.constant 32 : index
    %get3A_0 = memref.load %arg1[%get3A] : memref<48xi32, #tpu.memory_space<smem>>
    %lt3A = arith.cmpi slt, %arg0, %get3A_0 : i32
    %convert_element_type3A = arith.extui %lt3A : i1 to i32
    %cond3A = arith.constant 0 : i32
    %cond3A_1 = arith.cmpi ne, %convert_element_type3A, %cond3A : i32
    scf.if %cond3A_1 {
      %get3A_2 = arith.index_cast %arg0 : i32 to index
      %get3A_3 = memref.load %arg1[%get3A_2] : memref<48xi32, #tpu.memory_space<smem>>
      %get3A_4 = arith.constant 0 : index
      %get3A_5 = arith.constant 0 : index
      %get3A_6 = vector.load %arg2[%get3A_4, %get3A_5] : memref<128x768xf32, #tpu.memory_space<vmem>>, vector<128x768xf32>
      %get3A_7 = arith.constant 0 : index
      %get3A_8 = arith.constant 0 : index
      %get3A_9 = arith.constant 0 : index
      %get3A_10 = vector.load %arg3[%get3A_7, %get3A_8, %get3A_9] : memref<1x768x256xf32, #tpu.memory_space<vmem>>, vector<1x768x256xf32>
      %get3A_11 = vector.shape_cast %get3A_10 : vector<1x768x256xf32> to vector<768x256xf32>
      %dot_general3A = arith.constant dense<0.000000e+00> : vector<128x256xf32>
      %dot_general3A_12 = tpu.matmul %get3A_6, %get3A_11, %dot_general3A {dimension_numbers = #tpu.dot_dimension_numbers<[1], [0], [0], [1], [0, 0, 1, 1], [], []>, transpose_lhs_hint = false} : vector<128x768xf32>, vector<768x256xf32>, vector<128x256xf32> -> vector<128x256xf32>
      %get3A_13 = arith.index_cast %get3A_3 : i32 to index
      %get3A_14 = arith.constant 0 : index
      %get3A_15 = vector.load %arg4[%get3A_13, %get3A_14] : memref<16x256xf32, #tpu.memory_space<vmem>>, vector<1x256xf32>
      %add3A = vector.broadcast %get3A_15 : vector<1x256xf32> to vector<128x256xf32>
      %add3A_16 = arith.addf %dot_general3A_12, %add3A : vector<128x256xf32>
      %max3A = arith.constant 0.000000e+00 : f32
      %max3A_17 = vector.broadcast %max3A : f32 to vector<128x256xf32>
      %max3A_18 = arith.maximumf %add3A_16, %max3A_17 : vector<128x256xf32>
      %get3A_19 = arith.constant 0 : index
      %get3A_20 = arith.constant 0 : index
      %get3A_21 = arith.constant 0 : index
      %get3A_22 = vector.load %arg5[%get3A_19, %get3A_20, %get3A_21] : memref<1x256x768xf32, #tpu.memory_space<vmem>>, vector<1x256x768xf32>
      %get3A_23 = vector.shape_cast %get3A_22 : vector<1x256x768xf32> to vector<256x768xf32>
      %dot_general3A_24 = arith.constant dense<0.000000e+00> : vector<128x768xf32>
      %dot_general3A_25 = tpu.matmul %max3A_18, %get3A_23, %dot_general3A_24 {dimension_numbers = #tpu.dot_dimension_numbers<[1], [0], [0], [1], [0, 0, 1, 1], [], []>, transpose_lhs_hint = false} : vector<128x256xf32>, vector<256x768xf32>, vector<128x768xf32> -> vector<128x768xf32>
      %get3A_26 = arith.index_cast %get3A_3 : i32 to index
      %get3A_27 = arith.constant 0 : index
      %get3A_28 = vector.load %arg6[%get3A_26, %get3A_27] : memref<16x768xf32, #tpu.memory_space<vmem>>, vector<1x768xf32>
      %add3A_29 = vector.broadcast %get3A_28 : vector<1x768xf32> to vector<128x768xf32>
      %add3A_30 = arith.addf %dot_general3A_25, %add3A_29 : vector<128x768xf32>
      %swap3A = arith.constant 0 : index
      %swap3A_31 = arith.constant 0 : index
      %swap3A_32 = vector.load %arg7[%swap3A, %swap3A_31] : memref<128x768xf32, #tpu.memory_space<vmem>>, vector<128x768xf32>
      tpu.vector_store %arg7[%swap3A, %swap3A_31], %add3A_30 {strides = array<i32>} : memref<128x768xf32, #tpu.memory_space<vmem>>, vector<128x768xf32>,
    } else {
    }
    return
  }
  func.func @transform_0(%arg0: i32, %arg1: memref<48xi32, #tpu.memory_space<smem>>) -> (i32, i32) {
    %get3A = arith.constant 32 : index
    %get3A_0 = memref.load %arg1[%get3A] : memref<48xi32, #tpu.memory_space<smem>>
    %sub3A = arith.constant 1 : i32
    %sub3A_1 = arith.subi %get3A_0, %sub3A : i32
    %min3A = arith.minsi %arg0, %sub3A_1 : i32
    %c0_i32 = arith.constant 0 : i32
    %c0_i32_2 = arith.constant 0 : i32
    return %min3A, %c0_i32 : i32, i32
  }
  func.func @transform_1(%arg0: i32, %arg1: memref<48xi32, #tpu.memory_space<smem>>) -> (i32, i32, i32) {
    %get3A = arith.index_cast %arg0 : i32 to index
    %get3A_0 = memref.load %arg1[%get3A] : memref<48xi32, #tpu.memory_space<smem>>
    %c0_i32 = arith.constant 0 : i32
    %c0_i32_1 = arith.constant 0 : i32
    %c0_i32_2 = arith.constant 0 : i32
    return %get3A_0, %c0_i32, %c0_i32_1 : i32, i32, i32
  }
  func.func @transform_2(%arg0: i32, %arg1: memref<48xi32, #tpu.memory_space<smem>>) -> (i32, i32) {
    %c0_i32 = arith.constant 0 : i32
    %c0_i32_0 = arith.constant 0 : i32
    %c0_i32_1 = arith.constant 0 : i32
    return %c0_i32, %c0_i32_0 : i32, i32
  }
  func.func @transform_3(%arg0: i32, %arg1: memref<48xi32, #tpu.memory_space<smem>>) -> (i32, i32, i32) {
    %get3A = arith.index_cast %arg0 : i32 to index
    %get3A_0 = memref.load %arg1[%get3A] : memref<48xi32, #tpu.memory_space<smem>>
    %c0_i32 = arith.constant 0 : i32
    %c0_i32_1 = arith.constant 0 : i32
    %c0_i32_2 = arith.constant 0 : i32
    return %get3A_0, %c0_i32, %c0_i32_1 : i32, i32, i32
  }
  func.func @transform_4(%arg0: i32, %arg1: memref<48xi32, #tpu.memory_space<smem>>) -> (i32, i32) {
    %c0_i32 = arith.constant 0 : i32
    %c0_i32_0 = arith.constant 0 : i32
    %c0_i32_1 = arith.constant 0 : i32
    return %c0_i32, %c0_i32_0 : i32, i32
  }
  func.func @transform_5(%arg0: i32, %arg1: memref<48xi32, #tpu.memory_space<smem>>) -> (i32, i32) {
    %get3A = arith.constant 32 : index
    %get3A_0 = memref.load %arg1[%get3A] : memref<48xi32, #tpu.memory_space<smem>>
    %sub3A = arith.constant 1 : i32
    %sub3A_1 = arith.subi %get3A_0, %sub3A : i32
    %min3A = arith.minsi %arg0, %sub3A_1 : i32
    %c0_i32 = arith.constant 0 : i32
    %c0_i32_2 = arith.constant 0 : i32
    return %min3A, %c0_i32 : i32, i32
  }
}

module attributes {stable_mosaic.version = 14 : i64} {
  func.func @_gating_body(%arg0: i32, %arg1: memref<2048x768xf32, #tpu.memory_space<vmem>>, %arg2: memref<768x16xf32, #tpu.memory_space<vmem>>, %arg3: memref<1x16xf32, #tpu.memory_space<vmem>>, %arg4: memref<1x16xf32, #tpu.memory_space<vmem>>, %arg5: memref<2048x16xf32, #tpu.memory_space<vmem>>, %arg6: memref<2048x1xi32, #tpu.memory_space<vmem>>, %arg7: memref<2048xi32, #tpu.memory_space<vmem>>) attributes {dimension_semantics = [#tpu.dimension_semantics<arbitrary>], iteration_bounds = array<i64: 1>, scalar_prefetch = 0 : i64, scratch_operands = 0 : i64, tpu.core_type = #tpu.core_type<tc>, window_params = [{transform_indices = @transform_0, window_bounds = array<i64: 2048, 768>}, {pipeline_mode = #tpu.pipeline_mode<synchronous>, transform_indices = @transform_1, window_bounds = array<i64: 768, 16>}, {pipeline_mode = #tpu.pipeline_mode<synchronous>, transform_indices = @transform_2, window_bounds = array<i64: 1, 16>}, {pipeline_mode = #tpu.pipeline_mode<synchronous>, transform_indices = @transform_3, window_bounds = array<i64: 1, 16>}, {transform_indices = @transform_4, window_bounds = array<i64: 2048, 16>}, {transform_indices = @transform_5, window_bounds = array<i64: 2048, 1>}, {transform_indices = @transform_6, window_bounds = array<i64: 2048>}]} {
    %get3A = arith.constant 0 : index
    %get3A_0 = arith.constant 0 : index
    %get3A_1 = vector.load %arg1[%get3A, %get3A_0] : memref<2048x768xf32, #tpu.memory_space<vmem>>, vector<2048x768xf32>
    %get3A_2 = arith.constant 0 : index
    %get3A_3 = arith.constant 0 : index
    %get3A_4 = vector.load %arg2[%get3A_2, %get3A_3] : memref<768x16xf32, #tpu.memory_space<vmem>>, vector<768x16xf32>
    %dot_general3A = arith.constant dense<0.000000e+00> : vector<2048x16xf32>
    %dot_general3A_5 = tpu.matmul %get3A_1, %get3A_4, %dot_general3A {dimension_numbers = #tpu.dot_dimension_numbers<[1], [0], [0], [1], [0, 0, 1, 1], [], []>, transpose_lhs_hint = false} : vector<2048x768xf32>, vector<768x16xf32>, vector<2048x16xf32> -> vector<2048x16xf32>
    %get3A_6 = arith.constant 0 : index
    %get3A_7 = arith.constant 0 : index
    %get3A_8 = vector.load %arg3[%get3A_6, %get3A_7] : memref<1x16xf32, #tpu.memory_space<vmem>>, vector<1x16xf32>
    %add3A = vector.broadcast %get3A_8 : vector<1x16xf32> to vector<2048x16xf32>
    %add3A_9 = arith.addf %dot_general3A_5, %add3A : vector<2048x16xf32>
    %swap3A = arith.constant 0 : index
    %swap3A_10 = arith.constant 0 : index
    %swap3A_11 = vector.load %arg5[%swap3A, %swap3A_10] : memref<2048x16xf32, #tpu.memory_space<vmem>>, vector<2048x16xf32>
    tpu.vector_store %arg5[%swap3A, %swap3A_10], %add3A_9 {strides = array<i32>} : memref<2048x16xf32, #tpu.memory_space<vmem>>, vector<2048x16xf32>,
    %get3A_12 = arith.constant 0 : index
    %get3A_13 = arith.constant 0 : index
    %get3A_14 = vector.load %arg4[%get3A_12, %get3A_13] : memref<1x16xf32, #tpu.memory_space<vmem>>, vector<1x16xf32>
    %add3A_15 = vector.broadcast %get3A_14 : vector<1x16xf32> to vector<2048x16xf32>
    %add3A_16 = arith.addf %add3A_9, %add3A_15 : vector<2048x16xf32>
    %reduce_max3A = arith.constant dense<0xFF800000> : vector<2048xf32>
    %reduce_max3A_17 = vector.multi_reduction <maximumf>, %add3A_16, %reduce_max3A [1] : vector<2048x16xf32> to vector<2048xf32>
    %broadcast_in_dim3A = vector.shape_cast %reduce_max3A_17 : vector<2048xf32> to vector<2048x1xf32>
    %iota3A = tpu.iota {dimensions = array<i32: 1>} : vector<2048x16xi32>
    %eq3A = vector.broadcast %broadcast_in_dim3A : vector<2048x1xf32> to vector<2048x16xf32>
    %eq3A_18 = arith.cmpf oeq, %add3A_16, %eq3A : vector<2048x16xf32>
    %jit3A = arith.constant 16 : i32
    %broadcast_in_dim3A_19 = vector.broadcast %jit3A : i32 to vector<2048x16xi32>
    %select_n3A = arith.select %eq3A_18, %iota3A, %broadcast_in_dim3A_19 : vector<2048x16xi1>, vector<2048x16xi32>
    %reduce_min3A = arith.constant dense<2147483647> : vector<2048xi32>
    %reduce_min3A_20 = vector.multi_reduction <minsi>, %select_n3A, %reduce_min3A [1] : vector<2048x16xi32> to vector<2048xi32>
    %broadcast_in_dim3A_21 = vector.shape_cast %reduce_min3A_20 : vector<2048xi32> to vector<2048x1xi32>
    %swap3A_22 = arith.constant 0 : index
    %swap3A_23 = arith.constant 0 : index
    %swap3A_24 = vector.load %arg6[%swap3A_22, %swap3A_23] : memref<2048x1xi32, #tpu.memory_space<vmem>>, vector<2048x1xi32>
    tpu.vector_store %arg6[%swap3A_22, %swap3A_23], %broadcast_in_dim3A_21 {strides = array<i32>} : memref<2048x1xi32, #tpu.memory_space<vmem>>, vector<2048x1xi32>,
    %reshape3A = vector.shape_cast %broadcast_in_dim3A_21 : vector<2048x1xi32> to vector<2048xi32>
    %swap3A_25 = arith.constant 0 : index
    %swap3A_26 = vector.load %arg7[%swap3A_25] : memref<2048xi32, #tpu.memory_space<vmem>>, vector<2048xi32>
    tpu.vector_store %arg7[%swap3A_25], %reshape3A {strides = array<i32>} : memref<2048xi32, #tpu.memory_space<vmem>>, vector<2048xi32>,
    return
  }
  func.func @transform_0(%arg0: i32) -> (i32, i32) {
    %c0_i32 = arith.constant 0 : i32
    %c0_i32_0 = arith.constant 0 : i32
    return %arg0, %c0_i32 : i32, i32
  }
  func.func @transform_1(%arg0: i32) -> (i32, i32) {
    %c0_i32 = arith.constant 0 : i32
    %c0_i32_0 = arith.constant 0 : i32
    %c0_i32_1 = arith.constant 0 : i32
    return %c0_i32, %c0_i32_0 : i32, i32
  }
  func.func @transform_2(%arg0: i32) -> (i32, i32) {
    %c0_i32 = arith.constant 0 : i32
    %c0_i32_0 = arith.constant 0 : i32
    %c0_i32_1 = arith.constant 0 : i32
    return %c0_i32, %c0_i32_0 : i32, i32
  }
  func.func @transform_3(%arg0: i32) -> (i32, i32) {
    %c0_i32 = arith.constant 0 : i32
    %c0_i32_0 = arith.constant 0 : i32
    %c0_i32_1 = arith.constant 0 : i32
    return %c0_i32, %c0_i32_0 : i32, i32
  }
  func.func @transform_4(%arg0: i32) -> (i32, i32) {
    %c0_i32 = arith.constant 0 : i32
    %c0_i32_0 = arith.constant 0 : i32
    return %arg0, %c0_i32 : i32, i32
  }
  func.func @transform_5(%arg0: i32) -> (i32, i32) {
    %c0_i32 = arith.constant 0 : i32
    %c0_i32_0 = arith.constant 0 : i32
    return %arg0, %c0_i32 : i32, i32
  }
  func.func @transform_6(%arg0: i32) -> i32 {
    %c0_i32 = arith.constant 0 : i32
    return %arg0 : i32
  }
}

</mosaic_0001>

<sc_bundles>
// kernel: kernel.6.cloned.1.call-start
scs
__scs_entry_jumppad:
0x0: {  	(pc) =	sbr.rel $0x88, $3  }
0x1: {  	(tag) =	ssettag $0x0;
	lr =	simm.s32 $0x1  }
0x2: {  	[smem:$0x3F99] =	sst lr;
	_ =	strace $0xD0000000  }
0x3: {  	_ = 	snop  }
0x4: {  	_ = 	snop  }
0x5: {  	_ = 	snop  }
0x6: {  	_ = 	snop  }
0x7: {  	_ = 	snop  }
__scs_overlays_trampoline_lowered:
0x8: {  	[smem:$0x3FA8] =	sst s0  }
0x9: {  	[smem:$0x3FA9] =	sst s1  }
0xa: {  	[smem:$0x3FAA] =	sst s2  }
0xb: {  	[smem:$0x3FAB] =	sst s3  }
0xc: {  	[smem:$0x3FAC] =	sst s4  }
0xd: {  	[smem:$0x3FAD] =	sst s5  }
0xe: {  	[smem:$0x3FAE] =	sst s6  }
0xf: {  	[smem:$0x3FAF] =	sst s7  }
0x10: {  	[smem:$0x3FB0] =	sst s8  }
0x11: {  	[smem:$0x3FB1] =	sst s9;
	s0 =	simm.s32 @!p0 $0x0  }
0x12: {  	s1 =	sld [smem:$0x3F97];
	s0 =	simm.s32 @p0 $0x1  }
0x13: {  	[smem:$0x3FB2] =	sst s0;
	s0 =	simm.s32 @!p1 $0x0  }
0x14: {  	s2 =	sld [smem:$0x3F96];
	s0 =	simm.s32 @p1 $0x1  }
0x15: {  	[smem:$0x3FB3] =	sst s0;
	s0 =	simm.s32 @!p2 $0x0  }
0x16: {  	s3 =	sld [smem:$0x3FDB];
	s0 =	simm.s32 @p2 $0x1  }
0x17: {  	s4 =	simm.s32 $0x1BF5;
	[smem:$0x3FB5] =	sst s0  }
0x18: {  	s0 =	sld [smem:$0x3F98];
	_ =	swait.ge [sflag:s4], $0x0  }
0x19: {  	s7 =	sld [smem:$0x3F99]  }
0x1a: {  	s8 =	sadd.s32 $0xFFFFE003, lr  }
0x1b: {  	s9 =	sadd.s32 $0xFFFFFEF7, lr;
	s5 =	simm.s32 $0xFFFFFFFF;
	p2 =	slt.u32 s8, $0xFFFFF086  }
0x1c: {  	p1 =	slt.u32 s9, $0xF7A;
	s5 =	simm.s32 @!p2 $0x0  }
0x1d: {  	s5 =	simm.s32 @p1 $0x1;
	p0 =	seq.s32 s7, s2  }
0x1e: {  	s7 =	smul.u32 @!p0 $0xF7A, s2;
	p2 =	seq.s32 @!p0 s5, $0x0  }
0x1f: {  	s9 =	smul.u32 $0xF7A, s1;
	s8 =	simm.s32 @!p0 $0x1BF5;
	p2 =	por !p2, p0  }
0x20: {  	[sflag:s8] =	ssyncset.s32 @!p0 $0xFFFFF086;
	s6 =	sadd.s32 @!p0 s3, s7;
	s7 =	simm.s32 @!p0 $0x108  }
0x21: {  	s3 =	sadd.s32 s3, s9;
	s6 =	sadd.s32 @!p0 $0x88, s6;
	s7 =	simm.s32 @p2 $0x1082  }
0x22: {  	[simem:s7], [sflag:s8] =	dma.local @!p0 [hbm:s6], $0xF7A  }
0x23: {  	s9 =	sor.u32 $0xD0000000, s2;
	s6 =	simm.s32 $0x108;
	_ =	swait.ge @!p0 [sflag:s8], $0x0  }
0x24: {  	s3 =	sadd.s32 $0x88, s3;
	s6 =	simm.s32 @!p1 $0x1082;
	[sflag:s4] =	ssyncset.s32 $0xFFFFF086  }
0x25: {  	[simem:s6], [sflag:s4] =	dma.local [hbm:s3], $0xF7A  }
0x26: {  	[smem:$0x3F99] =	sst s1;
	(tag) =	ssettag s2;
	_ =	strace s9  }
0x27: {  	s1 =	sld [smem:$0x3FA9]  }
0x28: {  	s2 =	sld [smem:$0x3FAA]  }
0x29: {  	s4 =	sld [smem:$0x3FAC]  }
0x2a: {  	p0 =	seq.s32 s5, $0x0;
	s5 =	sld [smem:$0x3FAD]  }
0x2b: {  	s6 =	sld [smem:$0x3FAE]  }
0x2c: {  	s7 =	sld [smem:$0x3FAF]  }
0x2d: {  	s3 =	simm.s32 $0x108;
	s8 =	sld [smem:$0x3FB0]  }
0x2e: {  	s3 =	simm.s32 @!p0 $0x1082;
	s9 =	sld [smem:$0x3FB1]  }
0x2f: {  	lr =	sadd.s32 s0, s3;
	s0 =	sld [smem:$0x3FA8]  }
0x30: {  	s3 =	sld [smem:$0x3FAB]  }
0x31: {  	[smem:$0x3FB4] =	sst s10  }
0x32: {  	s10 =	sld [smem:$0x3FB2];
	_ =	sdelay $0x3  }
0x33: {  	p0 =	seq.s32 s10, $0x1;
	s10 =	sld [smem:$0x3FB4];
	_ =	sdelay $0x3  }
0x34: {  	[smem:$0x3FB4] =	sst s10  }
0x35: {  	s10 =	sld [smem:$0x3FB3];
	_ =	sdelay $0x3  }
0x36: {  	p1 =	seq.s32 s10, $0x1;
	s10 =	sld [smem:$0x3FB4];
	_ =	sdelay $0x3  }
0x37: {  	[smem:$0x3FB4] =	sst s10  }
0x38: {  	s10 =	sld [smem:$0x3FB5]  }
0x39: {  	_ = 	snop;
	(pc) =	sbr.ind lr, $3  }
0x3a: {  	_ = 	snop  }
0x3b: {  	_ = 	snop  }
0x3c: {  	p2 =	seq.s32 s10, $0x1;
	s10 =	sld [smem:$0x3FB4]  }
0x3d: {  	_ =	shalt  }
0x3e: {  	_ =	shalt  }
0x3f: {  	_ =	shalt  }
0x40: {  	_ =	shalt  }
0x41: {  	_ =	shalt  }
0x42: {  	_ =	shalt  }
0x43: {  	_ =	shalt  }
0x44: {  	_ =	shalt  }
0x45: {  	_ =	shalt  }
0x46: {  	_ =	shalt  }
0x47: {  	_ =	shalt  }
0x48: {  	_ =	shalt  }
0x49: {  	_ =	shalt  }
0x4a: {  	_ =	shalt  }
0x4b: {  	_ =	shalt  }
0x4c: {  	_ =	shalt  }
0x4d: {  	_ =	shalt  }
0x4e: {  	_ =	shalt  }
0x4f: {  	_ =	shalt  }
0x50: {  	_ =	shalt  }
0x51: {  	_ =	shalt  }
0x52: {  	_ =	shalt  }
0x53: {  	_ =	shalt  }
0x54: {  	_ =	shalt  }
0x55: {  	_ =	shalt  }
0x56: {  	_ =	shalt  }
0x57: {  	_ =	shalt  }
0x58: {  	_ =	shalt  }
0x59: {  	_ =	shalt  }
0x5a: {  	_ =	shalt  }
0x5b: {  	_ =	shalt  }
0x5c: {  	_ =	shalt  }
0x5d: {  	_ =	shalt  }
0x5e: {  	_ =	shalt  }
0x5f: {  	_ =	shalt  }
0x60: {  	_ =	shalt  }
0x61: {  	_ =	shalt  }
0x62: {  	_ =	shalt  }
0x63: {  	_ =	shalt  }
0x64: {  	_ =	shalt  }
0x65: {  	_ =	shalt  }
0x66: {  	_ =	shalt  }
0x67: {  	_ =	shalt  }
0x68: {  	_ =	shalt  }
0x69: {  	_ =	shalt  }
0x6a: {  	_ =	shalt  }
0x6b: {  	_ =	shalt  }
0x6c: {  	_ =	shalt  }
0x6d: {  	_ =	shalt  }
0x6e: {  	_ =	shalt  }
0x6f: {  	_ =	shalt  }
0x70: {  	_ =	shalt  }
0x71: {  	_ =	shalt  }
0x72: {  	_ =	shalt  }
0x73: {  	_ =	shalt  }
0x74: {  	_ =	shalt  }
0x75: {  	_ =	shalt  }
0x76: {  	_ =	shalt  }
0x77: {  	_ =	shalt  }
0x78: {  	_ =	shalt  }
0x79: {  	_ =	shalt  }
0x7a: {  	_ =	shalt  }
0x7b: {  	_ =	shalt  }
0x7c: {  	_ =	shalt  }
0x7d: {  	_ =	shalt  }
0x7e: {  	_ =	shalt  }
0x7f: {  	_ =	shalt  }
0x80: {  	_ =	shalt  }
0x81: {  	_ =	shalt  }
0x82: {  	_ =	shalt  }
0x83: {  	_ =	shalt  }
0x84: {  	_ =	shalt  }
0x85: {  	_ =	shalt  }
0x86: {  	_ =	shalt  }
0x87: {  	_ =	shalt  }
.Lfunc_end0:
.L_simem_size_0:
called_computation_lowered:
.L_overlay_start_0:
0x88: {  	s2 =	sld [smem:$0x3FD9]  }
0x89: {  	s3 =	sld [smem:$0x3FFE];
	_ =	sdelay $0x1  }
0x8a: {  	s1 =	srdreg.scid  }
0x8b: {  	s0 =	sand.u32 $0x1, s1  }
0x8c: {  	s14 =	sshll.u32 s0, $0xA;
	s2 =	sadd.s32 s3, s2  }
0x8d: {  	s2 =	sadd.s32 s2, s14  }
0x8e: {  	[smem:$0x3FC0] =	sst s2  }
0x8f: {  	_ = 	snop  }
0x90: {  	s2 =	sld [smem:$0x3FD0];
	_ =	sdelay $0x2  }
0x91: {  	s4 =	simm.s32 $0xA;
	s5 =	simm.s32 $0x10;
	s15 =	sld [smem:$0x3FC9]  }
0x92: {  	[smem:s5], [sflag:s4] =	dma.local [hbm:s2], $0x1  }
0x93: {  	_ =	swait.eq [sflag:s4], $0x1  }
0x94: {  	[sflag:s4] =	ssyncset.done $0x0  }
0x95: {  	s16 =	sld [smem:$0x11];
	[sflag:s4] =	ssyncadd.s32 $0xFFFFFFFF  }
0x96: {  	s17 =	sld [smem:$0x12];
	(tm) =	ssettm $0x1  }
0x97: {  	s18 =	sld [smem:$0x3FFB];
	_ =	sdelay $0x3  }
0x98: {  	_ =	strace s18  }
0x99: {  	s5 =	sld [smem:$0x3FFC];
	_ =	sdelay $0x3  }
0x9a: {  	_ =	strace s5  }
0x9b: {  	s5 =	sld [smem:$0x3FFD];
	_ =	sdelay $0x3  }
0x9c: {  	_ =	strace s5  }
0x9d: {  	_ =	strace $0x8FFFFFFF  }
0x9e: {  	s19 =	sld [smem:$0x3FDB];
	_ =	sdelay $0x1  }
0x9f: {  	s6 =	simm.s32 $_scs_section_size  }
0xa0: {  	s7 =	simm.s32 $_size__tile_overlayer_lowered;
	s8 =	simm.s32 $_tile_overlayer_lowered  }
0xa1: {  	s22 =	simm.s32 $0x1BFF;
	s21 =	sshll.u32 s8, $0x1;
	s5 =	sadd.s32 s6, s19  }
0xa2: {  	s9 =	simm.s32 $0x0;
	s20 =	sshll.u32 s7, $0x1;
	s7 =	sadd.s32 s21, s5  }
0xa3: {  	[timem:s9], [sflag:s22] =	dma.local [hbm:s7], s20  }
0xa4: {  	_ =	swait.ge [sflag:s22], s20  }
0xa5: {  	s6 =	ssub.s32 $0x0, s20;
	[sflag:s22] =	ssyncset.done $0x0  }
0xa6: {  	[sflag:s22] =	ssyncadd.s32 s6;
	_ =	sdelay $0x1  }
0xa7: {  	s23 =	simm.s32 $0x1B8B  }
0xa8: {  	_ =	swait.ge [sflag:s23], $0x1  }
0xa9: {  	[sflag:s23] =	ssyncset.done $0x0  }
0xaa: {  	s25 =	simm.s32 $0x1B8E;
	s24 =	sld [smem:$0x3FFE];
	[sflag:s23] =	ssyncadd.s32 $0xFFFFFFFF  }
0xab: {  	s26 =	simm.s32 $execute0_lowered;
	[smem:$0x3FD2] =	sst s25  }
0xac: {  	s7 =	sshll.u32 s26, $0x1;
	_ =	strace $0x80000046;
	[dreg:$0x1] =	wrdreg $0xFFFFFFFF  }
0xad: {  	s28 =	simm.s32 $_size_execute0_lowered;
	s5 =	sadd.s32 s5, s7;
	[dreg:$0x0] =	wrdreg $0x0  }
0xae: {  	s7 =	sshll.u32 s28, $0x1;
	[dreg:$0x2] =	wrdreg s5  }
0xaf: {  	[dreg:$0x3] =	wrdreg s7  }
0xb0: {  	[dreg:$0x4] =	wrdreg $0xC0  }
0xb1: {  	_ =	task [dreg:s9], $0x5FFFF  }
0xb2: {  	[dreg:$0x1] =	wrdreg $0xFFFFFFFF  }
0xb3: {  	[dreg:$0x0] =	wrdreg $0x60  }
0xb4: {  	[dreg:$0x2] =	wrdreg s15  }
0xb5: {  	[dreg:$0x3] =	wrdreg s17  }
0xb6: {  	[dreg:$0x4] =	wrdreg s24  }
0xb7: {  	[dreg:$0x5] =	wrdreg s16  }
0xb8: {  	[dreg:$0x6] =	wrdreg $0x9  }
0xb9: {  	_ =	task.clear_ibuf [dreg:s9], $0x7FFFF;
	_ =	strace $0x90000046  }
0xba: {  	s29 =	simm.s32 $0x9;
	_ =	strace $0x80000048  }
0xbb: {  	_ =	swait.ge [sflag:s29], $0x1  }
0xbc: {  	[sflag:s29] =	ssyncadd.s32 $0xFFFFFFFF  }
0xbd: {  	_ =	strace $0x90000048  }
0xbe: {  	_ =	sfence  }
0xbf: {  	s30 =	sld [smem:$0x0];
	_ =	sdelay $0x2  }
0xc0: {  	s31 =	sshll.u32 s1, $0xD;
	s1 =	sshrl.u32 s1, $0x2  }
0xc1: {  	s3 =	sand.u32 $0x4000, s31;
	s1 =	sadd.s32 s1, s30  }
0xc2: {  	s0 =	sor.u32 s3, s0;
	s1 =	sshll.u32 s1, $0x11  }
0xc3: {  	s0 =	sor.u32 s1, s0  }
0xc4: {  	s0 =	sadd.s32 $0x8F2B, s0  }
0xc5: {  	[sflag:s0] =	ssyncadd.remote.s32 $0x1  }
0xc6: {  	_ =	sfence.sel $0xFFFF  }
0xc7: {  	[dreg:$0x0] =	wrdreg $0xFFFFFFFF;
	(pc) =	sbr.abs _section_cstart, $3  }
0xc8: {  	[dreg:$0x1] =	wrdreg $0xFFFFFFFF  }
0xc9: {  	_ =	task.clear_ibuf [dreg:s9], $0x2FFFF;
	_ =	strace $0x9FFFFFFF  }
0xca: {  	(tm) =	ssettm $0x7FFFFFFF  }
0xcb: {  	_ =	shalt  }
tec
execute0_lowered:
.L_overlay_start_1:
0x0: {  	(tag) =	ssettag $0x1  }
0x1: {  	s3 =	rddreg [dreg:$0x0]  }
0x2: {  	s0 =	rddreg [dreg:$0x1]  }
0x3: {  	s5 =	rddreg [dreg:$0x2]  }
0x4: {  	s29 =	rddreg [dreg:$0x3]  }
0x5: {  	s2 =	srdreg.scid;
	[dreg:$0x5] =	wrdreg s0  }
0x6: {  	s13 =	stileid.u32;
	[dreg:$0x6] =	wrdreg s29  }
0x7: {  	s1 =	simm.s32 $0x0;
	s15 =	simm.s32 $0x1800;
	s0 =	rddreg [dreg:$0x4]  }
0x8: {  	s4 =	sand.u32 $0x1, s2;
	s30 =	sshll.u32 s13, $0x1;
	[smem:$0x7FF] =	sst s1  }
0x9: {  	p0 =	sne.s32 s13, $0x0;
	s12 =	sor.u32 s4, s30;
	_ =	strace $0x80000047  }
0xa: {  	s4 =	ssub.s32 $0x2, s4;
	[dreg:$0xd] =	wrdreg s15;
	s6 =	smul.u32 $0x1800, s12  }
0xb: {  	s8 =	sshrl.u32 s4, $0x1;
	p4 =	sgt.u32 s12, $0x2;
	p2 =	sgt.u32 s12, $0x4  }
0xc: {  	s31 =	ssub.s32 s4, s8;
	s4 =	simm.s32 @!p2 $0x0;
	s3 =	sadd.s32 s3, s6  }
0xd: {  	vm0 =	vmxor vm0, vm0;
	s4 =	simm.s32 @p2 $0x1;
	p2 =	sgt.u32 s13, $0x2;
	[dreg:$0x7] =	wrdreg s3  }
0xe: {  	vm1 =	vmmov vm0;
	p3 =	sgt.u32 s12, $0xA;
	[smem:$0x7F4] =	sst s4;
	s4 =	simm.s32 @!p2 $0x0  }
0xf: {  	v0 =	vimm.s32 $0x0;
	vm1 =	vmneg @p4 vm1;
	s3 =	simm.s32 @!p0 $0x0;
	s4 =	simm.s32 @p2 $0x1;
	s20 =	sld [smem:$0x7F4]  }
0x10: {  	vm2 =	vmmov vm0;
	v0 =	vsel vm1, $0xFFFFFFFF, v0;
	s3 =	simm.s32 @p0 $0x1;
	p0 =	sgt.u32 s13, $0x1;
	[smem:$0x7F5] =	sst s4  }
0x11: {  	s15 =	simm.s32 @!p3 $0x0;
	[tilespmem:$0x1FE10] =	vst v0;
	v0 =	vimm.s32 $0x0;
	vm2 =	vmneg @p0 vm2;
	s21 =	sld [smem:$0x7F5]  }
0x12: {  	vm1 =	vmmov vm0;
	s15 =	simm.s32 @p3 $0x1;
	v0 =	vsel vm2, $0xFFFFFFFF, v0;
	p3 =	seq.s32 s20, $0x1  }
0x13: {  	[tilespmem:$0x1FE20] =	vst v0;
	v0 =	vimm.s32 $0x0;
	vm1 =	vmneg @p3 vm1  }
0x14: {  	vm2 =	vmmov vm0;
	v0 =	vsel vm1, $0xFFFFFFFF, v0;
	p3 =	seq.s32 s21, $0x1  }
0x15: {  	[tilespmem:$0x1FE30] =	vst v0;
	vm2 =	vmneg @p3 vm2;
	v0 =	vimm.s32 $0x0  }
0x16: {  	vm3 =	vmmov vm0;
	p6 =	sgt.u32 s12, $0x6;
	v0 =	vsel vm2, $0xFFFFFFFF, v0  }
0x17: {  	vm3 =	vmneg @p6 vm3;
	[tilespmem:$0x1FE40] =	vst v0;
	v0 =	vimm.s32 $0x0  }
0x18: {  	p5 =	sgt.u32 s13, $0x3;
	vm1 =	vmmov vm0;
	v0 =	vsel vm3, $0xFFFFFFFF, v0  }
0x19: {  	vm1 =	vmneg @p5 vm1;
	[tilespmem:$0x1FE50] =	vst v0;
	v0 =	vimm.s32 $0x0  }
0x1a: {  	[smem:$0x7F6] =	sst s15;
	p2 =	sgt.u32 s12, $0x8;
	p3 =	sgt.u32 s13, $0x6;
	vm2 =	vmmov vm0;
	v0 =	vsel vm1, $0xFFFFFFFF, v0  }
0x1b: {  	s22 =	sld [smem:$0x7F6];
	p0 =	sgt.u32 s13, $0x4;
	s15 =	simm.s32 @!p3 $0x0;
	vm2 =	vmneg @p2 vm2;
	vm3 =	vmmov vm0;
	[tilespmem:$0x1FE60] =	vst v0;
	v0 =	vimm.s32 $0x0  }
0x1c: {  	s15 =	simm.s32 @p3 $0x1;
	vm3 =	vmneg @p0 vm3;
	p0 =	sgt.u32 s13, $0x8;
	v0 =	vsel vm2, $0xFFFFFFFF, v0  }
0x1d: {  	[smem:$0x7F7] =	sst s15;
	s15 =	simm.s32 @!p0 $0x0;
	[tilespmem:$0x1FE70] =	vst v0;
	v0 =	vimm.s32 $0x0  }
0x1e: {  	vm1 =	vmmov vm0;
	s15 =	simm.s32 @p0 $0x1;
	p0 =	seq.s32 s22, $0x1;
	v0 =	vsel vm3, $0xFFFFFFFF, v0  }
0x1f: {  	vm1 =	vmneg @p0 vm1;
	[tilespmem:$0x1FE80] =	vst v0;
	v0 =	vimm.s32 $0x0  }
0x20: {  	p4 =	sgt.u32 s13, $0x5;
	vm2 =	vmmov vm0;
	v0 =	vsel vm1, $0xFFFFFFFF, v0  }
0x21: {  	s23 =	sld [smem:$0x7F7];
	vm2 =	vmneg @p4 vm2;
	[tilespmem:$0x1FE90] =	vst v0;
	v0 =	vimm.s32 $0x0  }
0x22: {  	p6 =	sgt.u32 s12, $0xC;
	p0 =	sgt.u32 s12, $0x14;
	vm3 =	vmmov vm0;
	v0 =	vsel vm2, $0xFFFFFFFF, v0  }
0x23: {  	[smem:$0x7F8] =	sst s15;
	s15 =	simm.s32 @!p0 $0x0;
	vm3 =	vmneg @p6 vm3;
	[tilespmem:$0x1FEA0] =	vst v0;
	v0 =	vimm.s32 $0x0  }
0x24: {  	s15 =	simm.s32 @p0 $0x1;
	p0 =	seq.s32 s23, $0x1;
	vm1 =	vmmov vm0;
	v0 =	vsel vm3, $0xFFFFFFFF, v0  }
0x25: {  	vm1 =	vmneg @p0 vm1;
	[tilespmem:$0x1FEB0] =	vst v0;
	v0 =	vimm.s32 $0x0  }
0x26: {  	p3 =	sgt.u32 s12, $0xE;
	vm2 =	vmmov vm0;
	v0 =	vsel vm1, $0xFFFFFFFF, v0  }
0x27: {  	vm2 =	vmneg @p3 vm2;
	[tilespmem:$0x1FEC0] =	vst v0;
	v0 =	vimm.s32 $0x0  }
0x28: {  	p2 =	sgt.u32 s13, $0x7;
	vm3 =	vmmov vm0;
	v0 =	vsel vm2, $0xFFFFFFFF, v0  }
0x29: {  	s24 =	sld [smem:$0x7F8];
	vm3 =	vmneg @p2 vm3;
	[tilespmem:$0x1FED0] =	vst v0;
	v0 =	vimm.s32 $0x0  }
0x2a: {  	p5 =	sgt.u32 s12, $0x10;
	vm1 =	vmmov vm0;
	v0 =	vsel vm3, $0xFFFFFFFF, v0  }
0x2b: {  	vm1 =	vmneg @p5 vm1;
	[tilespmem:$0x1FEE0] =	vst v0;
	v0 =	vimm.s32 $0x0  }
0x2c: {  	p0 =	seq.s32 s24, $0x1;
	vm2 =	vmmov vm0;
	v0 =	vsel vm1, $0xFFFFFFFF, v0  }
0x2d: {  	vm2 =	vmneg @p0 vm2;
	[tilespmem:$0x1FEF0] =	vst v0;
	v0 =	vimm.s32 $0x0  }
0x2e: {  	p6 =	sgt.u32 s12, $0x12;
	[smem:$0x7F9] =	sst s15;
	vm3 =	vmmov vm0;
	v0 =	vsel vm2, $0xFFFFFFFF, v0  }
0x2f: {  	s25 =	sld [smem:$0x7F9];
	p3 =	sgt.u32 s12, $0x16;
	vm3 =	vmneg @p6 vm3;
	[tilespmem:$0x1FF00] =	vst v0;
	v0 =	vimm.s32 $0x0  }
0x30: {  	p4 =	sgt.u32 s13, $0x9;
	s15 =	simm.s32 @!p3 $0x0;
	vm1 =	vmmov vm0;
	v0 =	vsel vm3, $0xFFFFFFFF, v0  }
0x31: {  	s15 =	simm.s32 @p3 $0x1;
	vm1 =	vmneg @p4 vm1;
	[tilespmem:$0x1FF10] =	vst v0;
	v0 =	vimm.s32 $0x0  }
0x32: {  	[smem:$0x7FA] =	sst s15;
	p5 =	sgt.u32 s12, $0x1A;
	p4 =	seq.s32 s25, $0x1;
	vm2 =	vmmov vm0;
	v0 =	vsel vm1, $0xFFFFFFFF, v0  }
0x33: {  	s9 =	simm.s32 $0xC000;
	s26 =	sld [smem:$0x7FA];
	s15 =	simm.s32 @!p5 $0x0;
	vm2 =	vmneg @p4 vm2;
	[tilespmem:$0x1FF20] =	vst v0;
	v0 =	vimm.s32 $0x0  }
0x34: {  	p2 =	sgt.u32 s13, $0xA;
	s15 =	simm.s32 @p5 $0x1;
	p4 =	sgt.u32 s12, $0x1C;
	vm3 =	vmmov vm0;
	v0 =	vsel vm2, $0xFFFFFFFF, v0  }
0x35: {  	s10 =	simm.s32 $0xCA80;
	[smem:$0x7FB] =	sst s15;
	s15 =	simm.s32 @!p4 $0x0;
	vm3 =	vmneg @p2 vm3;
	[tilespmem:$0x1FF30] =	vst v0;
	v0 =	vimm.s32 $0x0  }
0x36: {  	[dreg:$0x9] =	wrdreg s9;
	s15 =	simm.s32 @p4 $0x1;
	p4 =	seq.s32 s26, $0x1;
	vm1 =	vmmov vm0;
	v0 =	vsel vm3, $0xFFFFFFFF, v0  }
0x37: {  	s11 =	simm.s32 $0x800;
	[dreg:$0xa] =	wrdreg s10;
	vm1 =	vmneg @p4 vm1;
	[tilespmem:$0x1FF40] =	vst v0;
	v0 =	vimm.s32 $0x0  }
0x38: {  	s14 =	simm.s32 $0x1000;
	[dreg:$0xb] =	wrdreg s11;
	p3 =	sgt.u32 s13, $0xB;
	vm2 =	vmmov vm0;
	v0 =	vsel vm1, $0xFFFFFFFF, v0  }
0x39: {  	s16 =	simm.s32 $0x2000;
	[dreg:$0xc] =	wrdreg s14;
	vm2 =	vmneg @p3 vm2;
	[tilespmem:$0x1FF50] =	vst v0;
	v0 =	vimm.s32 $0x0  }
0x3a: {  	[dreg:$0xe] =	wrdreg s16;
	p0 =	sgt.u32 s12, $0x18;
	vm3 =	vmmov vm0;
	v0 =	vsel vm2, $0xFFFFFFFF, v0  }
0x3b: {  	s17 =	simm.s32 $0x2800;
	s29 =	sld [smem:$0x7FB];
	vm3 =	vmneg @p0 vm3;
	[tilespmem:$0x1FF60] =	vst v0;
	v0 =	vimm.s32 $0x0  }
0x3c: {  	s18 =	simm.s32 $0x3000;
	[dreg:$0xf] =	wrdreg s17;
	p6 =	sgt.u32 s13, $0xC;
	vm1 =	vmmov vm0;
	v0 =	vsel vm3, $0xFFFFFFFF, v0  }
0x3d: {  	s19 =	simm.s32 $0x5000;
	[dreg:$0x10] =	wrdreg s18;
	vm1 =	vmneg @p6 vm1;
	[tilespmem:$0x1FF70] =	vst v0;
	v0 =	vimm.s32 $0x0  }
0x3e: {  	s28 =	simm.s32 $0x5800;
	[smem:$0x7FD] =	sst s15;
	p3 =	seq.s32 s29, $0x1;
	vm2 =	vmmov vm0;
	v0 =	vsel vm1, $0xFFFFFFFF, v0  }
0x3f: {  	s2 =	sadd.s32 $0x1E00, s5;
	s6 =	smax.u32 s31, $0x1;
	s31 =	sld [smem:$0x7FD];
	vm2 =	vmneg @p3 vm2;
	[tilespmem:$0x1FF80] =	vst v0;
	v0 =	vimm.s32 $0x0  }
0x40: {  	s9 =	simm.s32 $0x3800;
	s10 =	simm.s32 $0x4000;
	p2 =	sgt.u32 s13, $0xD;
	vm3 =	vmmov vm0;
	v0 =	vsel vm2, $0xFFFFFFFF, v0  }
0x41: {  	s14 =	simm.s32 $0x4800;
	s11 =	simm.s32 $0xC980;
	[dreg:$0x14] =	wrdreg s19;
	vm3 =	vmneg @p2 vm3;
	[tilespmem:$0x1FF90] =	vst v0;
	v0 =	vimm.s32 $0x0  }
0x42: {  	[dreg:$0x15] =	wrdreg s28;
	s16 =	simm.s32 $0x7800;
	p3 =	seq.s32 s31, $0x1;
	vm2 =	vmmov vm0;
	v0 =	vsel vm3, $0xFFFFFFFF, v0  }
0x43: {  	s17 =	simm.s32 $0x8000;
	s18 =	simm.s32 $0x8800;
	[dreg:$0x11] =	wrdreg s9;
	vm2 =	vmneg @p3 vm2;
	[tilespmem:$0x1FFA0] =	vst v0;
	v0 =	vimm.s32 $0x0  }
0x44: {  	s19 =	simm.s32 $0x9000;
	[smem:$0x7FC] =	sst s3;
	p5 =	seq.s32 s13, $0xF;
	vm3 =	vmmov vm0;
	v0 =	vsel vm2, $0xFFFFFFFF, v0  }
0x45: {  	s7 =	sshll.u32 s12, $0x3;
	p1 =	sne.s32 s12, $0x0;
	s30 =	sld [smem:$0x7FC];
	vm3 =	vmneg @p5 vm3;
	[tilespmem:$0x1FFB0] =	vst v0;
	v0 =	vimm.s32 $0x0  }
0x46: {  	s9 =	simm.s32 $0xC880;
	[dreg:$0x12] =	wrdreg s10;
	s10 =	simm.s32 $0xC800;
	vm1 =	vmmov vm0;
	v0 =	vsel vm3, $0xFFFFFFFF, v0  }
0x47: {  	[dreg:$0x13] =	wrdreg s14;
	s14 =	simm.s32 $0x6800;
	s7 =	sadd.s32 s7, s5;
	vm1 =	vmneg @p1 vm1;
	[tilespmem:$0x1FFC0] =	vst v0;
	v0 =	vimm.s32 $0x0  }
0x48: {  	s8 =	sadd.s32 $0x61E00, s7;
	s7 =	simm.s32 $0x3;
	p2 =	seq.s32 s30, $0x1;
	v0 =	vsel vm1, $0xFFFFFFFF, v0;
	vm1 =	vmmov vm0  }
0x49: {  	[dreg:$0x8] =	wrdreg s8;
	s8 =	simm.s32 $0xC900;
	s3 =	sshll.u32 s12, $0x6;
	[tilespmem:$0x1FFD0] =	vst v0;
	vm1 =	vmneg @p2 vm1;
	v0 =	vimm.s32 $0x0  }
0x4a: {  	v4 =	vlaneseq.u32;
	s4 =	sadd.s32 $0x1F00, s5;
	s5 =	sadd.s32 $0x2000, s5;
	p0 =	seq.s32 s12, $0x1F;
	v0 =	vsel vm1, $0xFFFFFFFF, v0  }
0x4b: {  	v1 =	vimm.s32 $0x1;
	s20 =	simm.s32 $0x9800;
	s21 =	simm.s32 $0xA000;
	s22 =	simm.s32 $0xA800;
	vm0 =	vmneg @p0 vm0;
	[tilespmem:$0x1FFE0] =	vst v0;
	v0 =	vimm.s32 $0x0  }
0x4c: {  	v3 =	vshrl.u32 v4, $0x3;
	v2 =	vand.u32 $0x7, v4;
	s23 =	simm.s32 $0xB000;
	s24 =	simm.s32 $0xB800;
	s25 =	simm.s32 $0x2;
	v0 =	vsel vm0, $0xFFFFFFFF, v0  }
0x4d: {  	v4 =	vor.u32 $0x8, v4;
	v3 =	vmul.u32 $0x8, v3;
	s13 =	simm.s32 $0x6000;
	s15 =	simm.s32 $0x7000;
	s12 =	simm.s32 $0x1;
	[tilespmem:$0x1FFF0] =	vst v0;
	v0 =	vimm.s32 $0x0  }
.LBB2_1:
0x4e: {  	s26 =	rddreg [dreg:$0x7]  }
0x4f: {  	s28 =	rddreg [dreg:$0x5]  }
0x50: {  	[tilespmem:s1], [sflag:$0x1] =	stream.linear.gather [hbm4b:s26+s1], $0xC000, $0x38;
	[tilespmem:$0xCB80] =	vst v63  }
0x51: {  	s29 =	rddreg [dreg:$0x9]  }
0x52: {  	[tilespmem:s29], [sflag:$0x3] =	stream.linear.gather [hbm4b:s28+s1], $0x800, $0x38;
	[tilespmem:$0xCB80] =	vst v63  }
0x53: {  	_ =	swait.ge [sflag:s7], $0x800  }
0x54: {  	[sflag:s7] =	ssyncset.done $0x0;
	v6 =	vld [tilespmem:$0x1FFD0]  }
0x55: {  	[sflag:s7] =	ssyncadd.s32 $0xFFFFF800  }
0x56: {  	v5 =	vld [tilespmem:$0xC000];
	_ =	sdelay $0x2  }
0x57: {  	vm0 =	vnez.u8 v6;
	_ =	sdelay $0x1  }
0x58: {  	[tilespmem:$0xC800] =	vst v0  }
0x59: {  	[tilespmem:$0xC880] =	vst v0  }
0x5a: {  	[tilespmem:$0xC900] =	vst v0  }
0x5b: {  	[tilespmem:v5+s8+$0x0] =	vst.idx.add.s32.msk $0xffff, v1  }
0x5c: {  	[tilespmem:v5+s9+$0x0] =	vst.idx.add.s32.msk vm0, v1  }
0x5d: {  	v5 =	vld [tilespmem:$0xC010];
	_ =	sdelay $0x7  }
0x5e: {  	[tilespmem:v5+s8+$0x0] =	vst.idx.add.s32.msk $0xffff, v1  }
0x5f: {  	[tilespmem:v5+s9+$0x0] =	vst.idx.add.s32.msk vm0, v1  }
0x60: {  	v5 =	vld [tilespmem:$0xC020];
	_ =	sdelay $0x7  }
0x61: {  	[tilespmem:v5+s8+$0x0] =	vst.idx.add.s32.msk $0xffff, v1  }
0x62: {  	[tilespmem:v5+s9+$0x0] =	vst.idx.add.s32.msk vm0, v1  }
0x63: {  	v5 =	vld [tilespmem:$0xC030];
	_ =	sdelay $0x6  }
0x64: {  	v6 =	vld [tilespmem:$0x1FFE0]  }
0x65: {  	[tilespmem:v5+s8+$0x0] =	vst.idx.add.s32.msk $0xffff, v1  }
0x66: {  	[tilespmem:v5+s9+$0x0] =	vst.idx.add.s32.msk vm0, v1  }
0x67: {  	v5 =	vld [tilespmem:$0xC040];
	_ =	sdelay $0x2  }
0x68: {  	vm8 =	vnez.u8 v6;
	_ =	sdelay $0x4  }
0x69: {  	[tilespmem:v5+s8+$0x0] =	vst.idx.add.s32.msk $0xffff, v1  }
0x6a: {  	[tilespmem:v5+s9+$0x0] =	vst.idx.add.s32.msk vm8, v1  }
0x6b: {  	v5 =	vld [tilespmem:$0xC050];
	_ =	sdelay $0x7  }
0x6c: {  	[tilespmem:v5+s8+$0x0] =	vst.idx.add.s32.msk $0xffff, v1  }
0x6d: {  	[tilespmem:v5+s9+$0x0] =	vst.idx.add.s32.msk vm8, v1  }
0x6e: {  	v5 =	vld [tilespmem:$0xC060];
	_ =	sdelay $0x7  }
0x6f: {  	[tilespmem:v5+s8+$0x0] =	vst.idx.add.s32.msk $0xffff, v1  }
0x70: {  	[tilespmem:v5+s9+$0x0] =	vst.idx.add.s32.msk vm8, v1  }
0x71: {  	v5 =	vld [tilespmem:$0xC070];
	_ =	sdelay $0x6  }
0x72: {  	v6 =	vld [tilespmem:$0x1FE10]  }
0x73: {  	[tilespmem:v5+s8+$0x0] =	vst.idx.add.s32.msk $0xffff, v1  }
0x74: {  	[tilespmem:v5+s9+$0x0] =	vst.idx.add.s32.msk vm8, v1  }
0x75: {  	v5 =	vld [tilespmem:$0xC080];
	_ =	sdelay $0x2  }
0x76: {  	vm9 =	vnez.u8 v6;
	_ =	sdelay $0x4  }
0x77: {  	[tilespmem:v5+s8+$0x0] =	vst.idx.add.s32.msk $0xffff, v1  }
0x78: {  	[tilespmem:v5+s9+$0x0] =	vst.idx.add.s32.msk vm9, v1  }
0x79: {  	v5 =	vld [tilespmem:$0xC090];
	_ =	sdelay $0x7  }
0x7a: {  	[tilespmem:v5+s8+$0x0] =	vst.idx.add.s32.msk $0xffff, v1  }
0x7b: {  	[tilespmem:v5+s9+$0x0] =	vst.idx.add.s32.msk vm9, v1  }
0x7c: {  	v5 =	vld [tilespmem:$0xC0A0];
	_ =	sdelay $0x7  }
0x7d: {  	[tilespmem:v5+s8+$0x0] =	vst.idx.add.s32.msk $0xffff, v1  }
0x7e: {  	[tilespmem:v5+s9+$0x0] =	vst.idx.add.s32.msk vm9, v1  }
0x7f: {  	v5 =	vld [tilespmem:$0xC0B0];
	_ =	sdelay $0x6  }
0x80: {  	v6 =	vld [tilespmem:$0x1FE20]  }
0x81: {  	[tilespmem:v5+s8+$0x0] =	vst.idx.add.s32.msk $0xffff, v1  }
0x82: {  	[tilespmem:v5+s9+$0x0] =	vst.idx.add.s32.msk vm9, v1  }
0x83: {  	v5 =	vld [tilespmem:$0xC0C0];
	_ =	sdelay $0x2  }
0x84: {  	vm10 =	vnez.u8 v6;
	_ =	sdelay $0x4  }
0x85: {  	[tilespmem:v5+s8+$0x0] =	vst.idx.add.s32.msk $0xffff, v1  }
0x86: {  	[tilespmem:v5+s9+$0x0] =	vst.idx.add.s32.msk vm10, v1  }
0x87: {  	v5 =	vld [tilespmem:$0xC0D0];
	_ =	sdelay $0x7  }
0x88: {  	[tilespmem:v5+s8+$0x0] =	vst.idx.add.s32.msk $0xffff, v1  }
0x89: {  	[tilespmem:v5+s9+$0x0] =	vst.idx.add.s32.msk vm10, v1  }
0x8a: {  	v5 =	vld [tilespmem:$0xC0E0];
	_ =	sdelay $0x7  }
0x8b: {  	[tilespmem:v5+s8+$0x0] =	vst.idx.add.s32.msk $0xffff, v1  }
0x8c: {  	[tilespmem:v5+s9+$0x0] =	vst.idx.add.s32.msk vm10, v1  }
0x8d: {  	v5 =	vld [tilespmem:$0xC0F0];
	_ =	sdelay $0x6  }
0x8e: {  	v6 =	vld [tilespmem:$0x1FE30]  }
0x8f: {  	[tilespmem:v5+s8+$0x0] =	vst.idx.add.s32.msk $0xffff, v1  }
0x90: {  	[tilespmem:v5+s9+$0x0] =	vst.idx.add.s32.msk vm10, v1  }
0x91: {  	v5 =	vld [tilespmem:$0xC100];
	_ =	sdelay $0x2  }
0x92: {  	vm11 =	vnez.u8 v6;
	_ =	sdelay $0x4  }
0x93: {  	[tilespmem:v5+s8+$0x0] =	vst.idx.add.s32.msk $0xffff, v1  }
0x94: {  	[tilespmem:v5+s9+$0x0] =	vst.idx.add.s32.msk vm11, v1  }
0x95: {  	v5 =	vld [tilespmem:$0xC110];
	_ =	sdelay $0x7  }
0x96: {  	[tilespmem:v5+s8+$0x0] =	vst.idx.add.s32.msk $0xffff, v1  }
0x97: {  	[tilespmem:v5+s9+$0x0] =	vst.idx.add.s32.msk vm11, v1  }
0x98: {  	v5 =	vld [tilespmem:$0xC120];
	_ =	sdelay $0x7  }
0x99: {  	[tilespmem:v5+s8+$0x0] =	vst.idx.add.s32.msk $0xffff, v1  }
0x9a: {  	[tilespmem:v5+s9+$0x0] =	vst.idx.add.s32.msk vm11, v1  }
0x9b: {  	v5 =	vld [tilespmem:$0xC130];
	_ =	sdelay $0x6  }
0x9c: {  	v6 =	vld [tilespmem:$0x1FE40]  }
0x9d: {  	[tilespmem:v5+s8+$0x0] =	vst.idx.add.s32.msk $0xffff, v1  }
0x9e: {  	[tilespmem:v5+s9+$0x0] =	vst.idx.add.s32.msk vm11, v1  }
0x9f: {  	v5 =	vld [tilespmem:$0xC140];
	_ =	sdelay $0x2  }
0xa0: {  	vm12 =	vnez.u8 v6;
	_ =	sdelay $0x4  }
0xa1: {  	[tilespmem:v5+s8+$0x0] =	vst.idx.add.s32.msk $0xffff, v1  }
0xa2: {  	[tilespmem:v5+s9+$0x0] =	vst.idx.add.s32.msk vm12, v1  }
0xa3: {  	v5 =	vld [tilespmem:$0xC150];
	_ =	sdelay $0x7  }
0xa4: {  	[tilespmem:v5+s8+$0x0] =	vst.idx.add.s32.msk $0xffff, v1  }
0xa5: {  	[tilespmem:v5+s9+$0x0] =	vst.idx.add.s32.msk vm12, v1  }
0xa6: {  	v5 =	vld [tilespmem:$0xC160];
	_ =	sdelay $0x7  }
0xa7: {  	[tilespmem:v5+s8+$0x0] =	vst.idx.add.s32.msk $0xffff, v1  }
0xa8: {  	[tilespmem:v5+s9+$0x0] =	vst.idx.add.s32.msk vm12, v1  }
0xa9: {  	v5 =	vld [tilespmem:$0xC170];
	_ =	sdelay $0x6  }
0xaa: {  	v6 =	vld [tilespmem:$0x1FE50]  }
0xab: {  	[tilespmem:v5+s8+$0x0] =	vst.idx.add.s32.msk $0xffff, v1  }
0xac: {  	[tilespmem:v5+s9+$0x0] =	vst.idx.add.s32.msk vm12, v1  }
0xad: {  	v5 =	vld [tilespmem:$0xC180];
	_ =	sdelay $0x2  }
0xae: {  	vm13 =	vnez.u8 v6;
	_ =	sdelay $0x4  }
0xaf: {  	[tilespmem:v5+s8+$0x0] =	vst.idx.add.s32.msk $0xffff, v1  }
0xb0: {  	[tilespmem:v5+s9+$0x0] =	vst.idx.add.s32.msk vm13, v1  }
0xb1: {  	v5 =	vld [tilespmem:$0xC190];
	_ =	sdelay $0x7  }
0xb2: {  	[tilespmem:v5+s8+$0x0] =	vst.idx.add.s32.msk $0xffff, v1  }
0xb3: {  	[tilespmem:v5+s9+$0x0] =	vst.idx.add.s32.msk vm13, v1  }
0xb4: {  	v5 =	vld [tilespmem:$0xC1A0];
	_ =	sdelay $0x7  }
0xb5: {  	[tilespmem:v5+s8+$0x0] =	vst.idx.add.s32.msk $0xffff, v1  }
0xb6: {  	[tilespmem:v5+s9+$0x0] =	vst.idx.add.s32.msk vm13, v1  }
0xb7: {  	v5 =	vld [tilespmem:$0xC1B0];
	_ =	sdelay $0x6  }
0xb8: {  	v6 =	vld [tilespmem:$0x1FE60]  }
0xb9: {  	[tilespmem:v5+s8+$0x0] =	vst.idx.add.s32.msk $0xffff, v1  }
0xba: {  	[tilespmem:v5+s9+$0x0] =	vst.idx.add.s32.msk vm13, v1  }
0xbb: {  	v5 =	vld [tilespmem:$0xC1C0];
	_ =	sdelay $0x2  }
0xbc: {  	vm14 =	vnez.u8 v6;
	_ =	sdelay $0x4  }
0xbd: {  	[tilespmem:v5+s8+$0x0] =	vst.idx.add.s32.msk $0xffff, v1  }
0xbe: {  	[tilespmem:v5+s9+$0x0] =	vst.idx.add.s32.msk vm14, v1  }
0xbf: {  	v5 =	vld [tilespmem:$0xC1D0];
	_ =	sdelay $0x7  }
0xc0: {  	[tilespmem:v5+s8+$0x0] =	vst.idx.add.s32.msk $0xffff, v1  }
0xc1: {  	[tilespmem:v5+s9+$0x0] =	vst.idx.add.s32.msk vm14, v1  }
0xc2: {  	v5 =	vld [tilespmem:$0xC1E0];
	_ =	sdelay $0x7  }
0xc3: {  	[tilespmem:v5+s8+$0x0] =	vst.idx.add.s32.msk $0xffff, v1  }
0xc4: {  	[tilespmem:v5+s9+$0x0] =	vst.idx.add.s32.msk vm14, v1  }
0xc5: {  	v5 =	vld [tilespmem:$0xC1F0];
	_ =	sdelay $0x6  }
0xc6: {  	v6 =	vld [tilespmem:$0x1FE70]  }
0xc7: {  	[tilespmem:v5+s8+$0x0] =	vst.idx.add.s32.msk $0xffff, v1  }
0xc8: {  	[tilespmem:v5+s9+$0x0] =	vst.idx.add.s32.msk vm14, v1  }
0xc9: {  	v5 =	vld [tilespmem:$0xC200];
	_ =	sdelay $0x2  }
0xca: {  	vm15 =	vnez.u8 v6;
	_ =	sdelay $0x4  }
0xcb: {  	[tilespmem:v5+s8+$0x0] =	vst.idx.add.s32.msk $0xffff, v1  }
0xcc: {  	[tilespmem:v5+s9+$0x0] =	vst.idx.add.s32.msk vm15, v1  }
0xcd: {  	v5 =	vld [tilespmem:$0xC210];
	_ =	sdelay $0x7  }
0xce: {  	[tilespmem:v5+s8+$0x0] =	vst.idx.add.s32.msk $0xffff, v1  }
0xcf: {  	[tilespmem:v5+s9+$0x0] =	vst.idx.add.s32.msk vm15, v1  }
0xd0: {  	v5 =	vld [tilespmem:$0xC220];
	_ =	sdelay $0x7  }
0xd1: {  	[tilespmem:v5+s8+$0x0] =	vst.idx.add.s32.msk $0xffff, v1  }
0xd2: {  	[tilespmem:v5+s9+$0x0] =	vst.idx.add.s32.msk vm15, v1  }
0xd3: {  	v5 =	vld [tilespmem:$0xC230];
	_ =	sdelay $0x6  }
0xd4: {  	v6 =	vld [tilespmem:$0x1FE80]  }
0xd5: {  	[tilespmem:v5+s8+$0x0] =	vst.idx.add.s32.msk $0xffff, v1  }
0xd6: {  	[tilespmem:v5+s9+$0x0] =	vst.idx.add.s32.msk vm15, v1  }
0xd7: {  	v5 =	vld [tilespmem:$0xC240];
	_ =	sdelay $0x2  }
0xd8: {  	vm4 =	vnez.u8 v6;
	_ =	sdelay $0x4  }
0xd9: {  	[tilespmem:v5+s8+$0x0] =	vst.idx.add.s32.msk $0xffff, v1  }
0xda: {  	[tilespmem:v5+s9+$0x0] =	vst.idx.add.s32.msk vm4, v1  }
0xdb: {  	v5 =	vld [tilespmem:$0xC250];
	_ =	sdelay $0x7  }
0xdc: {  	[tilespmem:v5+s8+$0x0] =	vst.idx.add.s32.msk $0xffff, v1  }
0xdd: {  	[tilespmem:v5+s9+$0x0] =	vst.idx.add.s32.msk vm4, v1  }
0xde: {  	v5 =	vld [tilespmem:$0xC260];
	_ =	sdelay $0x7  }
0xdf: {  	[tilespmem:v5+s8+$0x0] =	vst.idx.add.s32.msk $0xffff, v1  }
0xe0: {  	[tilespmem:v5+s9+$0x0] =	vst.idx.add.s32.msk vm4, v1  }
0xe1: {  	v5 =	vld [tilespmem:$0xC270];
	_ =	sdelay $0x6  }
0xe2: {  	v6 =	vld [tilespmem:$0x1FE90]  }
0xe3: {  	[tilespmem:v5+s8+$0x0] =	vst.idx.add.s32.msk $0xffff, v1  }
0xe4: {  	[tilespmem:v5+s9+$0x0] =	vst.idx.add.s32.msk vm4, v1  }
0xe5: {  	v5 =	vld [tilespmem:$0xC280];
	_ =	sdelay $0x2  }
0xe6: {  	vm5 =	vnez.u8 v6;
	_ =	sdelay $0x4  }
0xe7: {  	[tilespmem:v5+s8+$0x0] =	vst.idx.add.s32.msk $0xffff, v1  }
0xe8: {  	[tilespmem:v5+s9+$0x0] =	vst.idx.add.s32.msk vm5, v1  }
0xe9: {  	v5 =	vld [tilespmem:$0xC290];
	_ =	sdelay $0x7  }
0xea: {  	[tilespmem:v5+s8+$0x0] =	vst.idx.add.s32.msk $0xffff, v1  }
0xeb: {  	[tilespmem:v5+s9+$0x0] =	vst.idx.add.s32.msk vm5, v1  }
0xec: {  	v5 =	vld [tilespmem:$0xC2A0];
	_ =	sdelay $0x7  }
0xed: {  	[tilespmem:v5+s8+$0x0] =	vst.idx.add.s32.msk $0xffff, v1  }
0xee: {  	[tilespmem:v5+s9+$0x0] =	vst.idx.add.s32.msk vm5, v1  }
0xef: {  	v5 =	vld [tilespmem:$0xC2B0];
	_ =	sdelay $0x6  }
0xf0: {  	v6 =	vld [tilespmem:$0x1FEA0]  }
0xf1: {  	[tilespmem:v5+s8+$0x0] =	vst.idx.add.s32.msk $0xffff, v1  }
0xf2: {  	[tilespmem:v5+s9+$0x0] =	vst.idx.add.s32.msk vm5, v1  }
0xf3: {  	v5 =	vld [tilespmem:$0xC2C0];
	_ =	sdelay $0x2  }
0xf4: {  	vm6 =	vnez.u8 v6;
	_ =	sdelay $0x4  }
0xf5: {  	[tilespmem:v5+s8+$0x0] =	vst.idx.add.s32.msk $0xffff, v1  }
0xf6: {  	[tilespmem:v5+s9+$0x0] =	vst.idx.add.s32.msk vm6, v1  }
0xf7: {  	v5 =	vld [tilespmem:$0xC2D0];
	_ =	sdelay $0x7  }
0xf8: {  	[tilespmem:v5+s8+$0x0] =	vst.idx.add.s32.msk $0xffff, v1  }
0xf9: {  	[tilespmem:v5+s9+$0x0] =	vst.idx.add.s32.msk vm6, v1  }
0xfa: {  	v5 =	vld [tilespmem:$0xC2E0];
	_ =	sdelay $0x7  }
0xfb: {  	[tilespmem:v5+s8+$0x0] =	vst.idx.add.s32.msk $0xffff, v1  }
0xfc: {  	[tilespmem:v5+s9+$0x0] =	vst.idx.add.s32.msk vm6, v1  }
0xfd: {  	v5 =	vld [tilespmem:$0xC2F0];
	_ =	sdelay $0x6  }
0xfe: {  	v6 =	vld [tilespmem:$0x1FEB0]  }
0xff: {  	[tilespmem:v5+s8+$0x0] =	vst.idx.add.s32.msk $0xffff, v1  }
0x100: {  	[tilespmem:v5+s9+$0x0] =	vst.idx.add.s32.msk vm6, v1  }
0x101: {  	v5 =	vld [tilespmem:$0xC300];
	_ =	sdelay $0x2  }
0x102: {  	vm7 =	vnez.u8 v6;
	_ =	sdelay $0x4  }
0x103: {  	[tilespmem:v5+s8+$0x0] =	vst.idx.add.s32.msk $0xffff, v1  }
0x104: {  	[tilespmem:v5+s9+$0x0] =	vst.idx.add.s32.msk vm7, v1  }
0x105: {  	v5 =	vld [tilespmem:$0xC310];
	_ =	sdelay $0x7  }
0x106: {  	[tilespmem:v5+s8+$0x0] =	vst.idx.add.s32.msk $0xffff, v1  }
0x107: {  	[tilespmem:v5+s9+$0x0] =	vst.idx.add.s32.msk vm7, v1  }
0x108: {  	v5 =	vld [tilespmem:$0xC320];
	_ =	sdelay $0x7  }
0x109: {  	[tilespmem:v5+s8+$0x0] =	vst.idx.add.s32.msk $0xffff, v1  }
0x10a: {  	[tilespmem:v5+s9+$0x0] =	vst.idx.add.s32.msk vm7, v1  }
0x10b: {  	v5 =	vld [tilespmem:$0xC330];
	_ =	sdelay $0x6  }
0x10c: {  	v6 =	vld [tilespmem:$0x1FEC0]  }
0x10d: {  	[tilespmem:v5+s8+$0x0] =	vst.idx.add.s32.msk $0xffff, v1  }
0x10e: {  	[tilespmem:v5+s9+$0x0] =	vst.idx.add.s32.msk vm7, v1  }
0x10f: {  	v5 =	vld [tilespmem:$0xC340];
	_ =	sdelay $0x2  }
0x110: {  	vm8 =	vnez.u8 v6;
	_ =	sdelay $0x4  }
0x111: {  	[tilespmem:v5+s8+$0x0] =	vst.idx.add.s32.msk $0xffff, v1  }
0x112: {  	[tilespmem:v5+s9+$0x0] =	vst.idx.add.s32.msk vm8, v1  }
0x113: {  	v5 =	vld [tilespmem:$0xC350];
	_ =	sdelay $0x7  }
0x114: {  	[tilespmem:v5+s8+$0x0] =	vst.idx.add.s32.msk $0xffff, v1  }
0x115: {  	[tilespmem:v5+s9+$0x0] =	vst.idx.add.s32.msk vm8, v1  }
0x116: {  	v5 =	vld [tilespmem:$0xC360];
	_ =	sdelay $0x7  }
0x117: {  	[tilespmem:v5+s8+$0x0] =	vst.idx.add.s32.msk $0xffff, v1  }
0x118: {  	[tilespmem:v5+s9+$0x0] =	vst.idx.add.s32.msk vm8, v1  }
0x119: {  	v5 =	vld [tilespmem:$0xC370];
	_ =	sdelay $0x6  }
0x11a: {  	v6 =	vld [tilespmem:$0x1FED0]  }
0x11b: {  	[tilespmem:v5+s8+$0x0] =	vst.idx.add.s32.msk $0xffff, v1  }
0x11c: {  	[tilespmem:v5+s9+$0x0] =	vst.idx.add.s32.msk vm8, v1  }
0x11d: {  	v5 =	vld [tilespmem:$0xC380];
	_ =	sdelay $0x2  }
0x11e: {  	vm9 =	vnez.u8 v6;
	_ =	sdelay $0x4  }
0x11f: {  	[tilespmem:v5+s8+$0x0] =	vst.idx.add.s32.msk $0xffff, v1  }
0x120: {  	[tilespmem:v5+s9+$0x0] =	vst.idx.add.s32.msk vm9, v1  }
0x121: {  	v5 =	vld [tilespmem:$0xC390];
	_ =	sdelay $0x7  }
0x122: {  	[tilespmem:v5+s8+$0x0] =	vst.idx.add.s32.msk $0xffff, v1  }
0x123: {  	[tilespmem:v5+s9+$0x0] =	vst.idx.add.s32.msk vm9, v1  }
0x124: {  	v5 =	vld [tilespmem:$0xC3A0];
	_ =	sdelay $0x7  }
0x125: {  	[tilespmem:v5+s8+$0x0] =	vst.idx.add.s32.msk $0xffff, v1  }
0x126: {  	[tilespmem:v5+s9+$0x0] =	vst.idx.add.s32.msk vm9, v1  }
0x127: {  	v5 =	vld [tilespmem:$0xC3B0];
	_ =	sdelay $0x6  }
0x128: {  	v6 =	vld [tilespmem:$0x1FEE0]  }
0x129: {  	[tilespmem:v5+s8+$0x0] =	vst.idx.add.s32.msk $0xffff, v1  }
0x12a: {  	[tilespmem:v5+s9+$0x0] =	vst.idx.add.s32.msk vm9, v1  }
0x12b: {  	v5 =	vld [tilespmem:$0xC3C0];
	_ =	sdelay $0x2  }
0x12c: {  	vm10 =	vnez.u8 v6;
	_ =	sdelay $0x4  }
0x12d: {  	[tilespmem:v5+s8+$0x0] =	vst.idx.add.s32.msk $0xffff, v1  }
0x12e: {  	[tilespmem:v5+s9+$0x0] =	vst.idx.add.s32.msk vm10, v1  }
0x12f: {  	v5 =	vld [tilespmem:$0xC3D0];
	_ =	sdelay $0x7  }
0x130: {  	[tilespmem:v5+s8+$0x0] =	vst.idx.add.s32.msk $0xffff, v1  }
0x131: {  	[tilespmem:v5+s9+$0x0] =	vst.idx.add.s32.msk vm10, v1  }
0x132: {  	v5 =	vld [tilespmem:$0xC3E0];
	_ =	sdelay $0x7  }
0x133: {  	[tilespmem:v5+s8+$0x0] =	vst.idx.add.s32.msk $0xffff, v1  }
0x134: {  	[tilespmem:v5+s9+$0x0] =	vst.idx.add.s32.msk vm10, v1  }
0x135: {  	v5 =	vld [tilespmem:$0xC3F0];
	_ =	sdelay $0x6  }
0x136: {  	v6 =	vld [tilespmem:$0x1FEF0]  }
0x137: {  	[tilespmem:v5+s8+$0x0] =	vst.idx.add.s32.msk $0xffff, v1  }
0x138: {  	[tilespmem:v5+s9+$0x0] =	vst.idx.add.s32.msk vm10, v1  }
0x139: {  	v5 =	vld [tilespmem:$0xC400];
	_ =	sdelay $0x2  }
0x13a: {  	vm11 =	vnez.u8 v6;
	_ =	sdelay $0x4  }
0x13b: {  	[tilespmem:v5+s8+$0x0] =	vst.idx.add.s32.msk $0xffff, v1  }
0x13c: {  	[tilespmem:v5+s9+$0x0] =	vst.idx.add.s32.msk vm11, v1  }
0x13d: {  	v5 =	vld [tilespmem:$0xC410];
	_ =	sdelay $0x7  }
0x13e: {  	[tilespmem:v5+s8+$0x0] =	vst.idx.add.s32.msk $0xffff, v1  }
0x13f: {  	[tilespmem:v5+s9+$0x0] =	vst.idx.add.s32.msk vm11, v1  }
0x140: {  	v5 =	vld [tilespmem:$0xC420];
	_ =	sdelay $0x7  }
0x141: {  	[tilespmem:v5+s8+$0x0] =	vst.idx.add.s32.msk $0xffff, v1  }
0x142: {  	[tilespmem:v5+s9+$0x0] =	vst.idx.add.s32.msk vm11, v1  }
0x143: {  	v5 =	vld [tilespmem:$0xC430];
	_ =	sdelay $0x6  }
0x144: {  	v6 =	vld [tilespmem:$0x1FF00]  }
0x145: {  	[tilespmem:v5+s8+$0x0] =	vst.idx.add.s32.msk $0xffff, v1  }
0x146: {  	[tilespmem:v5+s9+$0x0] =	vst.idx.add.s32.msk vm11, v1  }
0x147: {  	v5 =	vld [tilespmem:$0xC440];
	_ =	sdelay $0x2  }
0x148: {  	vm12 =	vnez.u8 v6;
	_ =	sdelay $0x4  }
0x149: {  	[tilespmem:v5+s8+$0x0] =	vst.idx.add.s32.msk $0xffff, v1  }
0x14a: {  	[tilespmem:v5+s9+$0x0] =	vst.idx.add.s32.msk vm12, v1  }
0x14b: {  	v5 =	vld [tilespmem:$0xC450];
	_ =	sdelay $0x7  }
0x14c: {  	[tilespmem:v5+s8+$0x0] =	vst.idx.add.s32.msk $0xffff, v1  }
0x14d: {  	[tilespmem:v5+s9+$0x0] =	vst.idx.add.s32.msk vm12, v1  }
0x14e: {  	v5 =	vld [tilespmem:$0xC460];
	_ =	sdelay $0x7  }
0x14f: {  	[tilespmem:v5+s8+$0x0] =	vst.idx.add.s32.msk $0xffff, v1  }
0x150: {  	[tilespmem:v5+s9+$0x0] =	vst.idx.add.s32.msk vm12, v1  }
0x151: {  	v5 =	vld [tilespmem:$0xC470];
	_ =	sdelay $0x6  }
0x152: {  	v6 =	vld [tilespmem:$0x1FF10]  }
0x153: {  	[tilespmem:v5+s8+$0x0] =	vst.idx.add.s32.msk $0xffff, v1  }
0x154: {  	[tilespmem:v5+s9+$0x0] =	vst.idx.add.s32.msk vm12, v1  }
0x155: {  	v5 =	vld [tilespmem:$0xC480];
	_ =	sdelay $0x2  }
0x156: {  	vm13 =	vnez.u8 v6;
	_ =	sdelay $0x4  }
0x157: {  	[tilespmem:v5+s8+$0x0] =	vst.idx.add.s32.msk $0xffff, v1  }
0x158: {  	[tilespmem:v5+s9+$0x0] =	vst.idx.add.s32.msk vm13, v1  }
0x159: {  	v5 =	vld [tilespmem:$0xC490];
	_ =	sdelay $0x7  }
0x15a: {  	[tilespmem:v5+s8+$0x0] =	vst.idx.add.s32.msk $0xffff, v1  }
0x15b: {  	[tilespmem:v5+s9+$0x0] =	vst.idx.add.s32.msk vm13, v1  }
0x15c: {  	v5 =	vld [tilespmem:$0xC4A0];
	_ =	sdelay $0x7  }
0x15d: {  	[tilespmem:v5+s8+$0x0] =	vst.idx.add.s32.msk $0xffff, v1  }
0x15e: {  	[tilespmem:v5+s9+$0x0] =	vst.idx.add.s32.msk vm13, v1  }
0x15f: {  	v5 =	vld [tilespmem:$0xC4B0];
	_ =	sdelay $0x6  }
0x160: {  	v6 =	vld [tilespmem:$0x1FF20]  }
0x161: {  	[tilespmem:v5+s8+$0x0] =	vst.idx.add.s32.msk $0xffff, v1  }
0x162: {  	[tilespmem:v5+s9+$0x0] =	vst.idx.add.s32.msk vm13, v1  }
0x163: {  	v5 =	vld [tilespmem:$0xC4C0];
	_ =	sdelay $0x2  }
0x164: {  	vm14 =	vnez.u8 v6;
	_ =	sdelay $0x4  }
0x165: {  	[tilespmem:v5+s8+$0x0] =	vst.idx.add.s32.msk $0xffff, v1  }
0x166: {  	[tilespmem:v5+s9+$0x0] =	vst.idx.add.s32.msk vm14, v1  }
0x167: {  	v5 =	vld [tilespmem:$0xC4D0];
	_ =	sdelay $0x7  }
0x168: {  	[tilespmem:v5+s8+$0x0] =	vst.idx.add.s32.msk $0xffff, v1  }
0x169: {  	[tilespmem:v5+s9+$0x0] =	vst.idx.add.s32.msk vm14, v1  }
0x16a: {  	v5 =	vld [tilespmem:$0xC4E0];
	_ =	sdelay $0x7  }
0x16b: {  	[tilespmem:v5+s8+$0x0] =	vst.idx.add.s32.msk $0xffff, v1  }
0x16c: {  	[tilespmem:v5+s9+$0x0] =	vst.idx.add.s32.msk vm14, v1  }
0x16d: {  	v5 =	vld [tilespmem:$0xC4F0];
	_ =	sdelay $0x6  }
0x16e: {  	v6 =	vld [tilespmem:$0x1FF30]  }
0x16f: {  	[tilespmem:v5+s8+$0x0] =	vst.idx.add.s32.msk $0xffff, v1  }
0x170: {  	[tilespmem:v5+s9+$0x0] =	vst.idx.add.s32.msk vm14, v1  }
0x171: {  	v5 =	vld [tilespmem:$0xC500];
	_ =	sdelay $0x2  }
0x172: {  	vm15 =	vnez.u8 v6;
	_ =	sdelay $0x4  }
0x173: {  	[tilespmem:v5+s8+$0x0] =	vst.idx.add.s32.msk $0xffff, v1  }
0x174: {  	[tilespmem:v5+s9+$0x0] =	vst.idx.add.s32.msk vm15, v1  }
0x175: {  	v5 =	vld [tilespmem:$0xC510];
	_ =	sdelay $0x7  }
0x176: {  	[tilespmem:v5+s8+$0x0] =	vst.idx.add.s32.msk $0xffff, v1  }
0x177: {  	[tilespmem:v5+s9+$0x0] =	vst.idx.add.s32.msk vm15, v1  }
0x178: {  	v5 =	vld [tilespmem:$0xC520];
	_ =	sdelay $0x7  }
0x179: {  	[tilespmem:v5+s8+$0x0] =	vst.idx.add.s32.msk $0xffff, v1  }
0x17a: {  	[tilespmem:v5+s9+$0x0] =	vst.idx.add.s32.msk vm15, v1  }
0x17b: {  	v5 =	vld [tilespmem:$0xC530];
	_ =	sdelay $0x6  }
0x17c: {  	v6 =	vld [tilespmem:$0x1FF40]  }
0x17d: {  	[tilespmem:v5+s8+$0x0] =	vst.idx.add.s32.msk $0xffff, v1  }
0x17e: {  	[tilespmem:v5+s9+$0x0] =	vst.idx.add.s32.msk vm15, v1  }
0x17f: {  	v5 =	vld [tilespmem:$0xC540];
	_ =	sdelay $0x2  }
0x180: {  	vm4 =	vnez.u8 v6;
	_ =	sdelay $0x4  }
0x181: {  	[tilespmem:v5+s8+$0x0] =	vst.idx.add.s32.msk $0xffff, v1  }
0x182: {  	[tilespmem:v5+s9+$0x0] =	vst.idx.add.s32.msk vm4, v1  }
0x183: {  	v5 =	vld [tilespmem:$0xC550];
	_ =	sdelay $0x7  }
0x184: {  	[tilespmem:v5+s8+$0x0] =	vst.idx.add.s32.msk $0xffff, v1  }
0x185: {  	[tilespmem:v5+s9+$0x0] =	vst.idx.add.s32.msk vm4, v1  }
0x186: {  	v5 =	vld [tilespmem:$0xC560];
	_ =	sdelay $0x7  }
0x187: {  	[tilespmem:v5+s8+$0x0] =	vst.idx.add.s32.msk $0xffff, v1  }
0x188: {  	[tilespmem:v5+s9+$0x0] =	vst.idx.add.s32.msk vm4, v1  }
0x189: {  	v5 =	vld [tilespmem:$0xC570];
	_ =	sdelay $0x6  }
0x18a: {  	v6 =	vld [tilespmem:$0x1FF50]  }
0x18b: {  	[tilespmem:v5+s8+$0x0] =	vst.idx.add.s32.msk $0xffff, v1  }
0x18c: {  	[tilespmem:v5+s9+$0x0] =	vst.idx.add.s32.msk vm4, v1  }
0x18d: {  	v5 =	vld [tilespmem:$0xC580];
	_ =	sdelay $0x2  }
0x18e: {  	vm5 =	vnez.u8 v6;
	_ =	sdelay $0x4  }
0x18f: {  	[tilespmem:v5+s8+$0x0] =	vst.idx.add.s32.msk $0xffff, v1  }
0x190: {  	[tilespmem:v5+s9+$0x0] =	vst.idx.add.s32.msk vm5, v1  }
0x191: {  	v5 =	vld [tilespmem:$0xC590];
	_ =	sdelay $0x7  }
0x192: {  	[tilespmem:v5+s8+$0x0] =	vst.idx.add.s32.msk $0xffff, v1  }
0x193: {  	[tilespmem:v5+s9+$0x0] =	vst.idx.add.s32.msk vm5, v1  }
0x194: {  	v5 =	vld [tilespmem:$0xC5A0];
	_ =	sdelay $0x7  }
0x195: {  	[tilespmem:v5+s8+$0x0] =	vst.idx.add.s32.msk $0xffff, v1  }
0x196: {  	[tilespmem:v5+s9+$0x0] =	vst.idx.add.s32.msk vm5, v1  }
0x197: {  	v5 =	vld [tilespmem:$0xC5B0];
	_ =	sdelay $0x6  }
0x198: {  	v6 =	vld [tilespmem:$0x1FF60]  }
0x199: {  	[tilespmem:v5+s8+$0x0] =	vst.idx.add.s32.msk $0xffff, v1  }
0x19a: {  	[tilespmem:v5+s9+$0x0] =	vst.idx.add.s32.msk vm5, v1  }
0x19b: {  	v5 =	vld [tilespmem:$0xC5C0];
	_ =	sdelay $0x2  }
0x19c: {  	vm6 =	vnez.u8 v6;
	_ =	sdelay $0x4  }
0x19d: {  	[tilespmem:v5+s8+$0x0] =	vst.idx.add.s32.msk $0xffff, v1  }
0x19e: {  	[tilespmem:v5+s9+$0x0] =	vst.idx.add.s32.msk vm6, v1  }
0x19f: {  	v5 =	vld [tilespmem:$0xC5D0];
	_ =	sdelay $0x7  }
0x1a0: {  	[tilespmem:v5+s8+$0x0] =	vst.idx.add.s32.msk $0xffff, v1  }
0x1a1: {  	[tilespmem:v5+s9+$0x0] =	vst.idx.add.s32.msk vm6, v1  }
0x1a2: {  	v5 =	vld [tilespmem:$0xC5E0];
	_ =	sdelay $0x7  }
0x1a3: {  	[tilespmem:v5+s8+$0x0] =	vst.idx.add.s32.msk $0xffff, v1  }
0x1a4: {  	[tilespmem:v5+s9+$0x0] =	vst.idx.add.s32.msk vm6, v1  }
0x1a5: {  	v5 =	vld [tilespmem:$0xC5F0];
	_ =	sdelay $0x6  }
0x1a6: {  	v6 =	vld [tilespmem:$0x1FF70]  }
0x1a7: {  	[tilespmem:v5+s8+$0x0] =	vst.idx.add.s32.msk $0xffff, v1  }
0x1a8: {  	[tilespmem:v5+s9+$0x0] =	vst.idx.add.s32.msk vm6, v1  }
0x1a9: {  	v5 =	vld [tilespmem:$0xC600];
	_ =	sdelay $0x2  }
0x1aa: {  	vm7 =	vnez.u8 v6;
	_ =	sdelay $0x4  }
0x1ab: {  	[tilespmem:v5+s8+$0x0] =	vst.idx.add.s32.msk $0xffff, v1  }
0x1ac: {  	[tilespmem:v5+s9+$0x0] =	vst.idx.add.s32.msk vm7, v1  }
0x1ad: {  	v5 =	vld [tilespmem:$0xC610];
	_ =	sdelay $0x7  }
0x1ae: {  	[tilespmem:v5+s8+$0x0] =	vst.idx.add.s32.msk $0xffff, v1  }
0x1af: {  	[tilespmem:v5+s9+$0x0] =	vst.idx.add.s32.msk vm7, v1  }
0x1b0: {  	v5 =	vld [tilespmem:$0xC620];
	_ =	sdelay $0x7  }
0x1b1: {  	[tilespmem:v5+s8+$0x0] =	vst.idx.add.s32.msk $0xffff, v1  }
0x1b2: {  	[tilespmem:v5+s9+$0x0] =	vst.idx.add.s32.msk vm7, v1  }
0x1b3: {  	v5 =	vld [tilespmem:$0xC630];
	_ =	sdelay $0x6  }
0x1b4: {  	v6 =	vld [tilespmem:$0x1FF80]  }
0x1b5: {  	[tilespmem:v5+s8+$0x0] =	vst.idx.add.s32.msk $0xffff, v1  }
0x1b6: {  	[tilespmem:v5+s9+$0x0] =	vst.idx.add.s32.msk vm7, v1  }
0x1b7: {  	v5 =	vld [tilespmem:$0xC640];
	_ =	sdelay $0x2  }
0x1b8: {  	vm8 =	vnez.u8 v6;
	_ =	sdelay $0x4  }
0x1b9: {  	[tilespmem:v5+s8+$0x0] =	vst.idx.add.s32.msk $0xffff, v1  }
0x1ba: {  	[tilespmem:v5+s9+$0x0] =	vst.idx.add.s32.msk vm8, v1  }
0x1bb: {  	v5 =	vld [tilespmem:$0xC650];
	_ =	sdelay $0x7  }
0x1bc: {  	[tilespmem:v5+s8+$0x0] =	vst.idx.add.s32.msk $0xffff, v1  }
0x1bd: {  	[tilespmem:v5+s9+$0x0] =	vst.idx.add.s32.msk vm8, v1  }
0x1be: {  	v5 =	vld [tilespmem:$0xC660];
	_ =	sdelay $0x7  }
0x1bf: {  	[tilespmem:v5+s8+$0x0] =	vst.idx.add.s32.msk $0xffff, v1  }
0x1c0: {  	[tilespmem:v5+s9+$0x0] =	vst.idx.add.s32.msk vm8, v1  }
0x1c1: {  	v5 =	vld [tilespmem:$0xC670];
	_ =	sdelay $0x6  }
0x1c2: {  	v6 =	vld [tilespmem:$0x1FF90]  }
0x1c3: {  	[tilespmem:v5+s8+$0x0] =	vst.idx.add.s32.msk $0xffff, v1  }
0x1c4: {  	[tilespmem:v5+s9+$0x0] =	vst.idx.add.s32.msk vm8, v1  }
0x1c5: {  	v5 =	vld [tilespmem:$0xC680];
	_ =	sdelay $0x2  }
0x1c6: {  	vm9 =	vnez.u8 v6;
	_ =	sdelay $0x4  }
0x1c7: {  	[tilespmem:v5+s8+$0x0] =	vst.idx.add.s32.msk $0xffff, v1  }
0x1c8: {  	[tilespmem:v5+s9+$0x0] =	vst.idx.add.s32.msk vm9, v1  }
0x1c9: {  	v5 =	vld [tilespmem:$0xC690];
	_ =	sdelay $0x7  }
0x1ca: {  	[tilespmem:v5+s8+$0x0] =	vst.idx.add.s32.msk $0xffff, v1  }
0x1cb: {  	[tilespmem:v5+s9+$0x0] =	vst.idx.add.s32.msk vm9, v1  }
0x1cc: {  	v5 =	vld [tilespmem:$0xC6A0];
	_ =	sdelay $0x7  }
0x1cd: {  	[tilespmem:v5+s8+$0x0] =	vst.idx.add.s32.msk $0xffff, v1  }
0x1ce: {  	[tilespmem:v5+s9+$0x0] =	vst.idx.add.s32.msk vm9, v1  }
0x1cf: {  	v5 =	vld [tilespmem:$0xC6B0];
	_ =	sdelay $0x6  }
0x1d0: {  	v6 =	vld [tilespmem:$0x1FFA0]  }
0x1d1: {  	[tilespmem:v5+s8+$0x0] =	vst.idx.add.s32.msk $0xffff, v1  }
0x1d2: {  	[tilespmem:v5+s9+$0x0] =	vst.idx.add.s32.msk vm9, v1  }
0x1d3: {  	v5 =	vld [tilespmem:$0xC6C0];
	_ =	sdelay $0x2  }
0x1d4: {  	vm10 =	vnez.u8 v6;
	_ =	sdelay $0x4  }
0x1d5: {  	[tilespmem:v5+s8+$0x0] =	vst.idx.add.s32.msk $0xffff, v1  }
0x1d6: {  	[tilespmem:v5+s9+$0x0] =	vst.idx.add.s32.msk vm10, v1  }
0x1d7: {  	v5 =	vld [tilespmem:$0xC6D0];
	_ =	sdelay $0x7  }
0x1d8: {  	[tilespmem:v5+s8+$0x0] =	vst.idx.add.s32.msk $0xffff, v1  }
0x1d9: {  	[tilespmem:v5+s9+$0x0] =	vst.idx.add.s32.msk vm10, v1  }
0x1da: {  	v5 =	vld [tilespmem:$0xC6E0];
	_ =	sdelay $0x7  }
0x1db: {  	[tilespmem:v5+s8+$0x0] =	vst.idx.add.s32.msk $0xffff, v1  }
0x1dc: {  	[tilespmem:v5+s9+$0x0] =	vst.idx.add.s32.msk vm10, v1  }
0x1dd: {  	v5 =	vld [tilespmem:$0xC6F0];
	_ =	sdelay $0x6  }
0x1de: {  	v6 =	vld [tilespmem:$0x1FFB0]  }
0x1df: {  	[tilespmem:v5+s8+$0x0] =	vst.idx.add.s32.msk $0xffff, v1  }
0x1e0: {  	[tilespmem:v5+s9+$0x0] =	vst.idx.add.s32.msk vm10, v1  }
0x1e1: {  	v5 =	vld [tilespmem:$0xC700];
	_ =	sdelay $0x2  }
0x1e2: {  	vm11 =	vnez.u8 v6;
	_ =	sdelay $0x4  }
0x1e3: {  	[tilespmem:v5+s8+$0x0] =	vst.idx.add.s32.msk $0xffff, v1  }
0x1e4: {  	[tilespmem:v5+s9+$0x0] =	vst.idx.add.s32.msk vm11, v1  }
0x1e5: {  	v5 =	vld [tilespmem:$0xC710];
	_ =	sdelay $0x7  }
0x1e6: {  	[tilespmem:v5+s8+$0x0] =	vst.idx.add.s32.msk $0xffff, v1  }
0x1e7: {  	[tilespmem:v5+s9+$0x0] =	vst.idx.add.s32.msk vm11, v1  }
0x1e8: {  	v5 =	vld [tilespmem:$0xC720];
	_ =	sdelay $0x7  }
0x1e9: {  	[tilespmem:v5+s8+$0x0] =	vst.idx.add.s32.msk $0xffff, v1  }
0x1ea: {  	[tilespmem:v5+s9+$0x0] =	vst.idx.add.s32.msk vm11, v1  }
0x1eb: {  	v5 =	vld [tilespmem:$0xC730];
	_ =	sdelay $0x6  }
0x1ec: {  	v6 =	vld [tilespmem:$0x1FFC0]  }
0x1ed: {  	[tilespmem:v5+s8+$0x0] =	vst.idx.add.s32.msk $0xffff, v1  }
0x1ee: {  	[tilespmem:v5+s9+$0x0] =	vst.idx.add.s32.msk vm11, v1  }
0x1ef: {  	v5 =	vld [tilespmem:$0xC740];
	_ =	sdelay $0x2  }
0x1f0: {  	vm12 =	vnez.u8 v6;
	_ =	sdelay $0x4  }
0x1f1: {  	[tilespmem:v5+s8+$0x0] =	vst.idx.add.s32.msk $0xffff, v1  }
0x1f2: {  	[tilespmem:v5+s9+$0x0] =	vst.idx.add.s32.msk vm12, v1  }
0x1f3: {  	v5 =	vld [tilespmem:$0xC750];
	_ =	sdelay $0x7  }
0x1f4: {  	[tilespmem:v5+s8+$0x0] =	vst.idx.add.s32.msk $0xffff, v1  }
0x1f5: {  	[tilespmem:v5+s9+$0x0] =	vst.idx.add.s32.msk vm12, v1  }
0x1f6: {  	v5 =	vld [tilespmem:$0xC760];
	_ =	sdelay $0x7  }
0x1f7: {  	[tilespmem:v5+s8+$0x0] =	vst.idx.add.s32.msk $0xffff, v1  }
0x1f8: {  	[tilespmem:v5+s9+$0x0] =	vst.idx.add.s32.msk vm12, v1  }
0x1f9: {  	v5 =	vld [tilespmem:$0xC770];
	_ =	sdelay $0x6  }
0x1fa: {  	v6 =	vld [tilespmem:$0x1FFF0]  }
0x1fb: {  	[tilespmem:v5+s8+$0x0] =	vst.idx.add.s32.msk $0xffff, v1  }
0x1fc: {  	[tilespmem:v5+s9+$0x0] =	vst.idx.add.s32.msk vm12, v1  }
0x1fd: {  	v5 =	vld [tilespmem:$0xC780];
	_ =	sdelay $0x2  }
0x1fe: {  	vm13 =	vnez.u8 v6;
	_ =	sdelay $0x4  }
0x1ff: {  	[tilespmem:v5+s8+$0x0] =	vst.idx.add.s32.msk $0xffff, v1  }
0x200: {  	[tilespmem:v5+s9+$0x0] =	vst.idx.add.s32.msk vm13, v1  }
0x201: {  	v5 =	vld [tilespmem:$0xC790];
	_ =	sdelay $0x7  }
0x202: {  	[tilespmem:v5+s8+$0x0] =	vst.idx.add.s32.msk $0xffff, v1  }
0x203: {  	[tilespmem:v5+s9+$0x0] =	vst.idx.add.s32.msk vm13, v1  }
0x204: {  	v5 =	vld [tilespmem:$0xC7A0];
	_ =	sdelay $0x7  }
0x205: {  	[tilespmem:v5+s8+$0x0] =	vst.idx.add.s32.msk $0xffff, v1  }
0x206: {  	[tilespmem:v5+s9+$0x0] =	vst.idx.add.s32.msk vm13, v1  }
0x207: {  	v5 =	vld [tilespmem:$0xC7B0];
	_ =	sdelay $0x7  }
0x208: {  	[tilespmem:v5+s8+$0x0] =	vst.idx.add.s32.msk $0xffff, v1  }
0x209: {  	[tilespmem:v5+s9+$0x0] =	vst.idx.add.s32.msk vm13, v1  }
0x20a: {  	v5 =	vld [tilespmem:$0xC7C0];
	_ =	sdelay $0x2  }
0x20b: {  	vm0 =	vmxor vm13, vm13;
	_ =	sdelay $0x4  }
0x20c: {  	[tilespmem:v5+s8+$0x0] =	vst.idx.add.s32.msk $0xffff, v1  }
0x20d: {  	[tilespmem:v5+s9+$0x0] =	vst.idx.add.s32.msk vm0, v1  }
0x20e: {  	v5 =	vld [tilespmem:$0xC7D0];
	_ =	sdelay $0x7  }
0x20f: {  	[tilespmem:v5+s8+$0x0] =	vst.idx.add.s32.msk $0xffff, v1  }
0x210: {  	[tilespmem:v5+s9+$0x0] =	vst.idx.add.s32.msk vm0, v1  }
0x211: {  	v5 =	vld [tilespmem:$0xC7E0];
	_ =	sdelay $0x7  }
0x212: {  	[tilespmem:v5+s8+$0x0] =	vst.idx.add.s32.msk $0xffff, v1  }
0x213: {  	[tilespmem:v5+s9+$0x0] =	vst.idx.add.s32.msk vm0, v1  }
0x214: {  	v5 =	vld [tilespmem:$0xC7F0];
	_ =	sdelay $0x7  }
0x215: {  	v8 =	vimm.s32 $0x0;
	v9 =	vimm.s32 $0x0;
	[tilespmem:v5+s8+$0x0] =	vst.idx.add.s32.msk $0xffff, v1  }
0x216: {  	v58 =	vimm.s32 $0x0;
	v60 =	vimm.s32 $0x0;
	v62 =	vimm.s32 $0x0;
	[tilespmem:v5+s9+$0x0] =	vst.idx.add.s32.msk vm0, v1  }
0x217: {  	v13 =	vimm.s32 $0x0;
	v19 =	vimm.s32 $0x0;
	v22 =	vimm.s32 $0x0;
	v5 =	vld [tilespmem:s3+$0xC000]  }
0x218: {  	v24 =	vimm.s32 $0x0;
	v26 =	vimm.s32 $0x0;
	v28 =	vimm.s32 $0x0  }
0x219: {  	v30 =	vimm.s32 $0x0;
	v32 =	vimm.s32 $0x0;
	v34 =	vimm.s32 $0x0  }
0x21a: {  	v41 =	vimm.s32 $0x0;
	v46 =	vimm.s32 $0x0;
	v48 =	vimm.s32 $0x0  }
0x21b: {  	v50 =	vimm.s32 $0x0;
	v52 =	vimm.s32 $0x0;
	v54 =	vimm.s32 $0x0  }
0x21c: {  	vm6 =	veq.s32 v5, $0x0;
	vm5 =	veq.s32 v5, $0x1;
	vm3 =	veq.s32 v5, $0x2  }
0x21d: {  	vm2 =	veq.s32 v5, $0x3;
	vm0 =	veq.s32 v5, $0x4;
	v6 =	vsel vm6, $0x1, v0  }
0x21e: {  	vm4 =	veq.s32 v5, $0x5;
	vm7 =	veq.s32 v5, $0x6;
	(xrf0) =	vadd.scan.msk.s32 $0xffff, v6;
	v6 =	vsel vm5, $0x1, v0  }
0x21f: {  	vm1 =	veq.s32 v5, $0x7;
	vm12 =	veq.s32 v5, $0x8;
	(xrf0) =	vadd.scan.msk.s32 $0xffff, v6;
	v6 =	vsel vm3, $0x1, v0  }
0x220: {  	vm15 =	veq.s32 v5, $0x9;
	vm8 =	veq.s32 v5, $0xA;
	(xrf0) =	vadd.scan.msk.s32 $0xffff, v6;
	v6 =	vsel vm2, $0x1, v0  }
0x221: {  	vm14 =	veq.s32 v5, $0xB;
	vm13 =	veq.s32 v5, $0xC;
	(xrf0) =	vadd.scan.msk.s32 $0xffff, v6;
	v6 =	vsel vm0, $0x1, v0  }
0x222: {  	v7 =	vsel vm1, $0x1, v0;
	v8 =	vsel vm8, $0xFFFFFFFF, v8;
	(xrf0) =	vadd.scan.msk.s32 $0xffff, v6;
	v6 =	vsel vm4, $0x1, v0  }
0x223: {  	v55 =	vsel vm8, $0x1, v0;
	v56 =	vsel vm14, $0x1, v0;
	(xrf0) =	vadd.scan.msk.s32 $0xffff, v6;
	v6 =	vsel vm7, $0x1, v0  }
0x224: {  	v9 =	vsel vm13, $0xFFFFFFFF, v9;
	v57 =	vsel vm13, $0x1, v0;
	[tilespmem:$0x1FBA0] =	vst v8;
	v11, _, _ =	vpop (xrf0);
	(xrf0) =	vadd.scan.msk.s32 $0xffff, v6  }
0x225: {  	vm13 =	veq.s32 v5, $0xE;
	[tilespmem:$0x1FBD0] =	vst v9;
	v12, _, _ =	vpop (xrf0);
	(xrf0) =	vadd.scan.msk.s32 $0xffff, v7;
	v7 =	vsel vm12, $0x1, v0  }
0x226: {  	v61 =	vsel vm13, $0x1, v0;
	v11 =	vadd.s32 $0xFFFFFFFF, v11;
	v18, _, _ =	vpop (xrf0);
	(xrf0) =	vadd.scan.msk.s32 $0xffff, v7;
	v7 =	vsel vm15, $0x1, v0  }
0x227: {  	v6 =	vld.idx.msk [tilespmem:v5+s10+$0x0], $0xffff;
	v11 =	vnsel vm6, $0x0, v11;
	v12 =	vadd.s32 $0xFFFFFFFF, v12;
	v35, _, _ =	vpop (xrf0);
	(xrf0) =	vadd.scan.msk.s32 $0xffff, v7;
	v7 =	vimm.s32 $0x0  }
0x228: {  	[tilespmem:v5+s10+$0x0] =	vst.idx.add.s32.msk $0xffff, v1;
	v11 =	vsel vm5, v12, v11;
	v7 =	vsel vm14, $0xFFFFFFFF, v7;
	vm14 =	veq.s32 v5, $0xD  }
0x229: {  	v18 =	vadd.s32 $0xFFFFFFFF, v18;
	v37, _, _ =	vpop (xrf0);
	(xrf0) =	vadd.scan.msk.s32 $0xffff, v55;
	[tilespmem:$0x1FBB0] =	vst v7;
	v7 =	vld [tilespmem:s3+$0xC010];
	v9 =	vsel vm14, $0xFFFFFFFF, v58  }
0x22a: {  	v40, _, _ =	vpop (xrf0);
	(xrf0) =	vadd.scan.msk.s32 $0xffff, v56;
	v59 =	vsel vm14, $0x1, v0;
	vm14 =	veq.s32 v5, $0xF;
	v56 =	vimm.s32 $0x0  }
0x22b: {  	v58 =	vimm.s32 $0x0;
	[tilespmem:$0x1FC00] =	vst v9;
	v43, _, _ =	vpop (xrf0);
	(xrf0) =	vadd.scan.msk.s32 $0xffff, v57;
	v9 =	vsel vm13, $0xFFFFFFFF, v60  }
0x22c: {  	v63 =	vsel vm14, $0x1, v0;
	v60 =	vimm.s32 $0x0;
	[tilespmem:$0x1FC30] =	vst v9;
	v20, _, _ =	vpop (xrf0);
	v9 =	vsel vm14, $0xFFFFFFFF, v62  }
0x22d: {  	(xrf0) =	vadd.scan.msk.s32 $0xffff, v59;
	v62 =	vimm.s32 $0x0;
	[tilespmem:$0x1FC90] =	vst v9;
	v42, _, _ =	vpop (xrf0);
	v20 =	vadd.s32 $0xFFFFFFFF, v20  }
0x22e: {  	(xrf0) =	vadd.scan.msk.s32 $0xffff, v61;
	v42 =	vadd.s32 $0xFFFFFFFF, v42;
	vm13 =	veq.s32 v7, $0x0;
	vm14 =	veq.s32 v7, $0x1  }
0x22f: {  	v38, _, _ =	vpop (xrf0);
	(xrf0) =	vadd.scan.msk.s32 $0xffff, v63;
	v9 =	vsel vm13, $0xFFFFFFFF, v13;
	v14 =	vsel vm13, $0x1, v0;
	v21 =	vsel vm14, $0x1, v0  }
0x230: {  	v17, _, _ =	vpop (xrf0);
	vm13 =	veq.s32 v7, $0x2;
	[tilespmem:$0x1FBC0] =	vst v9;
	v9 =	vsel vm14, $0xFFFFFFFF, v19;
	(xrf0) =	vadd.scan.msk.s32 $0xffff, v14  }
0x231: {  	v23 =	vsel vm13, $0x1, v0;
	vm14 =	veq.s32 v7, $0x3;
	v19 =	vimm.s32 $0x0;
	[tilespmem:$0x1FBE0] =	vst v9  }
0x232: {  	v16, _, _ =	vpop (xrf0);
	v9 =	vsel vm13, $0xFFFFFFFF, v22;
	(xrf0) =	vadd.scan.msk.s32 $0xffff, v21;
	v25 =	vsel vm14, $0x1, v0;
	vm13 =	veq.s32 v7, $0x4  }
0x233: {  	v15, _, _ =	vpop (xrf0);
	v21 =	vimm.s32 $0x0;
	[tilespmem:$0x1FBF0] =	vst v9;
	v9 =	vsel vm14, $0xFFFFFFFF, v24;
	(xrf0) =	vadd.scan.msk.s32 $0xffff, v23  }
0x234: {  	v27 =	vsel vm13, $0x1, v0;
	vm14 =	veq.s32 v7, $0x5;
	[tilespmem:$0x1FC10] =	vst v9;
	v9 =	vsel vm13, $0xFFFFFFFF, v26  }
0x235: {  	v14, _, _ =	vpop (xrf0);
	(xrf0) =	vadd.scan.msk.s32 $0xffff, v25;
	v29 =	vsel vm14, $0x1, v0;
	vm13 =	veq.s32 v7, $0x6;
	[tilespmem:$0x1FC20] =	vst v9  }
0x236: {  	v13, _, _ =	vpop (xrf0);
	v9 =	vsel vm14, $0xFFFFFFFF, v28;
	(xrf0) =	vadd.scan.msk.s32 $0xffff, v27;
	v31 =	vsel vm13, $0x1, v0;
	vm14 =	veq.s32 v7, $0x7  }
0x237: {  	v10, _, _ =	vpop (xrf0);
	[tilespmem:$0x1FC40] =	vst v9;
	v9 =	vsel vm13, $0xFFFFFFFF, v30;
	(xrf0) =	vadd.scan.msk.s32 $0xffff, v29;
	v33 =	vsel vm14, $0x1, v0  }
0x238: {  	vm13 =	veq.s32 v7, $0x8;
	[tilespmem:$0x1FC50] =	vst v9;
	v9 =	vsel vm14, $0xFFFFFFFF, v32;
	v22, _, _ =	vpop (xrf0);
	(xrf0) =	vadd.scan.msk.s32 $0xffff, v31  }
0x239: {  	v8 =	vsel vm13, $0xFFFFFFFF, v34;
	v36 =	vsel vm13, $0x1, v0;
	vm14 =	veq.s32 v7, $0x9;
	[tilespmem:$0x1FC60] =	vst v9  }
0x23a: {  	vm13 =	veq.s32 v7, $0xA;
	[tilespmem:$0x1FC70] =	vst v8;
	v8 =	vld.idx.msk [tilespmem:v7+s10+$0x0], $0xffff;
	v23, _, _ =	vpop (xrf0);
	(xrf0) =	vadd.scan.msk.s32 $0xffff, v33;
	v19 =	vsel vm14, $0xFFFFFFFF, v19  }
0x23b: {  	v39 =	vsel vm14, $0x1, v0;
	[tilespmem:v7+s10+$0x0] =	vst.idx.add.s32.msk $0xffff, v1;
	v44 =	vsel vm13, $0x1, v0;
	vm14 =	veq.s32 v7, $0xB  }
0x23c: {  	[tilespmem:$0x1FC80] =	vst v19;
	v19 =	vsel vm13, $0xFFFFFFFF, v41;
	v21 =	vsel vm14, $0xFFFFFFFF, v21;
	v45 =	vsel vm14, $0x1, v0  }
0x23d: {  	v24, _, _ =	vpop (xrf0);
	(xrf0) =	vadd.scan.msk.s32 $0xffff, v36;
	vm13 =	veq.s32 v7, $0xC;
	vm14 =	veq.s32 v7, $0xD;
	v41 =	vimm.s32 $0x0  }
0x23e: {  	v36 =	vsel vm3, v18, v11;
	[tilespmem:$0x1FCC0] =	vst v21;
	v21 =	vsel vm13, $0xFFFFFFFF, v46;
	v47 =	vsel vm13, $0x1, v0  }
0x23f: {  	v9 =	vld [tilespmem:s3+$0xC020];
	v25, _, _ =	vpop (xrf0);
	(xrf0) =	vadd.scan.msk.s32 $0xffff, v39;
	v49 =	vsel vm14, $0x1, v0;
	vm13 =	veq.s32 v7, $0xE;
	v39 =	vadd.s32 $0xFFFFFFFF, v35  }
0x240: {  	v28, _, _ =	vpop (xrf0);
	(xrf0) =	vadd.scan.msk.s32 $0xffff, v44;
	[tilespmem:$0x1FCF0] =	vst v21;
	v21 =	vsel vm14, $0xFFFFFFFF, v48;
	v51 =	vsel vm13, $0x1, v0  }
0x241: {  	vm14 =	veq.s32 v7, $0xF;
	v39 =	vsel vm2, v39, v36;
	[tilespmem:$0x1FD40] =	vst v21;
	v21 =	vsel vm13, $0xFFFFFFFF, v50  }
0x242: {  	v26, _, _ =	vpop (xrf0);
	(xrf0) =	vadd.scan.msk.s32 $0xffff, v45;
	v53 =	vsel vm14, $0x1, v0;
	v45 =	vimm.s32 $0x0;
	v50 =	vadd.s32 $0xFFFFFFFF, v37  }
0x243: {  	v27, _, _ =	vpop (xrf0);
	(xrf0) =	vadd.scan.msk.s32 $0xffff, v47;
	[tilespmem:$0x1FD70] =	vst v21;
	v21 =	vsel vm14, $0xFFFFFFFF, v52;
	v47 =	vimm.s32 $0x0  }
0x244: {  	vm13 =	veq.s32 v9, $0x0;
	vm14 =	veq.s32 v9, $0x1;
	vm9 =	veq.s32 v9, $0x4  }
0x245: {  	[tilespmem:$0x1FCA0] =	vst v19;
	vm10 =	veq.s32 v9, $0x5;
	vm11 =	veq.s32 v9, $0x6;
	vm5 =	veq.s32 v9, $0x9  }
0x246: {  	[tilespmem:$0x1FDA0] =	vst v21;
	vm6 =	veq.s32 v9, $0xA;
	vm8 =	veq.s32 v9, $0xB;
	v21 =	vsel vm13, $0xFFFFFFFF, v54  }
0x247: {  	v29, _, _ =	vpop (xrf0);
	(xrf0) =	vadd.scan.msk.s32 $0xffff, v49;
	v55 =	vsel vm13, $0x1, v0;
	v57 =	vsel vm14, $0x1, v0;
	vm13 =	veq.s32 v9, $0x2  }
0x248: {  	v30, _, _ =	vpop (xrf0);
	(xrf0) =	vadd.scan.msk.s32 $0xffff, v51;
	v19 =	vsel vm9, $0xFFFFFFFF, v62;
	v63 =	vsel vm9, $0x1, v0;
	v44 =	vsel vm10, $0x1, v0  }
0x249: {  	v11 =	vsel vm11, $0xFFFFFFFF, v45;
	v46 =	vsel vm11, $0x1, v0;
	v51 =	vsel vm5, $0x1, v0;
	[tilespmem:$0x1FCB0] =	vst v21  }
0x24a: {  	v45 =	vimm.s32 $0x0;
	v52 =	vsel vm6, $0x1, v0;
	v54 =	vadd.s32 $0xFFFFFFFF, v40;
	[tilespmem:$0x1FD10] =	vst v19  }
0x24b: {  	vm9 =	veq.s32 v9, $0xC;
	vm11 =	veq.s32 v9, $0xE;
	v21 =	vsel vm14, $0xFFFFFFFF, v56;
	[tilespmem:$0x1FD30] =	vst v11  }
0x24c: {  	v32, _, _ =	vpop (xrf0);
	(xrf0) =	vadd.scan.msk.s32 $0xffff, v53;
	v59 =	vsel vm13, $0x1, v0;
	v19 =	vsel vm10, $0xFFFFFFFF, v41;
	[tilespmem:$0x1FCD0] =	vst v21  }
0x24d: {  	vm14 =	veq.s32 v9, $0x3;
	v41 =	vimm.s32 $0x0;
	v45 =	vsel vm6, $0xFFFFFFFF, v45;
	[tilespmem:$0x1FD20] =	vst v19;
	v11 =	vld.idx.msk [tilespmem:v9+s10+$0x0], $0xffff  }
0x24e: {  	v53 =	vimm.s32 $0x0;
	v56 =	vsel vm9, $0x1, v0;
	v21 =	vsel vm13, $0xFFFFFFFF, v58;
	[tilespmem:v9+s10+$0x0] =	vst.idx.add.s32.msk $0xffff, v1  }
0x24f: {  	vm10 =	veq.s32 v9, $0xD;
	v34, _, _ =	vpop (xrf0);
	(xrf0) =	vadd.scan.msk.s32 $0xffff, v55;
	[tilespmem:$0x1FCE0] =	vst v21;
	v21 =	vsel vm14, $0xFFFFFFFF, v60  }
0x250: {  	v61 =	vsel vm14, $0x1, v0;
	vm13 =	veq.s32 v9, $0x7;
	[tilespmem:$0x1FD90] =	vst v45;
	v33, _, _ =	vpop (xrf0);
	(xrf0) =	vadd.scan.msk.s32 $0xffff, v57  }
0x251: {  	v45 =	vsel vm8, $0xFFFFFFFF, v53;
	v55 =	vimm.s32 $0x0;
	v58 =	vadd.s32 $0xFFFFFFFF, v43;
	v31, _, _ =	vpop (xrf0);
	(xrf0) =	vadd.scan.msk.s32 $0xffff, v59  }
0x252: {  	v35 =	vsel vm13, $0xFFFFFFFF, v47;
	v48 =	vsel vm13, $0x1, v0;
	[tilespmem:$0x1FD00] =	vst v21;
	v21, _, _ =	vpop (xrf0);
	(xrf0) =	vadd.scan.msk.s32 $0xffff, v61  }
0x253: {  	vm14 =	veq.s32 v9, $0x8;
	[tilespmem:$0x1FDB0] =	vst v45;
	v57 =	vimm.s32 $0x0;
	v19, _, _ =	vpop (xrf0);
	(xrf0) =	vadd.scan.msk.s32 $0xffff, v63  }
0x254: {  	v47 =	vimm.s32 $0x0;
	v60 =	vsel vm11, $0x1, v0;
	vm13 =	veq.s32 v9, $0xF;
	v18, _, _ =	vpop (xrf0);
	(xrf0) =	vadd.scan.msk.s32 $0xffff, v44  }
0x255: {  	v12 =	vld [tilespmem:s3+$0xC030];
	[tilespmem:$0x1FD50] =	vst v35;
	v41 =	vsel vm14, $0xFFFFFFFF, v41;
	v49 =	vsel vm14, $0x1, v0;
	v35, _, _ =	vpop (xrf0);
	(xrf0) =	vadd.scan.msk.s32 $0xffff, v46  }
0x256: {  	[tilespmem:$0x1FD60] =	vst v41;
	v41 =	vsel vm9, $0xFFFFFFFF, v55;
	v44 =	vimm.s32 $0x0;
	v36, _, _ =	vpop (xrf0);
	(xrf0) =	vadd.scan.msk.s32 $0xffff, v48  }
0x257: {  	v59 =	vsel vm10, $0x1, v0;
	[tilespmem:$0x1FDC0] =	vst v41;
	v44 =	vsel vm5, $0xFFFFFFFF, v44;
	v37, _, _ =	vpop (xrf0);
	(xrf0) =	vadd.scan.msk.s32 $0xffff, v49  }
0x258: {  	v47 =	vsel vm11, $0xFFFFFFFF, v47;
	[tilespmem:$0x1FD80] =	vst v44;
	v44 =	vsel vm0, v50, v39;
	v39, _, _ =	vpop (xrf0);
	(xrf0) =	vadd.scan.msk.s32 $0xffff, v51  }
0x259: {  	v61 =	vimm.s32 $0x0;
	v46 =	vsel vm8, $0x1, v0;
	v44 =	vsel vm4, v54, v44;
	v40, _, _ =	vpop (xrf0);
	(xrf0) =	vadd.scan.msk.s32 $0xffff, v52  }
0x25a: {  	v45 =	vsel vm13, $0xFFFFFFFF, v61;
	vm14 =	veq.s32 v12, $0x0;
	v41, _, _ =	vpop (xrf0);
	(xrf0) =	vadd.scan.msk.s32 $0xffff, v46;
	v46 =	vsel vm10, $0xFFFFFFFF, v57  }
0x25b: {  	v48 =	vimm.s32 $0x0;
	[tilespmem:$0x1FDE0] =	vst v46;
	v43, _, _ =	vpop (xrf0);
	(xrf0) =	vadd.scan.msk.s32 $0xffff, v56;
	v46 =	vsel vm7, v58, v44  }
0x25c: {  	v62 =	vsel vm13, $0x1, v0;
	[tilespmem:$0x1FE00] =	vst v45;
	v48 =	vsel vm14, $0xFFFFFFFF, v48;
	v44, _, _ =	vpop (xrf0);
	(xrf0) =	vadd.scan.msk.s32 $0xffff, v59  }
0x25d: {  	v49 =	vsel vm14, $0x1, v0;
	vm14 =	veq.s32 v12, $0x1;
	v63 =	vsel vm1, v20, v46;
	v20 =	vld.idx.msk [tilespmem:v12+s10+$0x0], $0xffff;
	v45, _, _ =	vpop (xrf0);
	(xrf0) =	vadd.scan.msk.s32 $0xffff, v60  }
0x25e: {  	v53 =	vadd.s32 $0xFFFFFFFF, v38;
	v50 =	vsel vm14, $0x1, v0;
	[tilespmem:v12+s10+$0x0] =	vst.idx.add.s32.msk $0xffff, v1;
	v46, _, _ =	vpop (xrf0);
	(xrf0) =	vadd.scan.msk.s32 $0xffff, v62  }
0x25f: {  	[tilespmem:$0x1FDF0] =	vst v47;
	vm13 =	veq.s32 v12, $0x2;
	vm11 =	veq.s32 v12, $0x3;
	v52 =	vld [tilespmem:$0xC900];
	v47, _, _ =	vpop (xrf0);
	(xrf0) =	vadd.scan.msk.s32 $0xffff, v49  }
0x260: {  	vm9 =	veq.s32 v12, $0x6;
	vm6 =	veq.s32 v12, $0x8;
	v51 =	vsel vm13, $0x1, v0;
	v49, _, _ =	vpop (xrf0);
	(xrf0) =	vadd.scan.msk.s32 $0xffff, v50  }
0x261: {  	v56 =	vsel vm11, $0x1, v0;
	v42 =	vsel vm12, v42, v63;
	vm12 =	veq.s32 v12, $0x4;
	v50, _, _ =	vpop (xrf0);
	(xrf0) =	vadd.scan.msk.s32 $0xffff, v51  }
0x262: {  	vm8 =	veq.s32 v12, $0x5;
	[tilespmem:$0x1FDD0] =	vst v48;
	v57 =	vsel vm12, $0x1, v0;
	v48, _, _ =	vpop (xrf0);
	(xrf0) =	vadd.scan.msk.s32 $0xffff, v56  }
0x263: {  	v61 =	vsel vm6, $0x1, v0;
	vm10 =	veq.s32 v12, $0x7;
	v58 =	vsel vm8, $0x1, v0;
	v38, _, _ =	vpop (xrf0);
	(xrf0) =	vadd.scan.msk.s32 $0xffff, v57  }
0x264: {  	vm7 =	veq.s32 v12, $0x9;
	v59 =	vsel vm9, $0x1, v0;
	v56 =	vadd.s32 $0x7F, v52;
	(xrf0) =	vadd.scan.msk.s32 $0xffff, v58  }
0x265: {  	v60 =	vsel vm10, $0x1, v0;
	v55 =	vsel vm15, v53, v42;
	v57 =	vand.u32 $0x7F, v56;
	v42, _, _ =	vpop (xrf0);
	(xrf0) =	vadd.scan.msk.s32 $0xffff, v59  }
0x266: {  	v54 =	vsel vm7, $0x1, v0;
	vm15 =	vlt.s32 v56, $0x1;
	vm4 =	vne.s32 v57, $0x0;
	v51, _, _ =	vpop (xrf0);
	(xrf0) =	vadd.scan.msk.s32 $0xffff, v60  }
0x267: {  	vm5 =	veq.s32 v12, $0xA;
	vm0 =	vmand vm15, vm4;
	vm4 =	veq.s32 v12, $0xB;
	v52, _, _ =	vpop (xrf0);
	(xrf0) =	vadd.scan.msk.s32 $0xffff, v61  }
0x268: {  	v62 =	vsel vm5, $0x1, v0;
	v59 =	vsel vm4, $0x1, v0;
	v53, _, _ =	vpop (xrf0);
	(xrf0) =	vadd.scan.msk.s32 $0xffff, v54  }
0x269: {  	vm3 =	veq.s32 v12, $0xC;
	v61 =	vshra.s32 v56, $0x1F;
	v54, _, _ =	vpop (xrf0);
	(xrf0) =	vadd.scan.msk.s32 $0xffff, v62  }
0x26a: {  	vm2 =	veq.s32 v12, $0xD;
	v60 =	vsel vm3, $0x1, v0;
	v57, _, _ =	vpop (xrf0);
	(xrf0) =	vadd.scan.msk.s32 $0xffff, v59  }
0x26b: {  	vm1 =	veq.s32 v12, $0xE;
	v62 =	vsel vm2, $0x1, v0;
	v59, _, _ =	vpop (xrf0);
	(xrf0) =	vadd.scan.msk.s32 $0xffff, v60;
	v60 =	vshrl.u32 v61, $0x19  }
0x26c: {  	v61, _, _ =	vpop (xrf0);
	(xrf0) =	vadd.scan.msk.s32 $0xffff, v62;
	v62 =	vsel vm1, $0x1, v0;
	_ =	sdelay $0x1  }
0x26d: {  	v56 =	vadd.s32 v60, v56;
	v60, _, _ =	vpop (xrf0)  }
0x26e: {  	(xrf0) =	vadd.scan.msk.s32 $0xffff, v62;
	v62, _, _ =	vpop (xrf0);
	[tilespmem:$0x1FB90] =	vst v1  }
0x26f: {  	v1 =	vld [tilespmem:$0x1FBA0];
	_ =	sdelay $0x3  }
0x270: {  	v58 =	vsel vm0, $0xFFFFFFFF, v0;
	vm0 =	veq.s32 v12, $0xF  }
0x271: {  	v63 =	vsel vm0, $0x1, v0;
	vm15 =	vnez.u8 v1;
	v1 =	vld [tilespmem:$0x1FB90]  }
0x272: {  	(xrf0) =	vadd.scan.msk.s32 $0xffff, v63;
	v63 =	vld [tilespmem:$0x1FBB0];
	_ =	sdelay $0x3  }
0x273: {  	v17 =	vadd.s32 $0xFFFFFFFF, v17  }
0x274: {  	v55 =	vsel vm15, v17, v55;
	vm15 =	vnez.u8 v63;
	v63 =	vld [tilespmem:$0x1FBC0];
	_ =	sdelay $0x3  }
0x275: {  	v16 =	vadd.s32 $0xFFFFFFFF, v16  }
0x276: {  	v16 =	vsel vm15, v16, v55;
	vm15 =	vnez.u8 v63;
	v63 =	vld [tilespmem:$0x1FBD0];
	_ =	sdelay $0x3  }
0x277: {  	v22 =	vadd.s32 $0xFFFFFFFF, v22  }
0x278: {  	v22 =	vnsel vm15, $0x0, v22;
	vm15 =	vnez.u8 v63;
	v63 =	vld [tilespmem:$0x1FBE0];
	_ =	sdelay $0x3  }
0x279: {  	v15 =	vadd.s32 $0xFFFFFFFF, v15  }
0x27a: {  	v15 =	vsel vm15, v15, v16;
	vm15 =	vnez.u8 v63;
	v63 =	vld [tilespmem:$0x1FBF0];
	_ =	sdelay $0x3  }
0x27b: {  	v23 =	vadd.s32 $0xFFFFFFFF, v23  }
0x27c: {  	v16 =	vsel vm15, v23, v22;
	vm15 =	vnez.u8 v63;
	v63 =	vld [tilespmem:$0x1FC00];
	_ =	sdelay $0x2  }
0x27d: {  	v22 =	vadd.s32 $0xFFFFFFFF, v24  }
0x27e: {  	v16 =	vsel vm15, v22, v16;
	v22 =	vadd.s32 $0xFFFFFFFF, v25;
	v25 =	vld [tilespmem:$0x1FC10]  }
0x27f: {  	vm15 =	vnez.u8 v63;
	v63 =	vld [tilespmem:$0x1FC20];
	_ =	sdelay $0x2  }
0x280: {  	v14 =	vadd.s32 $0xFFFFFFFF, v14  }
0x281: {  	v14 =	vsel vm15, v14, v15;
	vm15 =	vnez.u8 v25  }
0x282: {  	v15 =	vsel vm15, v22, v16;
	vm15 =	vnez.u8 v63;
	v63 =	vld [tilespmem:$0x1FC30];
	_ =	sdelay $0x3  }
0x283: {  	v16 =	vadd.s32 $0xFFFFFFFF, v28  }
0x284: {  	v15 =	vsel vm15, v16, v15;
	vm15 =	vnez.u8 v63;
	v63 =	vld [tilespmem:$0x1FC40];
	_ =	sdelay $0x3  }
0x285: {  	v13 =	vadd.s32 $0xFFFFFFFF, v13  }
0x286: {  	v28 =	vsel vm15, v13, v14;
	vm15 =	vnez.u8 v63;
	v63 =	vadd.s32 $0xFFFFFFFF, v27;
	v27 =	vld [tilespmem:$0x1FC50];
	_ =	sdelay $0x3  }
0x287: {  	v16 =	vadd.s32 $0xFFFFFFFF, v26  }
0x288: {  	v14 =	vsel vm15, v16, v15;
	vm15 =	vnez.u8 v27  }
0x289: {  	v15 =	vsel vm15, v63, v14;
	v63 =	vld [tilespmem:$0x1FC60];
	_ =	sdelay $0x2  }
0x28a: {  	v56 =	vshra.s32 v56, $0x7;
	_ =	sdelay $0x1  }
0x28b: {  	v17 =	vadd.s32 v58, v56;
	v16 =	vadd.s32 $0xFFFFFFFF, v29;
	vm15 =	vnez.u8 v63;
	v63 =	vld [tilespmem:$0x1FC70]  }
0x28c: {  	v56, _, _ =	vpop (xrf0);
	v15 =	vsel vm15, v16, v15;
	v16 =	vadd.s32 $0xFFFFFFFF, v30;
	v30 =	vadd.s32 $0xFFFFFFFF, v32;
	v32 =	vld [tilespmem:$0x1FC80]  }
0x28d: {  	(xrf0) =	vadd.scan.msk.s32 $0xffff, v17;
	v55, _, _ =	vpop (xrf0)  }
0x28e: {  	v58, _, _ =	vpop (xrf0)  }
0x28f: {  	v23, _, _ =	vpop (xrf0)  }
0x290: {  	v24, _, _ =	vpop (xrf0);
	v25 =	vld [tilespmem:$0xC880];
	vm15 =	vnez.u8 v63  }
0x291: {  	v22, _, _ =	vpop (xrf0);
	v29 =	vld [tilespmem:$0x1FC90];
	v15 =	vsel vm15, v16, v15;
	vm15 =	vnez.u8 v32  }
0x292: {  	v26, _, _ =	vpop (xrf0);
	v15 =	vsel vm15, v30, v15;
	v30 =	vld [tilespmem:$0x1FCA0]  }
0x293: {  	v13, _, _ =	vpop (xrf0)  }
0x294: {  	v14 =	vsub.s32 v13, v17  }
0x295: {  	v27 =	vshll.u32 v14, $0x7  }
0x296: {  	v10 =	vadd.s32 $0xFFFFFFFF, v10;
	v63 =	vadd.s32 v25, v27;
	vm15 =	vnez.u8 v29  }
0x297: {  	[tilespmem:$0xC980] =	vst v63;
	v63 =	vadd.s32 $0xFFFFFFFF, v34;
	v34 =	vld [tilespmem:$0x1FCB0];
	v10 =	vsel vm15, v10, v28;
	vm15 =	vnez.u8 v30  }
0x298: {  	v15 =	vsel vm15, v63, v15;
	v63 =	vld [tilespmem:$0x1FCC0]  }
0x299: {  	v30 =	vld [tilespmem:$0x1FCD0];
	_ =	sdelay $0x2  }
0x29a: {  	v32 =	vadd.s32 $0xFFFFFFFF, v35;
	vm15 =	vnez.u8 v34  }
0x29b: {  	v35 =	vadd.s32 $0xFFFFFFFF, v33;
	v33 =	vld [tilespmem:$0x1FCE0];
	v16 =	vnsel vm15, $0x0, v32;
	vm15 =	vnez.u8 v63  }
0x29c: {  	v36 =	vadd.s32 $0xFFFFFFFF, v36;
	v5 =	vld.idx.msk [tilespmem:v5+s11+$0x0], $0xffff;
	v15 =	vsel vm15, v35, v15;
	vm15 =	vnez.u8 v30  }
0x29d: {  	v16 =	vsel vm15, v36, v16;
	v36 =	vld [tilespmem:$0x1FCF0]  }
0x29e: {  	v32 =	vadd.s32 $0xFFFFFFFF, v37;
	v37 =	vld [tilespmem:$0x1FD00]  }
0x29f: {  	v35 =	vadd.s32 $0xFFFFFFFF, v39;
	v39 =	vadd.s32 $0xFFFFFFFF, v40;
	v40 =	vld [tilespmem:$0x1FD10]  }
0x2a0: {  	v63 =	vld [tilespmem:$0x1FD20]  }
0x2a1: {  	v27 =	vadd.s32 $0xFFFFFFFF, v43;
	v28 =	vld [tilespmem:$0x1FD30];
	vm15 =	vnez.u8 v33  }
0x2a2: {  	v34 =	vadd.s32 $0xFFFFFFFF, v31;
	v30 =	vld [tilespmem:$0x1FD40];
	v16 =	vsel vm15, v32, v16;
	vm15 =	vnez.u8 v36  }
0x2a3: {  	v29 =	vadd.s32 $0xFFFFFFFF, v44;
	v31 =	vld [tilespmem:$0x1FD50];
	v15 =	vsel vm15, v34, v15;
	vm15 =	vnez.u8 v37  }
0x2a4: {  	v5 =	vadd.s32 v6, v5;
	v33 =	vld [tilespmem:$0x1FD60];
	v16 =	vsel vm15, v35, v16;
	vm15 =	vnez.u8 v40  }
0x2a5: {  	v6 =	vadd.s32 $0xFFFFFFFF, v41;
	v36 =	vld [tilespmem:$0x1FD70];
	v16 =	vsel vm15, v39, v16;
	vm15 =	vnez.u8 v63  }
0x2a6: {  	v5 =	vadd.s32 v10, v5;
	v37 =	vld [tilespmem:$0x1FD80];
	v6 =	vsel vm15, v6, v16;
	vm15 =	vnez.u8 v28  }
0x2a7: {  	[tilespmem:$0xCA80] =	vst v5;
	v5 =	vadd.s32 $0xFFFFFFFF, v21;
	v40 =	vld [tilespmem:$0x1FD90];
	v6 =	vsel vm15, v27, v6;
	vm15 =	vnez.u8 v30  }
0x2a8: {  	v44 =	vld [tilespmem:$0x1FDA0];
	v41 =	vadd.s32 $0xFFFFFFFF, v18;
	v5 =	vsel vm15, v5, v15;
	vm15 =	vnez.u8 v31  }
0x2a9: {  	v7 =	vld.idx.msk [tilespmem:v7+s11+$0x0], $0xffff;
	v32 =	vadd.s32 $0xFFFFFFFF, v45;
	v6 =	vsel vm15, v29, v6;
	vm15 =	vnez.u8 v33  }
0x2aa: {  	v34 =	vadd.s32 $0xFFFFFFFF, v19;
	v6 =	vsel vm15, v32, v6;
	vm15 =	vnez.u8 v36  }
0x2ab: {  	v45 =	vld [tilespmem:$0x1FDB0];
	v35 =	vadd.s32 $0xFFFFFFFF, v46;
	v5 =	vsel vm15, v34, v5;
	vm15 =	vnez.u8 v37  }
0x2ac: {  	v39 =	vadd.s32 $0xFFFFFFFF, v47;
	v47 =	vld [tilespmem:$0x1FDC0];
	v6 =	vsel vm15, v35, v6;
	vm15 =	vnez.u8 v40  }
0x2ad: {  	v46 =	vadd.s32 $0xFFFFFFFF, v50;
	v50 =	vld [tilespmem:$0x1FDD0];
	v6 =	vsel vm15, v39, v6;
	vm15 =	vnez.u8 v44  }
0x2ae: {  	v7 =	vadd.s32 v8, v7;
	v5 =	vsel vm15, v41, v5  }
0x2af: {  	v5 =	vadd.s32 v5, v7;
	v7 =	vadd.s32 $0xFFFFFFFF, v52;
	v52 =	vld [tilespmem:$0x1FDE0]  }
0x2b0: {  	v43 =	vadd.s32 $0xFFFFFFFF, v49;
	vm15 =	vnez.u8 v45  }
0x2b1: {  	v6 =	vsel vm15, v43, v6;
	vm15 =	vnez.u8 v47  }
0x2b2: {  	v49 =	vadd.s32 $0xFFFFFFFF, v51;
	v6 =	vsel vm15, v46, v6;
	vm15 =	vnez.u8 v50  }
0x2b3: {  	v8 =	vnsel vm15, $0x0, v49  }
0x2b4: {  	[tilespmem:$0xCA90] =	vst v5;
	v5 =	vadd.s32 $0xFFFFFFFF, v48;
	v7 =	vsel vm14, v7, v8;
	vm14 =	vnez.u8 v52  }
0x2b5: {  	v51 =	vadd.s32 $0xFFFFFFFF, v53;
	v5 =	vsel vm14, v5, v6  }
0x2b6: {  	v6 =	vsel vm13, v51, v7;
	v7 =	vadd.s32 $0xFFFFFFFF, v54;
	v54 =	vadd.s32 $0xFFFFFFFF, v57;
	v57 =	vld [tilespmem:$0x1FDF0];
	_ =	sdelay $0x4  }
0x2b7: {  	v6 =	vsel vm11, v7, v6;
	v7 =	vadd.s32 $0xFFFFFFFF, v38;
	vm13 =	vnez.u8 v57  }
0x2b8: {  	v5 =	vsel vm13, v7, v5;
	v7 =	vadd.s32 $0xFFFFFFFF, v59;
	v59 =	vadd.s32 $0xFFFFFFFF, v61;
	v61 =	vld [tilespmem:$0x1FE00];
	_ =	sdelay $0x1  }
0x2b9: {  	v53 =	vld.idx.msk [tilespmem:v9+s11+$0x0], $0xffff;
	_ =	sdelay $0x1  }
0x2ba: {  	v6 =	vsel vm12, v54, v6  }
0x2bb: {  	v6 =	vsel vm8, v7, v6;
	v7 =	vadd.s32 $0xFFFFFFFF, v42;
	vm14 =	vnez.u8 v61  }
0x2bc: {  	v6 =	vsel vm9, v59, v6;
	v5 =	vsel vm14, v7, v5;
	v7 =	vadd.s32 $0xFFFFFFFF, v60  }
0x2bd: {  	v63 =	vadd.s32 $0xFFFFFFFF, v62;
	v6 =	vsel vm10, v7, v6;
	v7 =	vadd.s32 v11, v53  }
0x2be: {  	v6 =	vsel vm6, v63, v6;
	v5 =	vadd.s32 v5, v7;
	v7 =	vadd.s32 $0xFFFFFFFF, v56  }
0x2bf: {  	v6 =	vsel vm7, v7, v6;
	[tilespmem:$0xCAA0] =	vst v5;
	v5 =	vadd.s32 $0xFFFFFFFF, v55  }
0x2c0: {  	v5 =	vsel vm5, v5, v6;
	v6 =	vadd.s32 $0xFFFFFFFF, v58;
	v7 =	vld.idx.msk [tilespmem:v12+s11+$0x0], $0xffff  }
0x2c1: {  	v5 =	vsel vm4, v6, v5;
	v6 =	vadd.s32 $0xFFFFFFFF, v23  }
0x2c2: {  	v5 =	vsel vm3, v6, v5;
	v6 =	vadd.s32 $0xFFFFFFFF, v24  }
0x2c3: {  	v5 =	vsel vm2, v6, v5;
	v6 =	vadd.s32 $0xFFFFFFFF, v22  }
0x2c4: {  	v5 =	vsel vm1, v6, v5;
	v6 =	vadd.s32 $0xFFFFFFFF, v26  }
0x2c5: {  	v5 =	vsel vm0, v6, v5;
	v6 =	vadd.s32 v20, v7  }
0x2c6: {  	s31 =	rddreg [dreg:$0x8];
	v5 =	vadd.s32 v5, v6  }
0x2c7: {  	s29 =	rddreg [dreg:$0xa];
	[tilespmem:$0xCAB0] =	vst v5  }
0x2c8: {  	[hbm4b:s31+s1] =	stream.linear.scatter [tilespmem:s29], [sflag:$0x3], $0x40, $0x38;
	[tilespmem:$0xCB80] =	vst v63  }
0x2c9: {  	_ =	swait.ge [sflag:s7], $0x40  }
0x2ca: {  	[sflag:s7] =	ssyncset.done $0x0  }
0x2cb: {  	[sflag:s7] =	ssyncadd.s32 $0xFFFFFFC0  }
0x2cc: {  	_ =	swait.ge [sflag:s12], $0xC000  }
0x2cd: {  	[sflag:s12] =	ssyncset.done $0x0  }
0x2ce: {  	[sflag:s12] =	ssyncadd.s32 $0xFFFF4000  }
0x2cf: {  	v5 =	vld [tilespmem:$0xCA80];
	_ =	sdelay $0x4  }
0x2d0: {  	v6 =	vshrl.u32 v5, $0x3  }
0x2d1: {  	v6 =	vmul.u32 $0x30, v6  }
0x2d2: {  	v5 =	vand.u32 $0x7, v5  }
0x2d3: {  	v5 =	vor.u32 v5, v6  }
0x2d4: {  	v6 =	vperm.xlane v5, v2;
	_ =	sdelay $0x1  }
0x2d5: {  	v6 =	vadd.s32 v3, v6;
	_ =	sdelay $0x3  }
0x2d6: {  	vm15 =	vmmov $0xffff;
	v5 =	vperm.xlane v5, v4  }
0x2d7: {  	[hbm4b:s2+s1] =	stream.indirect_vreg.scatter [tilespmem:s1], [sflag:$0x2], $0x80, v6, vm15, $0xb8;
	[tilespmem:$0xCB80] =	vst v63  }
0x2d8: {  	s30 =	rddreg [dreg:$0xb];
	v5 =	vadd.s32 v3, v5  }
0x2d9: {  	[hbm4b:s4+s1] =	stream.indirect_vreg.scatter [tilespmem:s30], [sflag:$0x2], $0x80, v6, vm15, $0xb8;
	[tilespmem:$0xCB80] =	vst v63  }
0x2da: {  	s31 =	rddreg [dreg:$0xc]  }
0x2db: {  	[hbm4b:s5+s1] =	stream.indirect_vreg.scatter [tilespmem:s31], [sflag:$0x2], $0x80, v6, vm15, $0xb8;
	[tilespmem:$0xCB80] =	vst v63  }
0x2dc: {  	s29 =	rddreg [dreg:$0xd]  }
0x2dd: {  	[hbm4b:s2+s1] =	stream.indirect_vreg.scatter [tilespmem:s29], [sflag:$0x2], $0x80, v5, vm15, $0xb8;
	[tilespmem:$0xCB80] =	vst v63  }
0x2de: {  	s30 =	rddreg [dreg:$0xe]  }
0x2df: {  	[hbm4b:s4+s1] =	stream.indirect_vreg.scatter [tilespmem:s30], [sflag:$0x2], $0x80, v5, vm15, $0xb8;
	[tilespmem:$0xCB80] =	vst v63  }
0x2e0: {  	s31 =	rddreg [dreg:$0xf]  }
0x2e1: {  	[hbm4b:s5+s1] =	stream.indirect_vreg.scatter [tilespmem:s31], [sflag:$0x2], $0x80, v5, vm15, $0xb8;
	[tilespmem:$0xCB80] =	vst v63  }
0x2e2: {  	v5 =	vld [tilespmem:$0xCA90];
	_ =	sdelay $0x4  }
0x2e3: {  	v6 =	vshrl.u32 v5, $0x3  }
0x2e4: {  	v6 =	vmul.u32 $0x30, v6  }
0x2e5: {  	v5 =	vand.u32 $0x7, v5  }
0x2e6: {  	v5 =	vor.u32 v5, v6  }
0x2e7: {  	v6 =	vperm.xlane v5, v2;
	_ =	sdelay $0x1  }
0x2e8: {  	v6 =	vadd.s32 v3, v6;
	_ =	sdelay $0x3  }
0x2e9: {  	s29 =	rddreg [dreg:$0x10];
	v5 =	vperm.xlane v5, v4  }
0x2ea: {  	[hbm4b:s2+s1] =	stream.indirect_vreg.scatter [tilespmem:s29], [sflag:$0x2], $0x80, v6, vm15, $0xb8;
	[tilespmem:$0xCB80] =	vst v63  }
0x2eb: {  	s30 =	rddreg [dreg:$0x11];
	v5 =	vadd.s32 v3, v5  }
0x2ec: {  	[hbm4b:s4+s1] =	stream.indirect_vreg.scatter [tilespmem:s30], [sflag:$0x2], $0x80, v6, vm15, $0xb8;
	[tilespmem:$0xCB80] =	vst v63  }
0x2ed: {  	s31 =	rddreg [dreg:$0x12]  }
0x2ee: {  	[hbm4b:s5+s1] =	stream.indirect_vreg.scatter [tilespmem:s31], [sflag:$0x2], $0x80, v6, vm15, $0xb8;
	[tilespmem:$0xCB80] =	vst v63  }
0x2ef: {  	s29 =	rddreg [dreg:$0x13]  }
0x2f0: {  	[hbm4b:s2+s1] =	stream.indirect_vreg.scatter [tilespmem:s29], [sflag:$0x2], $0x80, v5, vm15, $0xb8;
	[tilespmem:$0xCB80] =	vst v63  }
0x2f1: {  	s30 =	rddreg [dreg:$0x14]  }
0x2f2: {  	[hbm4b:s4+s1] =	stream.indirect_vreg.scatter [tilespmem:s30], [sflag:$0x2], $0x80, v5, vm15, $0xb8;
	[tilespmem:$0xCB80] =	vst v63  }
0x2f3: {  	s31 =	rddreg [dreg:$0x15]  }
0x2f4: {  	[hbm4b:s5+s1] =	stream.indirect_vreg.scatter [tilespmem:s31], [sflag:$0x2], $0x80, v5, vm15, $0xb8;
	[tilespmem:$0xCB80] =	vst v63  }
0x2f5: {  	v5 =	vld [tilespmem:$0xCAA0];
	_ =	sdelay $0x4  }
0x2f6: {  	v6 =	vshrl.u32 v5, $0x3  }
0x2f7: {  	v6 =	vmul.u32 $0x30, v6  }
0x2f8: {  	v5 =	vand.u32 $0x7, v5  }
0x2f9: {  	v5 =	vor.u32 v5, v6  }
0x2fa: {  	v6 =	vperm.xlane v5, v2;
	_ =	sdelay $0x1  }
0x2fb: {  	v6 =	vadd.s32 v3, v6;
	_ =	sdelay $0x3  }
0x2fc: {  	v5 =	vperm.xlane v5, v4  }
0x2fd: {  	[hbm4b:s2+s1] =	stream.indirect_vreg.scatter [tilespmem:s13], [sflag:$0x2], $0x80, v6, vm15, $0xb8;
	[tilespmem:$0xCB80] =	vst v63  }
0x2fe: {  	v5 =	vadd.s32 v3, v5  }
0x2ff: {  	[hbm4b:s4+s1] =	stream.indirect_vreg.scatter [tilespmem:s14], [sflag:$0x2], $0x80, v6, vm15, $0xb8;
	[tilespmem:$0xCB80] =	vst v63  }
0x300: {  	_ = 	snop  }
0x301: {  	[hbm4b:s5+s1] =	stream.indirect_vreg.scatter [tilespmem:s15], [sflag:$0x2], $0x80, v6, vm15, $0xb8;
	[tilespmem:$0xCB80] =	vst v63  }
0x302: {  	_ = 	snop  }
0x303: {  	[hbm4b:s2+s1] =	stream.indirect_vreg.scatter [tilespmem:s16], [sflag:$0x2], $0x80, v5, vm15, $0xb8;
	[tilespmem:$0xCB80] =	vst v63  }
0x304: {  	_ = 	snop  }
0x305: {  	[hbm4b:s4+s1] =	stream.indirect_vreg.scatter [tilespmem:s17], [sflag:$0x2], $0x80, v5, vm15, $0xb8;
	[tilespmem:$0xCB80] =	vst v63  }
0x306: {  	_ = 	snop  }
0x307: {  	[hbm4b:s5+s1] =	stream.indirect_vreg.scatter [tilespmem:s18], [sflag:$0x2], $0x80, v5, vm15, $0xb8;
	[tilespmem:$0xCB80] =	vst v63  }
0x308: {  	v5 =	vld [tilespmem:$0xCAB0];
	_ =	sdelay $0x4  }
0x309: {  	v6 =	vshrl.u32 v5, $0x3  }
0x30a: {  	v6 =	vmul.u32 $0x30, v6  }
0x30b: {  	v5 =	vand.u32 $0x7, v5  }
0x30c: {  	v5 =	vor.u32 v5, v6  }
0x30d: {  	v6 =	vperm.xlane v5, v2;
	_ =	sdelay $0x1  }
0x30e: {  	v6 =	vadd.s32 v3, v6;
	_ =	sdelay $0x3  }
0x30f: {  	v5 =	vperm.xlane v5, v4  }
0x310: {  	[hbm4b:s2+s1] =	stream.indirect_vreg.scatter [tilespmem:s19], [sflag:$0x2], $0x80, v6, vm15, $0xb8;
	[tilespmem:$0xCB80] =	vst v63  }
0x311: {  	v5 =	vadd.s32 v3, v5  }
0x312: {  	[hbm4b:s4+s1] =	stream.indirect_vreg.scatter [tilespmem:s20], [sflag:$0x2], $0x80, v6, vm15, $0xb8;
	[tilespmem:$0xCB80] =	vst v63  }
0x313: {  	_ = 	snop  }
0x314: {  	[hbm4b:s5+s1] =	stream.indirect_vreg.scatter [tilespmem:s21], [sflag:$0x2], $0x80, v6, vm15, $0xb8;
	[tilespmem:$0xCB80] =	vst v63  }
0x315: {  	_ = 	snop  }
0x316: {  	[hbm4b:s2+s1] =	stream.indirect_vreg.scatter [tilespmem:s22], [sflag:$0x2], $0x80, v5, vm15, $0xb8;
	[tilespmem:$0xCB80] =	vst v63  }
0x317: {  	_ = 	snop  }
0x318: {  	[hbm4b:s4+s1] =	stream.indirect_vreg.scatter [tilespmem:s23], [sflag:$0x2], $0x80, v5, vm15, $0xb8;
	[tilespmem:$0xCB80] =	vst v63  }
0x319: {  	_ = 	snop  }
0x31a: {  	vm0 =	vgt.s32 @!p1 v17, $0x0;
	[hbm4b:s5+s1] =	stream.indirect_vreg.scatter [tilespmem:s24], [sflag:$0x2], $0x80, v5, vm15, $0xb8;
	[tilespmem:$0xCB80] =	vst v63  }
0x31b: {  	_ =	swait.ge [sflag:s25], $0xC000  }
0x31c: {  	[sflag:s25] =	ssyncset.done $0x0  }
0x31d: {  	v5 =	vimm.s32 @!p1 $0x0;
	[sflag:s25] =	ssyncadd.s32 $0xFFFF4000  }
0x31e: {  	[tilespmem:$0xCA00] =	vst @!p1 v5  }
0x31f: {  	s26 =	simm.s32 @!p1 $0xCA00;
	[tilespmem:$0xCA10] =	vst @!p1 v5;
	v5 =	vlaneseq.u32 @!p1  }
0x320: {  	[tilespmem:v14+s26+$0x0] =	vst.idx.msk @!p1 vm0, v5  }
0x321: {  	v5 =	vld @!p1 [tilespmem:$0xCA00];
	_ =	sdelay $0x4  }
0x322: {  	v5 =	vxor.u32 @!p1 $0x80000000, v5  }
0x323: {  	(xrf0) =	vmax.scan.msk.u32 @!p1 $0xffff, v5;
	_ =	sdelay $0x5  }
0x324: {  	v5, _, _ =	vpop @!p1 (xrf0)  }
0x325: {  	(xrf0) =	vmax.scan.msk.u32 @!p1 $0xffff, v5;
	_ =	sdelay $0x5  }
0x326: {  	v6, _, _ =	vpop @!p1 (xrf0)  }
0x327: {  	(v2sf) =	vpush @!p1 v6, $0xF;
	_ =	sdelay $0x2  }
0x328: {  	v6 =	vld @!p1 [tilespmem:$0xCA10];
	_ =	sdelay $0x4  }
0x329: {  	v6 =	vxor.u32 @!p1 $0x80000000, v6  }
0x32a: {  	(xrf0) =	vmax.scan.msk.u32 @!p1 $0xffff, v6;
	_ =	sdelay $0x5  }
0x32b: {  	v5 =	vxor.u32 @!p1 $0x80000000, v5;
	v6, _, _ =	vpop @!p1 (xrf0);
	s26 =	spop @!p1 (v2sf)  }
0x32c: {  	[tilespmem:$0xCB00] =	vst @!p1 v5;
	v5 =	vbroadcast @!p1 v13, $0xF;
	v6 =	vxor.u32 @!p1 $0x80000000, v6;
	s26 =	sxor.u32 @!p1 $0x80000000, s26  }
0x32d: {  	s6 =	sadd.s32 $0xFFFFFFFF, s6;
	vm0 =	vgt.s32 @!p1 v6, s26  }
0x32e: {  	p0 =	sne.s32 s6, $0x0;
	[tilespmem:$0xCB20] =	vst @!p1 v5;
	v6 =	vnsel @!p1 vm0, s26, v6  }
0x32f: {  	s28 =	simm.s32 @!p1 $0x0;
	s29 =	simm.s32 @!p1 $0xCB00;
	s26 =	rddreg [dreg:$0x6];
	[tilespmem:$0xCB10] =	vst @!p1 v6  }
0x330: {  	[hbm4b:s26+s28] =	stream.linear.scatter @!p1 [tilespmem:s29], [sflag:$0x3], $0x80, $0x38;
	[tilespmem:$0xCB80] =	vst v63  }
.Ltmp0:
0x331: {  	_ = 	snop;
	(pc) =	sbr.rel @p0 .LBB2_1-.Ltmp0, $4  }
0x332: {  	s26 =	simm.s32 @!p1 $0x3  }
0x333: {  	_ =	swait.ge @!p1 [sflag:s26], $0x80  }
0x334: {  	[sflag:s26] =	ssyncset.done @!p1 $0x0  }
0x335: {  	[sflag:s26] =	ssyncadd.s32 @!p1 $0xFFFFFF80  }
0x336: {  	_ =	sfence.sel $0x180000  }
0x337: {  	[bflag:$0x0] =	sbarrier.arrive $0xFFFF  }
0x338: {  	_ =	strace $0x90000047  }
0x339: {  	s0 =	sadd.s32 @!p2 $0x100000, s0;
	[bflag:$0x2] =	sbarrier.arrive $0xFFFF  }
0x33a: {  	[sflag:s0] =	ssyncadd.tile.s32 @!p2 $0x1;
	_ =	shalt  }
.Lfunc_end2:
_tile_overlayer_lowered:
.L_overlay_start_2:
0x33b: {  	(tag) =	ssettag $0x2  }
0x33c: {  	s0 =	rddreg [dreg:$0x0];
	s2 =	stileid.u32  }
0x33d: {  	s1 =	rddreg [dreg:$0x1];
	p0 =	sne.s32 s2, $0x0  }
0x33e: {  	s3 =	rddreg [dreg:$0x2];
	[bflag:$0x3] =	sbarrier.arrive $0xFFFF;
	s2 =	simm.s32 @!p0 $0x1C03  }
0x33f: {  	[timem:s3], [sflag:s2] =	dma.local @!p0 [hbm:s0], s1  }
0x340: {  	s0 =	simm.s32 @!p0 $0x3  }
0x341: {  	_ =	swait.ge @!p0 [sflag:s0], s1  }
0x342: {  	s1 =	ssub.s32 @!p0 $0x0, s1;
	[sflag:s0] =	ssyncset.done @!p0 $0x0  }
0x343: {  	[sflag:s0] =	ssyncadd.s32 @!p0 s1  }
0x344: {  	[bflag:$0x3] =	sbarrier.arrive $0xFFFF  }
0x345: {  	_ =	shalt  }

// kernel: kernel.9.cloned.1.call-start
scs
__scs_entry_jumppad:
0x0: {  	(pc) =	sbr.rel $0x88, $3  }
0x1: {  	(tag) =	ssettag $0x0;
	lr =	simm.s32 $0x1  }
0x2: {  	[smem:$0x3F99] =	sst lr;
	_ =	strace $0xD0000000  }
0x3: {  	_ = 	snop  }
0x4: {  	_ = 	snop  }
0x5: {  	_ = 	snop  }
0x6: {  	_ = 	snop  }
0x7: {  	_ = 	snop  }
__scs_overlays_trampoline_lowered:
0x8: {  	[smem:$0x3FA8] =	sst s0  }
0x9: {  	[smem:$0x3FA9] =	sst s1  }
0xa: {  	[smem:$0x3FAA] =	sst s2  }
0xb: {  	[smem:$0x3FAB] =	sst s3  }
0xc: {  	[smem:$0x3FAC] =	sst s4  }
0xd: {  	[smem:$0x3FAD] =	sst s5  }
0xe: {  	[smem:$0x3FAE] =	sst s6  }
0xf: {  	[smem:$0x3FAF] =	sst s7  }
0x10: {  	[smem:$0x3FB0] =	sst s8  }
0x11: {  	[smem:$0x3FB1] =	sst s9;
	s0 =	simm.s32 @!p0 $0x0  }
0x12: {  	s1 =	sld [smem:$0x3F97];
	s0 =	simm.s32 @p0 $0x1  }
0x13: {  	[smem:$0x3FB2] =	sst s0;
	s0 =	simm.s32 @!p1 $0x0  }
0x14: {  	s2 =	sld [smem:$0x3F96];
	s0 =	simm.s32 @p1 $0x1  }
0x15: {  	[smem:$0x3FB3] =	sst s0;
	s0 =	simm.s32 @!p2 $0x0  }
0x16: {  	s3 =	sld [smem:$0x3FDB];
	s0 =	simm.s32 @p2 $0x1  }
0x17: {  	s4 =	simm.s32 $0x1BF5;
	[smem:$0x3FB5] =	sst s0  }
0x18: {  	s0 =	sld [smem:$0x3F98];
	_ =	swait.ge [sflag:s4], $0x0  }
0x19: {  	s7 =	sld [smem:$0x3F99]  }
0x1a: {  	s8 =	sadd.s32 $0xFFFFE003, lr  }
0x1b: {  	s9 =	sadd.s32 $0xFFFFFEF7, lr;
	s5 =	simm.s32 $0xFFFFFFFF;
	p2 =	slt.u32 s8, $0xFFFFF086  }
0x1c: {  	p1 =	slt.u32 s9, $0xF7A;
	s5 =	simm.s32 @!p2 $0x0  }
0x1d: {  	s5 =	simm.s32 @p1 $0x1;
	p0 =	seq.s32 s7, s2  }
0x1e: {  	s7 =	smul.u32 @!p0 $0xF7A, s2;
	p2 =	seq.s32 @!p0 s5, $0x0  }
0x1f: {  	s9 =	smul.u32 $0xF7A, s1;
	s8 =	simm.s32 @!p0 $0x1BF5;
	p2 =	por !p2, p0  }
0x20: {  	[sflag:s8] =	ssyncset.s32 @!p0 $0xFFFFF086;
	s6 =	sadd.s32 @!p0 s3, s7;
	s7 =	simm.s32 @!p0 $0x108  }
0x21: {  	s3 =	sadd.s32 s3, s9;
	s6 =	sadd.s32 @!p0 $0x88, s6;
	s7 =	simm.s32 @p2 $0x1082  }
0x22: {  	[simem:s7], [sflag:s8] =	dma.local @!p0 [hbm:s6], $0xF7A  }
0x23: {  	s9 =	sor.u32 $0xD0000000, s2;
	s6 =	simm.s32 $0x108;
	_ =	swait.ge @!p0 [sflag:s8], $0x0  }
0x24: {  	s3 =	sadd.s32 $0x88, s3;
	s6 =	simm.s32 @!p1 $0x1082;
	[sflag:s4] =	ssyncset.s32 $0xFFFFF086  }
0x25: {  	[simem:s6], [sflag:s4] =	dma.local [hbm:s3], $0xF7A  }
0x26: {  	[smem:$0x3F99] =	sst s1;
	(tag) =	ssettag s2;
	_ =	strace s9  }
0x27: {  	s1 =	sld [smem:$0x3FA9]  }
0x28: {  	s2 =	sld [smem:$0x3FAA]  }
0x29: {  	s4 =	sld [smem:$0x3FAC]  }
0x2a: {  	p0 =	seq.s32 s5, $0x0;
	s5 =	sld [smem:$0x3FAD]  }
0x2b: {  	s6 =	sld [smem:$0x3FAE]  }
0x2c: {  	s7 =	sld [smem:$0x3FAF]  }
0x2d: {  	s3 =	simm.s32 $0x108;
	s8 =	sld [smem:$0x3FB0]  }
0x2e: {  	s3 =	simm.s32 @!p0 $0x1082;
	s9 =	sld [smem:$0x3FB1]  }
0x2f: {  	lr =	sadd.s32 s0, s3;
	s0 =	sld [smem:$0x3FA8]  }
0x30: {  	s3 =	sld [smem:$0x3FAB]  }
0x31: {  	[smem:$0x3FB4] =	sst s10  }
0x32: {  	s10 =	sld [smem:$0x3FB2];
	_ =	sdelay $0x3  }
0x33: {  	p0 =	seq.s32 s10, $0x1;
	s10 =	sld [smem:$0x3FB4];
	_ =	sdelay $0x3  }
0x34: {  	[smem:$0x3FB4] =	sst s10  }
0x35: {  	s10 =	sld [smem:$0x3FB3];
	_ =	sdelay $0x3  }
0x36: {  	p1 =	seq.s32 s10, $0x1;
	s10 =	sld [smem:$0x3FB4];
	_ =	sdelay $0x3  }
0x37: {  	[smem:$0x3FB4] =	sst s10  }
0x38: {  	s10 =	sld [smem:$0x3FB5]  }
0x39: {  	_ = 	snop;
	(pc) =	sbr.ind lr, $3  }
0x3a: {  	_ = 	snop  }
0x3b: {  	_ = 	snop  }
0x3c: {  	p2 =	seq.s32 s10, $0x1;
	s10 =	sld [smem:$0x3FB4]  }
0x3d: {  	_ =	shalt  }
0x3e: {  	_ =	shalt  }
0x3f: {  	_ =	shalt  }
0x40: {  	_ =	shalt  }
0x41: {  	_ =	shalt  }
0x42: {  	_ =	shalt  }
0x43: {  	_ =	shalt  }
0x44: {  	_ =	shalt  }
0x45: {  	_ =	shalt  }
0x46: {  	_ =	shalt  }
0x47: {  	_ =	shalt  }
0x48: {  	_ =	shalt  }
0x49: {  	_ =	shalt  }
0x4a: {  	_ =	shalt  }
0x4b: {  	_ =	shalt  }
0x4c: {  	_ =	shalt  }
0x4d: {  	_ =	shalt  }
0x4e: {  	_ =	shalt  }
0x4f: {  	_ =	shalt  }
0x50: {  	_ =	shalt  }
0x51: {  	_ =	shalt  }
0x52: {  	_ =	shalt  }
0x53: {  	_ =	shalt  }
0x54: {  	_ =	shalt  }
0x55: {  	_ =	shalt  }
0x56: {  	_ =	shalt  }
0x57: {  	_ =	shalt  }
0x58: {  	_ =	shalt  }
0x59: {  	_ =	shalt  }
0x5a: {  	_ =	shalt  }
0x5b: {  	_ =	shalt  }
0x5c: {  	_ =	shalt  }
0x5d: {  	_ =	shalt  }
0x5e: {  	_ =	shalt  }
0x5f: {  	_ =	shalt  }
0x60: {  	_ =	shalt  }
0x61: {  	_ =	shalt  }
0x62: {  	_ =	shalt  }
0x63: {  	_ =	shalt  }
0x64: {  	_ =	shalt  }
0x65: {  	_ =	shalt  }
0x66: {  	_ =	shalt  }
0x67: {  	_ =	shalt  }
0x68: {  	_ =	shalt  }
0x69: {  	_ =	shalt  }
0x6a: {  	_ =	shalt  }
0x6b: {  	_ =	shalt  }
0x6c: {  	_ =	shalt  }
0x6d: {  	_ =	shalt  }
0x6e: {  	_ =	shalt  }
0x6f: {  	_ =	shalt  }
0x70: {  	_ =	shalt  }
0x71: {  	_ =	shalt  }
0x72: {  	_ =	shalt  }
0x73: {  	_ =	shalt  }
0x74: {  	_ =	shalt  }
0x75: {  	_ =	shalt  }
0x76: {  	_ =	shalt  }
0x77: {  	_ =	shalt  }
0x78: {  	_ =	shalt  }
0x79: {  	_ =	shalt  }
0x7a: {  	_ =	shalt  }
0x7b: {  	_ =	shalt  }
0x7c: {  	_ =	shalt  }
0x7d: {  	_ =	shalt  }
0x7e: {  	_ =	shalt  }
0x7f: {  	_ =	shalt  }
0x80: {  	_ =	shalt  }
0x81: {  	_ =	shalt  }
0x82: {  	_ =	shalt  }
0x83: {  	_ =	shalt  }
0x84: {  	_ =	shalt  }
0x85: {  	_ =	shalt  }
0x86: {  	_ =	shalt  }
0x87: {  	_ =	shalt  }
.Lfunc_end0:
.L_simem_size_0:
called_computation.1_lowered:
.L_overlay_start_0:
0x88: {  	s2 =	sld [smem:$0x3FD9]  }
0x89: {  	s3 =	sld [smem:$0x3FFE];
	_ =	sdelay $0x1  }
0x8a: {  	s1 =	srdreg.scid  }
0x8b: {  	s0 =	sand.u32 $0x1, s1  }
0x8c: {  	s14 =	sshll.u32 s0, $0xA;
	s2 =	sadd.s32 s3, s2  }
0x8d: {  	s2 =	sadd.s32 s2, s14  }
0x8e: {  	[smem:$0x3FC0] =	sst s2  }
0x8f: {  	_ = 	snop  }
0x90: {  	s2 =	sld [smem:$0x3FD0];
	_ =	sdelay $0x2  }
0x91: {  	s15 =	simm.s32 $0xA;
	s4 =	simm.s32 $0x10  }
0x92: {  	[smem:s4], [sflag:s15] =	dma.local [hbm:s2], $0x1  }
0x93: {  	_ =	swait.eq [sflag:s15], $0x1  }
0x94: {  	[sflag:s15] =	ssyncset.done $0x0  }
0x95: {  	[sflag:s15] =	ssyncadd.s32 $0xFFFFFFFF  }
0x96: {  	s16 =	sld [smem:$0x10];
	(tm) =	ssettm $0x1  }
0x97: {  	s17 =	sld [smem:$0x3FFB];
	_ =	sdelay $0x3  }
0x98: {  	_ =	strace s17  }
0x99: {  	s3 =	sld [smem:$0x3FFC];
	_ =	sdelay $0x3  }
0x9a: {  	_ =	strace s3  }
0x9b: {  	s3 =	sld [smem:$0x3FFD];
	_ =	sdelay $0x3  }
0x9c: {  	_ =	strace s3  }
0x9d: {  	_ =	strace $0x8FFFFFFF  }
0x9e: {  	s18 =	sld [smem:$0x3FDB];
	_ =	sdelay $0x1  }
0x9f: {  	s19 =	simm.s32 $_scs_section_size  }
0xa0: {  	s5 =	simm.s32 $_size__tile_overlayer_lowered;
	s6 =	simm.s32 $_tile_overlayer_lowered  }
0xa1: {  	s22 =	simm.s32 $0x1BFF;
	s21 =	sshll.u32 s6, $0x1;
	s3 =	sadd.s32 s19, s18  }
0xa2: {  	s7 =	simm.s32 $0x0;
	s20 =	sshll.u32 s5, $0x1;
	s5 =	sadd.s32 s21, s3  }
0xa3: {  	[timem:s7], [sflag:s22] =	dma.local [hbm:s5], s20  }
0xa4: {  	_ =	swait.ge [sflag:s22], s20  }
0xa5: {  	s4 =	ssub.s32 $0x0, s20;
	[sflag:s22] =	ssyncset.done $0x0  }
0xa6: {  	[sflag:s22] =	ssyncadd.s32 s4;
	_ =	sdelay $0x1  }
0xa7: {  	s23 =	simm.s32 $0x1B8B  }
0xa8: {  	_ =	swait.ge [sflag:s23], $0x1  }
0xa9: {  	[sflag:s23] =	ssyncset.done $0x0  }
0xaa: {  	s25 =	simm.s32 $0x1B8E;
	s24 =	sld [smem:$0x3FFE];
	[sflag:s23] =	ssyncadd.s32 $0xFFFFFFFF  }
0xab: {  	s26 =	simm.s32 $execute0_lowered;
	[smem:$0x3FD2] =	sst s25  }
0xac: {  	s5 =	sshll.u32 s26, $0x1;
	_ =	strace $0x80000049;
	[dreg:$0x1] =	wrdreg $0xFFFFFFFF  }
0xad: {  	s28 =	simm.s32 $_size_execute0_lowered;
	s3 =	sadd.s32 s3, s5;
	[dreg:$0x0] =	wrdreg $0x0  }
0xae: {  	s5 =	sshll.u32 s28, $0x1;
	[dreg:$0x2] =	wrdreg s3  }
0xaf: {  	[dreg:$0x3] =	wrdreg s5  }
0xb0: {  	[dreg:$0x4] =	wrdreg $0xC0  }
0xb1: {  	_ =	task [dreg:s7], $0x5FFFF  }
0xb2: {  	[dreg:$0x1] =	wrdreg $0xFFFFFFFF  }
0xb3: {  	[dreg:$0x0] =	wrdreg $0x60  }
0xb4: {  	[dreg:$0x2] =	wrdreg s24  }
0xb5: {  	[dreg:$0x3] =	wrdreg s16  }
0xb6: {  	[dreg:$0x4] =	wrdreg $0x9  }
0xb7: {  	_ =	task.clear_ibuf [dreg:s7], $0x5FFFF;
	_ =	strace $0x90000049  }
0xb8: {  	s29 =	simm.s32 $0x9;
	_ =	strace $0x8000004B  }
0xb9: {  	_ =	swait.ge [sflag:s29], $0x1  }
0xba: {  	[sflag:s29] =	ssyncadd.s32 $0xFFFFFFFF  }
0xbb: {  	_ =	strace $0x9000004B  }
0xbc: {  	_ =	sfence  }
0xbd: {  	s30 =	sld [smem:$0x0];
	_ =	sdelay $0x2  }
0xbe: {  	s31 =	sshll.u32 s1, $0xD;
	s1 =	sshrl.u32 s1, $0x2  }
0xbf: {  	s3 =	sand.u32 $0x4000, s31;
	s1 =	sadd.s32 s1, s30  }
0xc0: {  	s0 =	sor.u32 s3, s0;
	s1 =	sshll.u32 s1, $0x11  }
0xc1: {  	s0 =	sor.u32 s1, s0  }
0xc2: {  	s0 =	sadd.s32 $0x8F2B, s0  }
0xc3: {  	[sflag:s0] =	ssyncadd.remote.s32 $0x1  }
0xc4: {  	_ =	sfence.sel $0xFFFF  }
0xc5: {  	[dreg:$0x0] =	wrdreg $0xFFFFFFFF;
	(pc) =	sbr.abs _section_cstart, $3  }
0xc6: {  	[dreg:$0x1] =	wrdreg $0xFFFFFFFF  }
0xc7: {  	_ =	task.clear_ibuf [dreg:s7], $0x2FFFF;
	_ =	strace $0x9FFFFFFF  }
0xc8: {  	(tm) =	ssettm $0x7FFFFFFF  }
0xc9: {  	_ =	shalt  }
tec
execute0_lowered:
.L_overlay_start_1:
0x0: {  	(tag) =	ssettag $0x1  }
0x1: {  	s0 =	rddreg [dreg:$0x0]  }
0x2: {  	s5 =	rddreg [dreg:$0x1];
	s3 =	srdreg.scid  }
0x3: {  	s2 =	simm.s32 $0x0;
	s1 =	stileid.u32;
	s26 =	simm.s32 $0x880  }
0x4: {  	s10 =	simm.s32 $0x1880;
	s11 =	simm.s32 $0x2080;
	s12 =	simm.s32 $0x2880  }
0x5: {  	s13 =	simm.s32 $0x3080;
	s14 =	simm.s32 $0x3880;
	s15 =	simm.s32 $0x4080  }
0x6: {  	s16 =	simm.s32 $0x4880;
	s17 =	simm.s32 $0x5080;
	s18 =	simm.s32 $0x5880  }
0x7: {  	s19 =	simm.s32 $0x6080;
	s20 =	simm.s32 $0x6880;
	s21 =	simm.s32 $0x7080  }
0x8: {  	s22 =	simm.s32 $0x7880;
	s28 =	simm.s32 $0xA080;
	s29 =	simm.s32 $0xA880  }
0x9: {  	s30 =	simm.s32 $0xB080;
	s31 =	simm.s32 $0xB880;
	s3 =	sand.u32 $0x1, s3  }
0xa: {  	[smem:$0x7FF] =	sst s2;
	s4 =	sshll.u32 s1, $0x4;
	s6 =	sshll.u32 s3, $0x3  }
0xb: {  	_ =	strace $0x8000004A;
	s23 =	ssub.s32 $0x2, s3;
	s3 =	sadd.s32 $0x1E00, s0  }
0xc: {  	[dreg:$0x5] =	wrdreg s26;
	s26 =	simm.s32 $0x9880;
	s4 =	sor.u32 s6, s4  }
0xd: {  	s8 =	sshrl.u32 s23, $0x1;
	s7 =	sadd.s32 s4, s0;
	s9 =	smul.u32 $0x300, s4  }
0xe: {  	s6 =	ssub.s32 s23, s8;
	s4 =	sadd.s32 $0x1F00, s0;
	s8 =	simm.s32 $0x80  }
0xf: {  	s23 =	simm.s32 $0x8080;
	s24 =	sadd.s32 $0x61E00, s7;
	s6 =	smax.u32 s6, $0x1  }
0x10: {  	v2 =	vlaneseq.u32;
	s7 =	simm.s32 $0x2;
	[dreg:$0x3] =	wrdreg s24;
	s25 =	sadd.s32 s5, s9  }
0x11: {  	vm0 =	vmmov $0xffff;
	v1 =	vshrl.u32 v2, $0x3;
	s5 =	sadd.s32 $0x2000, s0;
	s9 =	simm.s32 $0x1080;
	s24 =	simm.s32 $0x8880  }
0x12: {  	v0 =	vand.u32 $0x7, v2;
	v2 =	vor.u32 $0x8, v2;
	v1 =	vmul.u32 $0x8, v1;
	s0 =	simm.s32 $0x1;
	[dreg:$0x4] =	wrdreg s25;
	s25 =	simm.s32 $0x9080  }
.LBB2_1:
0x13: {  	s1 =	rddreg [dreg:$0x3]  }
0x14: {  	[tilespmem:s2], [sflag:$0x2] =	stream.linear.gather [hbm4b:s1+s2], $0x40, $0x38;
	[tilespmem:$0xC080] =	vst v63  }
0x15: {  	_ =	swait.ge [sflag:s7], $0x40  }
0x16: {  	[sflag:s7] =	ssyncset.done $0x0  }
0x17: {  	[sflag:s7] =	ssyncadd.s32 $0xFFFFFFC0  }
0x18: {  	v3 =	vld [tilespmem:$0x0];
	_ =	sdelay $0x4  }
0x19: {  	v4 =	vshrl.u32 v3, $0x3  }
0x1a: {  	v4 =	vmul.u32 $0x30, v4  }
0x1b: {  	v3 =	vand.u32 $0x7, v3  }
0x1c: {  	v3 =	vor.u32 v3, v4  }
0x1d: {  	v4 =	vperm.xlane v3, v0;
	_ =	sdelay $0x1  }
0x1e: {  	v4 =	vadd.s32 v1, v4;
	_ =	sdelay $0x3  }
0x1f: {  	v3 =	vperm.xlane v3, v2  }
0x20: {  	[tilespmem:s8], [sflag:$0x1] =	stream.indirect_vreg.gather [hbm4b:s3+s2], $0x80, v4, vm0, $0xb8;
	[tilespmem:$0xC080] =	vst v63  }
0x21: {  	s1 =	rddreg [dreg:$0x5];
	v3 =	vadd.s32 v1, v3  }
0x22: {  	[tilespmem:s1], [sflag:$0x1] =	stream.indirect_vreg.gather [hbm4b:s4+s2], $0x80, v4, vm0, $0xb8;
	[tilespmem:$0xC080] =	vst v63  }
0x23: {  	_ = 	snop  }
0x24: {  	[tilespmem:s9], [sflag:$0x1] =	stream.indirect_vreg.gather [hbm4b:s5+s2], $0x80, v4, vm0, $0xb8;
	[tilespmem:$0xC080] =	vst v63  }
0x25: {  	_ = 	snop  }
0x26: {  	[tilespmem:s10], [sflag:$0x1] =	stream.indirect_vreg.gather [hbm4b:s3+s2], $0x80, v3, vm0, $0xb8;
	[tilespmem:$0xC080] =	vst v63  }
0x27: {  	_ = 	snop  }
0x28: {  	[tilespmem:s11], [sflag:$0x1] =	stream.indirect_vreg.gather [hbm4b:s4+s2], $0x80, v3, vm0, $0xb8;
	[tilespmem:$0xC080] =	vst v63  }
0x29: {  	_ = 	snop  }
0x2a: {  	[tilespmem:s12], [sflag:$0x1] =	stream.indirect_vreg.gather [hbm4b:s5+s2], $0x80, v3, vm0, $0xb8;
	[tilespmem:$0xC080] =	vst v63  }
0x2b: {  	v3 =	vld [tilespmem:$0x10];
	_ =	sdelay $0x4  }
0x2c: {  	v61 =	vshrl.u32 v3, $0x3  }
0x2d: {  	v4 =	vmul.u32 $0x30, v61  }
0x2e: {  	v3 =	vand.u32 $0x7, v3  }
0x2f: {  	v3 =	vor.u32 v3, v4  }
0x30: {  	v4 =	vperm.xlane v3, v0;
	_ =	sdelay $0x1  }
0x31: {  	v4 =	vadd.s32 v1, v4;
	_ =	sdelay $0x3  }
0x32: {  	v3 =	vperm.xlane v3, v2  }
0x33: {  	[tilespmem:s13], [sflag:$0x1] =	stream.indirect_vreg.gather [hbm4b:s3+s2], $0x80, v4, vm0, $0xb8;
	[tilespmem:$0xC080] =	vst v63  }
0x34: {  	v3 =	vadd.s32 v1, v3  }
0x35: {  	[tilespmem:s14], [sflag:$0x1] =	stream.indirect_vreg.gather [hbm4b:s4+s2], $0x80, v4, vm0, $0xb8;
	[tilespmem:$0xC080] =	vst v63  }
0x36: {  	_ = 	snop  }
0x37: {  	[tilespmem:s15], [sflag:$0x1] =	stream.indirect_vreg.gather [hbm4b:s5+s2], $0x80, v4, vm0, $0xb8;
	[tilespmem:$0xC080] =	vst v63  }
0x38: {  	_ = 	snop  }
0x39: {  	[tilespmem:s16], [sflag:$0x1] =	stream.indirect_vreg.gather [hbm4b:s3+s2], $0x80, v3, vm0, $0xb8;
	[tilespmem:$0xC080] =	vst v63  }
0x3a: {  	_ = 	snop  }
0x3b: {  	[tilespmem:s17], [sflag:$0x1] =	stream.indirect_vreg.gather [hbm4b:s4+s2], $0x80, v3, vm0, $0xb8;
	[tilespmem:$0xC080] =	vst v63  }
0x3c: {  	_ = 	snop  }
0x3d: {  	[tilespmem:s18], [sflag:$0x1] =	stream.indirect_vreg.gather [hbm4b:s5+s2], $0x80, v3, vm0, $0xb8;
	[tilespmem:$0xC080] =	vst v63  }
0x3e: {  	v3 =	vld [tilespmem:$0x20];
	_ =	sdelay $0x4  }
0x3f: {  	v62 =	vshrl.u32 v3, $0x3  }
0x40: {  	v4 =	vmul.u32 $0x30, v62  }
0x41: {  	v3 =	vand.u32 $0x7, v3  }
0x42: {  	v3 =	vor.u32 v3, v4  }
0x43: {  	v4 =	vperm.xlane v3, v0;
	_ =	sdelay $0x1  }
0x44: {  	v4 =	vadd.s32 v1, v4;
	_ =	sdelay $0x3  }
0x45: {  	v3 =	vperm.xlane v3, v2  }
0x46: {  	[tilespmem:s19], [sflag:$0x1] =	stream.indirect_vreg.gather [hbm4b:s3+s2], $0x80, v4, vm0, $0xb8;
	[tilespmem:$0xC080] =	vst v63  }
0x47: {  	v3 =	vadd.s32 v1, v3  }
0x48: {  	[tilespmem:s20], [sflag:$0x1] =	stream.indirect_vreg.gather [hbm4b:s4+s2], $0x80, v4, vm0, $0xb8;
	[tilespmem:$0xC080] =	vst v63  }
0x49: {  	_ = 	snop  }
0x4a: {  	[tilespmem:s21], [sflag:$0x1] =	stream.indirect_vreg.gather [hbm4b:s5+s2], $0x80, v4, vm0, $0xb8;
	[tilespmem:$0xC080] =	vst v63  }
0x4b: {  	_ = 	snop  }
0x4c: {  	[tilespmem:s22], [sflag:$0x1] =	stream.indirect_vreg.gather [hbm4b:s3+s2], $0x80, v3, vm0, $0xb8;
	[tilespmem:$0xC080] =	vst v63  }
0x4d: {  	_ = 	snop  }
0x4e: {  	[tilespmem:s23], [sflag:$0x1] =	stream.indirect_vreg.gather [hbm4b:s4+s2], $0x80, v3, vm0, $0xb8;
	[tilespmem:$0xC080] =	vst v63  }
0x4f: {  	_ = 	snop  }
0x50: {  	[tilespmem:s24], [sflag:$0x1] =	stream.indirect_vreg.gather [hbm4b:s5+s2], $0x80, v3, vm0, $0xb8;
	[tilespmem:$0xC080] =	vst v63  }
0x51: {  	v3 =	vld [tilespmem:$0x30];
	_ =	sdelay $0x4  }
0x52: {  	v63 =	vshrl.u32 v3, $0x3  }
0x53: {  	v4 =	vmul.u32 $0x30, v63  }
0x54: {  	v3 =	vand.u32 $0x7, v3  }
0x55: {  	v3 =	vor.u32 v3, v4  }
0x56: {  	v4 =	vperm.xlane v3, v0;
	_ =	sdelay $0x1  }
0x57: {  	v4 =	vadd.s32 v1, v4;
	_ =	sdelay $0x3  }
0x58: {  	v3 =	vperm.xlane v3, v2  }
0x59: {  	[tilespmem:s25], [sflag:$0x1] =	stream.indirect_vreg.gather [hbm4b:s3+s2], $0x80, v4, vm0, $0xb8;
	[tilespmem:$0xC080] =	vst v63  }
0x5a: {  	v3 =	vadd.s32 v1, v3  }
0x5b: {  	[tilespmem:s26], [sflag:$0x1] =	stream.indirect_vreg.gather [hbm4b:s4+s2], $0x80, v4, vm0, $0xb8;
	[tilespmem:$0xC080] =	vst v63  }
0x5c: {  	_ = 	snop  }
0x5d: {  	[tilespmem:s28], [sflag:$0x1] =	stream.indirect_vreg.gather [hbm4b:s5+s2], $0x80, v4, vm0, $0xb8;
	[tilespmem:$0xC080] =	vst v63  }
0x5e: {  	_ = 	snop  }
0x5f: {  	[tilespmem:s29], [sflag:$0x1] =	stream.indirect_vreg.gather [hbm4b:s3+s2], $0x80, v3, vm0, $0xb8;
	[tilespmem:$0xC080] =	vst v63  }
0x60: {  	_ = 	snop  }
0x61: {  	[tilespmem:s30], [sflag:$0x1] =	stream.indirect_vreg.gather [hbm4b:s4+s2], $0x80, v3, vm0, $0xb8;
	[tilespmem:$0xC080] =	vst v63  }
0x62: {  	_ = 	snop  }
0x63: {  	[tilespmem:s31], [sflag:$0x1] =	stream.indirect_vreg.gather [hbm4b:s5+s2], $0x80, v3, vm0, $0xb8;
	[tilespmem:$0xC080] =	vst v63  }
0x64: {  	_ =	swait.ge [sflag:s0], $0xC000  }
0x65: {  	p0 =	sne.s32 s6, $0x1;
	[sflag:s0] =	ssyncset.done $0x0  }
.Ltmp0:
0x66: {  	s1 =	rddreg [dreg:$0x4];
	[sflag:s0] =	ssyncadd.s32 $0xFFFF4000;
	(pc) =	sbr.rel @p0 .LBB2_1-.Ltmp0, $4  }
0x67: {  	[hbm4b:s1+s2] =	stream.linear.scatter [tilespmem:s8], [sflag:$0x2], $0xC000, $0x38;
	[tilespmem:$0xC080] =	vst v63  }
0x68: {  	_ =	swait.ge [sflag:s7], $0xC000  }
0x69: {  	[sflag:s7] =	ssyncset.done $0x0  }
0x6a: {  	s6 =	sadd.s32 $0xFFFFFFFF, s6;
	[sflag:s7] =	ssyncadd.s32 $0xFFFF4000  }
0x6b: {  	_ =	sfence.sel $0x180000  }
0x6c: {  	[bflag:$0x0] =	sbarrier.arrive $0xFFFF  }
0x6d: {  	_ =	strace $0x9000004A  }
0x6e: {  	s0 =	stileid.u32;
	[bflag:$0x2] =	sbarrier.arrive $0xFFFF  }
0x6f: {  	p0 =	sne.s32 s0, $0x0;
	s0 =	rddreg [dreg:$0x2]  }
0x70: {  	s0 =	sadd.s32 @!p0 $0x100000, s0  }
0x71: {  	[sflag:s0] =	ssyncadd.tile.s32 @!p0 $0x1;
	_ =	shalt  }
.Lfunc_end2:
_tile_overlayer_lowered:
.L_overlay_start_2:
0x72: {  	(tag) =	ssettag $0x2  }
0x73: {  	s0 =	rddreg [dreg:$0x0];
	s2 =	stileid.u32  }
0x74: {  	s1 =	rddreg [dreg:$0x1];
	p0 =	sne.s32 s2, $0x0  }
0x75: {  	s3 =	rddreg [dreg:$0x2];
	[bflag:$0x3] =	sbarrier.arrive $0xFFFF;
	s2 =	simm.s32 @!p0 $0x1C02  }
0x76: {  	[timem:s3], [sflag:s2] =	dma.local @!p0 [hbm:s0], s1  }
0x77: {  	s0 =	simm.s32 @!p0 $0x2  }
0x78: {  	_ =	swait.ge @!p0 [sflag:s0], s1  }
0x79: {  	s1 =	ssub.s32 @!p0 $0x0, s1;
	[sflag:s0] =	ssyncset.done @!p0 $0x0  }
0x7a: {  	[sflag:s0] =	ssyncadd.s32 @!p0 s1  }
0x7b: {  	[bflag:$0x3] =	sbarrier.arrive $0xFFFF  }
0x7c: {  	_ =	shalt  }

</sc_bundles>
